<compile_context>
chip_gen: v7x
topology: tpu7x:2x2x1
jax: 0.10.2.dev20260603
libtpu: 0.0.44.dev20260713+nightly
codegen_flags: <defaults>
</compile_context>

<pallas_src>
import functools

import jax
import jax.numpy as jnp
from jax import lax
from jax.experimental import pallas as pl
from jax.experimental.pallas import tpu as pltpu
from jax.experimental.pallas import tpu_sc as plsc

N = 10000
E = 160000
D = 128
H = 32
Z = 16

NC, NS = 2, 16
NW = NC * NS
EPW = E // NW
C = 1000
NCHUNK = EPW // C
RPT = 632


def _sc_mesh():
    return plsc.VectorSubcoreMesh(
        core_axis_name="c", subcore_axis_name="s", num_cores=NC, num_subcores=NS
    )



def _deg_body(dst_hbm, ones_hbm, zeros_hbm, out_hbm, didx_v, ones_v, acc_sh, sem):
    c = lax.axis_index("c")
    s = lax.axis_index("s")
    wid = c * NS + s

    @pl.when(s == 0)
    def _init():
        pltpu.sync_copy(zeros_hbm, acc_sh)

    pltpu.sync_copy(ones_hbm, ones_v)
    plsc.subcore_barrier()
    for k in range(NCHUNK):
        base = wid * EPW + k * C
        pltpu.sync_copy(dst_hbm.at[pl.ds(base, C)], didx_v)
        pltpu.sync_copy(ones_v, acc_sh.at[didx_v], add=True)
    plsc.subcore_barrier()

    @pl.when(s == 0)
    def _drain():
        pltpu.sync_copy(acc_sh, out_hbm.at[c])


def _degree_partials(dst, ones_c, zeros_n):
    fn = pl.kernel(
        _deg_body,
        out_type=jax.ShapeDtypeStruct((NC, N), jnp.float32),
        mesh=_sc_mesh(),
        scratch_types=[
            pltpu.VMEM((C,), jnp.int32),
            pltpu.VMEM((C,), jnp.float32),
            pltpu.VMEM_SHARED((N,), jnp.float32),
            pltpu.SemaphoreType.DMA,
        ],
        name="sc_degree",
        compiler_params=pltpu.CompilerParams(use_tc_tiling_on_sc=False),
    )
    return fn(dst, ones_c, zeros_n)


def _edge_body(F, h_hbm, src_hbm, dst_hbm, zeros_hbm, out_hbm,
               sidx_v, didx_v, rows_v, acc_sh, sem):
    c = lax.axis_index("c")
    s = lax.axis_index("s")
    wid = c * NS + s

    row0 = jnp.minimum(s * RPT, N - RPT)
    pltpu.sync_copy(zeros_hbm.at[pl.ds(row0, RPT)], acc_sh.at[pl.ds(row0, RPT)])
    plsc.subcore_barrier()
    for k in range(NCHUNK):
        base = wid * EPW + k * C
        pltpu.sync_copy(src_hbm.at[pl.ds(base, C)], sidx_v)
        pltpu.sync_copy(dst_hbm.at[pl.ds(base, C)], didx_v)
        pltpu.async_copy(h_hbm.at[sidx_v], rows_v, sem).wait()
        pltpu.sync_copy(rows_v, acc_sh.at[didx_v], add=True)
    plsc.subcore_barrier()
    pltpu.sync_copy(acc_sh.at[pl.ds(row0, RPT)],
                    out_hbm.at[c, pl.ds(row0, RPT)])


def _edge_pass(h, src, dst, zeros_nf, F):
    fn = pl.kernel(
        functools.partial(_edge_body, F),
        out_type=jax.ShapeDtypeStruct((NC, N, F), jnp.float32),
        mesh=_sc_mesh(),
        scratch_types=[
            pltpu.VMEM((C,), jnp.int32),
            pltpu.VMEM((C,), jnp.int32),
            pltpu.VMEM((C, F), jnp.float32),
            pltpu.VMEM_SHARED((N, F), jnp.float32),
            pltpu.SemaphoreType.DMA,
        ],
        name=f"sc_edge_pass_f{F}",
        compiler_params=pltpu.CompilerParams(use_tc_tiling_on_sc=False),
    )
    return fn(h, src, dst, zeros_nf)



R = 2048
GR = (N + R - 1) // R


def _dis_from(degp_ref):
    deg = jnp.maximum(degp_ref[0, :] + degp_ref[1, :], 1.0)
    return lax.rsqrt(deg)


def _stage0_body(x_ref, w0_ref, wf_ref, degp_ref, g0_ref, h1f_ref):
    dis = _dis_from(degp_ref)
    xw = jnp.dot(x_ref[...], w0_ref[...], preferred_element_type=jnp.float32)
    g0_ref[...] = xw * dis[:, None]
    h1f_ref[...] = jnp.maximum(
        jnp.dot(x_ref[...], wf_ref[...], preferred_element_type=jnp.float32), 0.0)


def _stage0(x, W_gc0, W_feat0, degp):
    return pl.pallas_call(
        _stage0_body,
        grid=(GR,),
        in_specs=[
            pl.BlockSpec((R, D), lambda i: (i, 0)),
            pl.BlockSpec((D, H), lambda i: (0, 0)),
            pl.BlockSpec((D, H), lambda i: (0, 0)),
            pl.BlockSpec((NC, R), lambda i: (0, i)),
        ],
        out_specs=[
            pl.BlockSpec((R, H), lambda i: (i, 0)),
            pl.BlockSpec((R, H), lambda i: (i, 0)),
        ],
        out_shape=[
            jax.ShapeDtypeStruct((N, H), jnp.float32),
            jax.ShapeDtypeStruct((N, H), jnp.float32),
        ],
    )(x, W_gc0, W_feat0, degp)


def _stage_mid_body(p_ref, degp_ref, h1f_ref, w_ref, g_ref):
    dis = _dis_from(degp_ref)
    agg = p_ref[0] + p_ref[1]
    h = jnp.maximum(agg * dis[:, None], 0.0) + h1f_ref[...]
    g_ref[...] = jnp.dot(h, w_ref[...], preferred_element_type=jnp.float32) * dis[:, None]


def _stage_mid(p, degp, h1f, W, Fout):
    return pl.pallas_call(
        _stage_mid_body,
        grid=(GR,),
        in_specs=[
            pl.BlockSpec((NC, R, H), lambda i: (0, i, 0)),
            pl.BlockSpec((NC, R), lambda i: (0, i)),
            pl.BlockSpec((R, H), lambda i: (i, 0)),
            pl.BlockSpec((H, Fout), lambda i: (0, 0)),
        ],
        out_specs=pl.BlockSpec((R, Fout), lambda i: (i, 0)),
        out_shape=jax.ShapeDtypeStruct((N, Fout), jnp.float32),
    )(p, degp, h1f, W)


BI = 1024
BJ = 512


def _rec_body(p_i, dg_i, p_j, dg_j, out_ref):
    def z_of(p_ref, dg_ref):
        dis = _dis_from(dg_ref)
        return (p_ref[0] + p_ref[1]) * dis[:, None]

    zi = z_of(p_i, dg_i)
    zj = z_of(p_j, dg_j)
    out_ref[...] = lax.dot_general(
        zi, zj, (((1,), (1,)), ((), ())), preferred_element_type=jnp.float32)


def _decoder(p3, degp):
    gi = (N + BI - 1) // BI
    gj = (N + BJ - 1) // BJ
    return pl.pallas_call(
        _rec_body,
        grid=(gi, gj),
        in_specs=[
            pl.BlockSpec((NC, BI, Z), lambda i, j: (0, i, 0)),
            pl.BlockSpec((NC, BI), lambda i, j: (0, i)),
            pl.BlockSpec((NC, BJ, Z), lambda i, j: (0, j, 0)),
            pl.BlockSpec((NC, BJ), lambda i, j: (0, j)),
        ],
        out_specs=pl.BlockSpec((BI, BJ), lambda i, j: (i, j)),
        out_shape=jax.ShapeDtypeStruct((N, N), jnp.float32),
    )(p3, degp, p3, degp)



def kernel(x, edge_index, W_gc0, W_feat0, W_feat1, W_gc1, W_gc2):
    src = edge_index[0]
    dst = edge_index[1]
    ones_c = jnp.ones((C,), jnp.float32)
    zeros_n = jnp.zeros((N,), jnp.float32)
    zeros_nh = jnp.zeros((N, H), jnp.float32)
    zeros_nz = jnp.zeros((N, Z), jnp.float32)

    degp = _degree_partials(dst, ones_c, zeros_n)
    g0, h1f = _stage0(x, W_gc0, W_feat0, degp)
    p1 = _edge_pass(g0, src, dst, zeros_nh, H)
    g1 = _stage_mid(p1, degp, h1f, W_gc1, H)
    p2 = _edge_pass(g1, src, dst, zeros_nh, H)
    g2 = _stage_mid(p2, degp, h1f, W_gc2, Z)
    p3 = _edge_pass(g2, src, dst, zeros_nz, Z)
    return _decoder(p3, degp)

# --- scband reference (transcript-rebuilt; emitter-appended) ---
"""Pipeline reference for scband-deep-gcnmodel-ae-res-feature-coordinate-ae-42855183679833 (READ-ONLY COPY).

The authoritative reference and input builder live on the scoring server;
editing this copy changes nothing except your own understanding.
"""

import jax, jax.numpy as jnp
import numpy as np

N = 10000
E = 160000
D = 128
H = 32
Z = 16

def _glorot(key, fan_in, fan_out):
    limit = np.sqrt(6.0 / (fan_in + fan_out))
    return jax.random.uniform(key, (fan_in, fan_out), dtype=jnp.float32, minval=-limit, maxval=limit)

def setup_inputs(seed: int = 0):
    key = jax.random.key(seed)
    ks = jax.random.split(key, 8)
    x = jax.random.normal(ks[0], (N, D), dtype=jnp.float32)
    edge_index = jax.random.randint(ks[1], (2, E), 0, N, dtype=jnp.int32)
    W_gc0 = _glorot(ks[2], D, H)
    W_feat0 = _glorot(ks[3], D, H)
    W_feat1 = _glorot(ks[4], H, D)
    W_gc1 = _glorot(ks[5], H, H)
    W_gc2 = _glorot(ks[6], H, Z)
    return {"x": x, "edge_index": edge_index, "W_gc0": W_gc0, "W_feat0": W_feat0, "W_feat1": W_feat1, "W_gc1": W_gc1, "W_gc2": W_gc2}

def reference(x, edge_index, W_gc0, W_feat0, W_feat1, W_gc1, W_gc2):
    src = edge_index[0]
    dst = edge_index[1]
    # symmetric-normalized adjacency (GCN-style): w_ij = 1/sqrt(deg_i*deg_j)
    deg = jnp.clip(jnp.bincount(dst, length=N).astype(jnp.float32), 1.0, None)
    dis = jax.lax.rsqrt(deg)
    w = dis[src] * dis[dst]
    def A(h):
        msg = jnp.take(h, src, axis=0) * w[:, None]
        return jax.ops.segment_sum(msg, dst, num_segments=N)
    # GraphConvolutionSparse: relu(A (x W))
    h1_ = jax.nn.relu(A(x @ W_gc0))
    # TraditionalLayer_SparseInput: relu(x W)
    h1f = jax.nn.relu(x @ W_feat0)
    # TraditionalLayer: relu(h1f W) -> feature reconstruction (side output)
    feat_rec = jax.nn.relu(h1f @ W_feat1)
    # CoordinateOutput: coordinate-wise (elementwise) residual combination, identity act
    h1 = h1_ + h1f
    # GraphConvolution: relu(A (h1 W))
    h2_ = jax.nn.relu(A(h1 @ W_gc1))
    h2 = h2_ + h1f
    # z_mean: A (h2 W), identity act
    z = A(h2 @ W_gc2)
    # InnerProductDecoder: z z^T, identity act
    rec = z @ z.T
    return rec

if __name__ == "__main__":
    import jax
    _d = setup_inputs()
    print(jax.jit(kernel)(*tuple(_d.values())))

</pallas_src>

<mosaic_0001>
#map = affine_map<(d0, d1) -> (0)>
#map1 = affine_map<(d0, d1) -> (0, 0)>
module attributes {stable_mosaic.version = 14 : i64} {
  func.func @sc_degree(%arg0: i32, %arg1: i32, %arg2: memref<160000xi32, #tpu.memory_space<hbm>>, %arg3: memref<1000xf32, #tpu.memory_space<hbm>>, %arg4: memref<10000xf32, #tpu.memory_space<hbm>>, %arg5: memref<2x10000xf32, #tpu.memory_space<hbm>>, %arg6: memref<1000xi32, #tpu.memory_space<vmem>>, %arg7: memref<1000xf32, #tpu.memory_space<vmem>>, %arg8: memref<10000xf32, #tpu.memory_space<vmem_shared>>, %arg9: memref<!tpu.dma_semaphore, #tpu.memory_space<semaphore_mem>>) attributes {dimension_semantics = [#tpu.dimension_semantics<core_parallel>, #tpu.dimension_semantics<subcore_parallel>], iteration_bounds = array<i64: 2, 16>, scalar_prefetch = 0 : i64, scratch_operands = 4 : i64, tpu.core_type = #tpu.core_type<sc_vector_subcore>, window_params = [{transform_indices = #map}, {transform_indices = #map}, {transform_indices = #map}, {transform_indices = #map1}]} {
    %mul3A = arith.constant 16 : i32
    %mul3A_0 = arith.muli %arg0, %mul3A : i32
    %add3A = arith.addi %mul3A_0, %arg1 : i32
    %eq3A = arith.constant 0 : i32
    %eq3A_1 = arith.cmpi eq, %arg1, %eq3A : i32
    %convert_element_type3A = arith.extui %eq3A_1 : i1 to i32
    %cond3A = arith.constant 0 : i32
    %cond3A_2 = arith.cmpi ne, %convert_element_type3A, %cond3A : i32
    scf.if %cond3A_2 {
      "tpu.region"() ({
        %run_scoped3A = tpu.sem_alloc : memref<!tpu.dma_semaphore, #tpu.memory_space<semaphore_mem>>
        tpu.enqueue_dma source(%arg4 : memref<10000xf32, #tpu.memory_space<hbm>>) target(%arg8 : memref<10000xf32, #tpu.memory_space<vmem_shared>>) target_semaphore(%run_scoped3A : memref<!tpu.dma_semaphore, #tpu.memory_space<semaphore_mem>>)
        tpu.wait_dma2 semaphore(%run_scoped3A : memref<!tpu.dma_semaphore, #tpu.memory_space<semaphore_mem>>) src(%arg4 : memref<10000xf32, #tpu.memory_space<hbm>>) dst(%arg8 : memref<10000xf32, #tpu.memory_space<vmem_shared>>)
        tpu.yield
      }) : () -> ()
    } else {
    }
    "tpu.region"() ({
      %run_scoped3A = tpu.sem_alloc : memref<!tpu.dma_semaphore, #tpu.memory_space<semaphore_mem>>
      tpu.enqueue_dma source(%arg3 : memref<1000xf32, #tpu.memory_space<hbm>>) target(%arg7 : memref<1000xf32, #tpu.memory_space<vmem>>) target_semaphore(%run_scoped3A : memref<!tpu.dma_semaphore, #tpu.memory_space<semaphore_mem>>)
      tpu.wait_dma2 semaphore(%run_scoped3A : memref<!tpu.dma_semaphore, #tpu.memory_space<semaphore_mem>>) src(%arg3 : memref<1000xf32, #tpu.memory_space<hbm>>) dst(%arg7 : memref<1000xf32, #tpu.memory_space<vmem>>)
      tpu.yield
    }) : () -> ()
    %barrier3A = arith.constant 0 : index
    tpu.barrier barrier_id(%barrier3A)
    %mul3A_3 = arith.constant 5000 : i32
    %mul3A_4 = arith.muli %add3A, %mul3A_3 : i32
    %add3A_5 = arith.constant 0 : i32
    %add3A_6 = arith.addi %mul3A_4, %add3A_5 : i32
    "tpu.region"() ({
      %run_scoped3A = tpu.sem_alloc : memref<!tpu.dma_semaphore, #tpu.memory_space<semaphore_mem>>
      %dma_start3A = tpu.memref_slice %arg2[%add3A_6] : memref<160000xi32, #tpu.memory_space<hbm>> -> memref<1000xi32, #tpu.memory_space<hbm>>
      %dma_start3A_29 = tpu.memref_slice %arg2[%add3A_6] : memref<160000xi32, #tpu.memory_space<hbm>> -> memref<1000xi32, #tpu.memory_space<hbm>>
      tpu.enqueue_dma source(%dma_start3A_29 : memref<1000xi32, #tpu.memory_space<hbm>>) target(%arg6 : memref<1000xi32, #tpu.memory_space<vmem>>) target_semaphore(%run_scoped3A : memref<!tpu.dma_semaphore, #tpu.memory_space<semaphore_mem>>)
      %dma_wait3A = tpu.memref_slice %arg2[%add3A_6] : memref<160000xi32, #tpu.memory_space<hbm>> -> memref<1000xi32, #tpu.memory_space<hbm>>
      %dma_wait3A_30 = tpu.memref_slice %arg2[%add3A_6] : memref<160000xi32, #tpu.memory_space<hbm>> -> memref<1000xi32, #tpu.memory_space<hbm>>
      tpu.wait_dma2 semaphore(%run_scoped3A : memref<!tpu.dma_semaphore, #tpu.memory_space<semaphore_mem>>) src(%dma_wait3A_30 : memref<1000xi32, #tpu.memory_space<hbm>>) dst(%arg6 : memref<1000xi32, #tpu.memory_space<vmem>>)
      tpu.yield
    }) : () -> ()
    "tpu.region"() ({
      %run_scoped3A = tpu.sem_alloc : memref<!tpu.dma_semaphore, #tpu.memory_space<semaphore_mem>>
      %dma_start3A = arith.constant 0 : i32
      %dma_start3A_29 = tpu.memref_slice %arg8[%dma_start3A] : memref<10000xf32, #tpu.memory_space<vmem_shared>> -> memref<10000xf32, #tpu.memory_space<vmem_shared>>
      tpu.enqueue_indirect_dma source(%arg7 : memref<1000xf32, #tpu.memory_space<vmem>>) target(%dma_start3A_29 : memref<10000xf32, #tpu.memory_space<vmem_shared>>) offsets(%arg6 : memref<1000xi32, #tpu.memory_space<vmem>>) semaphore(%run_scoped3A : memref<!tpu.dma_semaphore, #tpu.memory_space<semaphore_mem>>) {add = true}
      %dma_wait3A = arith.constant 0 : i32
      %dma_wait3A_30 = tpu.memref_slice %arg8[%dma_wait3A] : memref<10000xf32, #tpu.memory_space<vmem_shared>> -> memref<10000xf32, #tpu.memory_space<vmem_shared>>
      tpu.wait_indirect_dma semaphore(%run_scoped3A : memref<!tpu.dma_semaphore, #tpu.memory_space<semaphore_mem>>) src(%arg7 : memref<1000xf32, #tpu.memory_space<vmem>>) dst(%dma_wait3A_30 : memref<10000xf32, #tpu.memory_space<vmem_shared>>)
      tpu.yield
    }) : () -> ()
    %mul3A_7 = arith.constant 5000 : i32
    %mul3A_8 = arith.muli %add3A, %mul3A_7 : i32
    %add3A_9 = arith.constant 1000 : i32
    %add3A_10 = arith.addi %mul3A_8, %add3A_9 : i32
    "tpu.region"() ({
      %run_scoped3A = tpu.sem_alloc : memref<!tpu.dma_semaphore, #tpu.memory_space<semaphore_mem>>
      %dma_start3A = tpu.memref_slice %arg2[%add3A_10] : memref<160000xi32, #tpu.memory_space<hbm>> -> memref<1000xi32, #tpu.memory_space<hbm>>
      %dma_start3A_29 = tpu.memref_slice %arg2[%add3A_10] : memref<160000xi32, #tpu.memory_space<hbm>> -> memref<1000xi32, #tpu.memory_space<hbm>>
      tpu.enqueue_dma source(%dma_start3A_29 : memref<1000xi32, #tpu.memory_space<hbm>>) target(%arg6 : memref<1000xi32, #tpu.memory_space<vmem>>) target_semaphore(%run_scoped3A : memref<!tpu.dma_semaphore, #tpu.memory_space<semaphore_mem>>)
      %dma_wait3A = tpu.memref_slice %arg2[%add3A_10] : memref<160000xi32, #tpu.memory_space<hbm>> -> memref<1000xi32, #tpu.memory_space<hbm>>
      %dma_wait3A_30 = tpu.memref_slice %arg2[%add3A_10] : memref<160000xi32, #tpu.memory_space<hbm>> -> memref<1000xi32, #tpu.memory_space<hbm>>
      tpu.wait_dma2 semaphore(%run_scoped3A : memref<!tpu.dma_semaphore, #tpu.memory_space<semaphore_mem>>) src(%dma_wait3A_30 : memref<1000xi32, #tpu.memory_space<hbm>>) dst(%arg6 : memref<1000xi32, #tpu.memory_space<vmem>>)
      tpu.yield
    }) : () -> ()
    "tpu.region"() ({
      %run_scoped3A = tpu.sem_alloc : memref<!tpu.dma_semaphore, #tpu.memory_space<semaphore_mem>>
      %dma_start3A = arith.constant 0 : i32
      %dma_start3A_29 = tpu.memref_slice %arg8[%dma_start3A] : memref<10000xf32, #tpu.memory_space<vmem_shared>> -> memref<10000xf32, #tpu.memory_space<vmem_shared>>
      tpu.enqueue_indirect_dma source(%arg7 : memref<1000xf32, #tpu.memory_space<vmem>>) target(%dma_start3A_29 : memref<10000xf32, #tpu.memory_space<vmem_shared>>) offsets(%arg6 : memref<1000xi32, #tpu.memory_space<vmem>>) semaphore(%run_scoped3A : memref<!tpu.dma_semaphore, #tpu.memory_space<semaphore_mem>>) {add = true}
      %dma_wait3A = arith.constant 0 : i32
      %dma_wait3A_30 = tpu.memref_slice %arg8[%dma_wait3A] : memref<10000xf32, #tpu.memory_space<vmem_shared>> -> memref<10000xf32, #tpu.memory_space<vmem_shared>>
      tpu.wait_indirect_dma semaphore(%run_scoped3A : memref<!tpu.dma_semaphore, #tpu.memory_space<semaphore_mem>>) src(%arg7 : memref<1000xf32, #tpu.memory_space<vmem>>) dst(%dma_wait3A_30 : memref<10000xf32, #tpu.memory_space<vmem_shared>>)
      tpu.yield
    }) : () -> ()
    %mul3A_11 = arith.constant 5000 : i32
    %mul3A_12 = arith.muli %add3A, %mul3A_11 : i32
    %add3A_13 = arith.constant 2000 : i32
    %add3A_14 = arith.addi %mul3A_12, %add3A_13 : i32
    "tpu.region"() ({
      %run_scoped3A = tpu.sem_alloc : memref<!tpu.dma_semaphore, #tpu.memory_space<semaphore_mem>>
      %dma_start3A = tpu.memref_slice %arg2[%add3A_14] : memref<160000xi32, #tpu.memory_space<hbm>> -> memref<1000xi32, #tpu.memory_space<hbm>>
      %dma_start3A_29 = tpu.memref_slice %arg2[%add3A_14] : memref<160000xi32, #tpu.memory_space<hbm>> -> memref<1000xi32, #tpu.memory_space<hbm>>
      tpu.enqueue_dma source(%dma_start3A_29 : memref<1000xi32, #tpu.memory_space<hbm>>) target(%arg6 : memref<1000xi32, #tpu.memory_space<vmem>>) target_semaphore(%run_scoped3A : memref<!tpu.dma_semaphore, #tpu.memory_space<semaphore_mem>>)
      %dma_wait3A = tpu.memref_slice %arg2[%add3A_14] : memref<160000xi32, #tpu.memory_space<hbm>> -> memref<1000xi32, #tpu.memory_space<hbm>>
      %dma_wait3A_30 = tpu.memref_slice %arg2[%add3A_14] : memref<160000xi32, #tpu.memory_space<hbm>> -> memref<1000xi32, #tpu.memory_space<hbm>>
      tpu.wait_dma2 semaphore(%run_scoped3A : memref<!tpu.dma_semaphore, #tpu.memory_space<semaphore_mem>>) src(%dma_wait3A_30 : memref<1000xi32, #tpu.memory_space<hbm>>) dst(%arg6 : memref<1000xi32, #tpu.memory_space<vmem>>)
      tpu.yield
    }) : () -> ()
    "tpu.region"() ({
      %run_scoped3A = tpu.sem_alloc : memref<!tpu.dma_semaphore, #tpu.memory_space<semaphore_mem>>
      %dma_start3A = arith.constant 0 : i32
      %dma_start3A_29 = tpu.memref_slice %arg8[%dma_start3A] : memref<10000xf32, #tpu.memory_space<vmem_shared>> -> memref<10000xf32, #tpu.memory_space<vmem_shared>>
      tpu.enqueue_indirect_dma source(%arg7 : memref<1000xf32, #tpu.memory_space<vmem>>) target(%dma_start3A_29 : memref<10000xf32, #tpu.memory_space<vmem_shared>>) offsets(%arg6 : memref<1000xi32, #tpu.memory_space<vmem>>) semaphore(%run_scoped3A : memref<!tpu.dma_semaphore, #tpu.memory_space<semaphore_mem>>) {add = true}
      %dma_wait3A = arith.constant 0 : i32
      %dma_wait3A_30 = tpu.memref_slice %arg8[%dma_wait3A] : memref<10000xf32, #tpu.memory_space<vmem_shared>> -> memref<10000xf32, #tpu.memory_space<vmem_shared>>
      tpu.wait_indirect_dma semaphore(%run_scoped3A : memref<!tpu.dma_semaphore, #tpu.memory_space<semaphore_mem>>) src(%arg7 : memref<1000xf32, #tpu.memory_space<vmem>>) dst(%dma_wait3A_30 : memref<10000xf32, #tpu.memory_space<vmem_shared>>)
      tpu.yield
    }) : () -> ()
    %mul3A_15 = arith.constant 5000 : i32
    %mul3A_16 = arith.muli %add3A, %mul3A_15 : i32
    %add3A_17 = arith.constant 3000 : i32
    %add3A_18 = arith.addi %mul3A_16, %add3A_17 : i32
    "tpu.region"() ({
      %run_scoped3A = tpu.sem_alloc : memref<!tpu.dma_semaphore, #tpu.memory_space<semaphore_mem>>
      %dma_start3A = tpu.memref_slice %arg2[%add3A_18] : memref<160000xi32, #tpu.memory_space<hbm>> -> memref<1000xi32, #tpu.memory_space<hbm>>
      %dma_start3A_29 = tpu.memref_slice %arg2[%add3A_18] : memref<160000xi32, #tpu.memory_space<hbm>> -> memref<1000xi32, #tpu.memory_space<hbm>>
      tpu.enqueue_dma source(%dma_start3A_29 : memref<1000xi32, #tpu.memory_space<hbm>>) target(%arg6 : memref<1000xi32, #tpu.memory_space<vmem>>) target_semaphore(%run_scoped3A : memref<!tpu.dma_semaphore, #tpu.memory_space<semaphore_mem>>)
      %dma_wait3A = tpu.memref_slice %arg2[%add3A_18] : memref<160000xi32, #tpu.memory_space<hbm>> -> memref<1000xi32, #tpu.memory_space<hbm>>
      %dma_wait3A_30 = tpu.memref_slice %arg2[%add3A_18] : memref<160000xi32, #tpu.memory_space<hbm>> -> memref<1000xi32, #tpu.memory_space<hbm>>
      tpu.wait_dma2 semaphore(%run_scoped3A : memref<!tpu.dma_semaphore, #tpu.memory_space<semaphore_mem>>) src(%dma_wait3A_30 : memref<1000xi32, #tpu.memory_space<hbm>>) dst(%arg6 : memref<1000xi32, #tpu.memory_space<vmem>>)
      tpu.yield
    }) : () -> ()
    "tpu.region"() ({
      %run_scoped3A = tpu.sem_alloc : memref<!tpu.dma_semaphore, #tpu.memory_space<semaphore_mem>>
      %dma_start3A = arith.constant 0 : i32
      %dma_start3A_29 = tpu.memref_slice %arg8[%dma_start3A] : memref<10000xf32, #tpu.memory_space<vmem_shared>> -> memref<10000xf32, #tpu.memory_space<vmem_shared>>
      tpu.enqueue_indirect_dma source(%arg7 : memref<1000xf32, #tpu.memory_space<vmem>>) target(%dma_start3A_29 : memref<10000xf32, #tpu.memory_space<vmem_shared>>) offsets(%arg6 : memref<1000xi32, #tpu.memory_space<vmem>>) semaphore(%run_scoped3A : memref<!tpu.dma_semaphore, #tpu.memory_space<semaphore_mem>>) {add = true}
      %dma_wait3A = arith.constant 0 : i32
      %dma_wait3A_30 = tpu.memref_slice %arg8[%dma_wait3A] : memref<10000xf32, #tpu.memory_space<vmem_shared>> -> memref<10000xf32, #tpu.memory_space<vmem_shared>>
      tpu.wait_indirect_dma semaphore(%run_scoped3A : memref<!tpu.dma_semaphore, #tpu.memory_space<semaphore_mem>>) src(%arg7 : memref<1000xf32, #tpu.memory_space<vmem>>) dst(%dma_wait3A_30 : memref<10000xf32, #tpu.memory_space<vmem_shared>>)
      tpu.yield
    }) : () -> ()
    %mul3A_19 = arith.constant 5000 : i32
    %mul3A_20 = arith.muli %add3A, %mul3A_19 : i32
    %add3A_21 = arith.constant 4000 : i32
    %add3A_22 = arith.addi %mul3A_20, %add3A_21 : i32
    "tpu.region"() ({
      %run_scoped3A = tpu.sem_alloc : memref<!tpu.dma_semaphore, #tpu.memory_space<semaphore_mem>>
      %dma_start3A = tpu.memref_slice %arg2[%add3A_22] : memref<160000xi32, #tpu.memory_space<hbm>> -> memref<1000xi32, #tpu.memory_space<hbm>>
      %dma_start3A_29 = tpu.memref_slice %arg2[%add3A_22] : memref<160000xi32, #tpu.memory_space<hbm>> -> memref<1000xi32, #tpu.memory_space<hbm>>
      tpu.enqueue_dma source(%dma_start3A_29 : memref<1000xi32, #tpu.memory_space<hbm>>) target(%arg6 : memref<1000xi32, #tpu.memory_space<vmem>>) target_semaphore(%run_scoped3A : memref<!tpu.dma_semaphore, #tpu.memory_space<semaphore_mem>>)
      %dma_wait3A = tpu.memref_slice %arg2[%add3A_22] : memref<160000xi32, #tpu.memory_space<hbm>> -> memref<1000xi32, #tpu.memory_space<hbm>>
      %dma_wait3A_30 = tpu.memref_slice %arg2[%add3A_22] : memref<160000xi32, #tpu.memory_space<hbm>> -> memref<1000xi32, #tpu.memory_space<hbm>>
      tpu.wait_dma2 semaphore(%run_scoped3A : memref<!tpu.dma_semaphore, #tpu.memory_space<semaphore_mem>>) src(%dma_wait3A_30 : memref<1000xi32, #tpu.memory_space<hbm>>) dst(%arg6 : memref<1000xi32, #tpu.memory_space<vmem>>)
      tpu.yield
    }) : () -> ()
    "tpu.region"() ({
      %run_scoped3A = tpu.sem_alloc : memref<!tpu.dma_semaphore, #tpu.memory_space<semaphore_mem>>
      %dma_start3A = arith.constant 0 : i32
      %dma_start3A_29 = tpu.memref_slice %arg8[%dma_start3A] : memref<10000xf32, #tpu.memory_space<vmem_shared>> -> memref<10000xf32, #tpu.memory_space<vmem_shared>>
      tpu.enqueue_indirect_dma source(%arg7 : memref<1000xf32, #tpu.memory_space<vmem>>) target(%dma_start3A_29 : memref<10000xf32, #tpu.memory_space<vmem_shared>>) offsets(%arg6 : memref<1000xi32, #tpu.memory_space<vmem>>) semaphore(%run_scoped3A : memref<!tpu.dma_semaphore, #tpu.memory_space<semaphore_mem>>) {add = true}
      %dma_wait3A = arith.constant 0 : i32
      %dma_wait3A_30 = tpu.memref_slice %arg8[%dma_wait3A] : memref<10000xf32, #tpu.memory_space<vmem_shared>> -> memref<10000xf32, #tpu.memory_space<vmem_shared>>
      tpu.wait_indirect_dma semaphore(%run_scoped3A : memref<!tpu.dma_semaphore, #tpu.memory_space<semaphore_mem>>) src(%arg7 : memref<1000xf32, #tpu.memory_space<vmem>>) dst(%dma_wait3A_30 : memref<10000xf32, #tpu.memory_space<vmem_shared>>)
      tpu.yield
    }) : () -> ()
    %barrier3A_23 = arith.constant 0 : index
    tpu.barrier barrier_id(%barrier3A_23)
    %eq3A_24 = arith.constant 0 : i32
    %eq3A_25 = arith.cmpi eq, %arg1, %eq3A_24 : i32
    %convert_element_type3A_26 = arith.extui %eq3A_25 : i1 to i32
    %cond3A_27 = arith.constant 0 : i32
    %cond3A_28 = arith.cmpi ne, %convert_element_type3A_26, %cond3A_27 : i32
    scf.if %cond3A_28 {
      "tpu.region"() ({
        %run_scoped3A = tpu.sem_alloc : memref<!tpu.dma_semaphore, #tpu.memory_space<semaphore_mem>>
        %dma_start3A = arith.constant 0 : i32
        %dma_start3A_29 = tpu.memref_slice %arg5[%arg0, %dma_start3A] : memref<2x10000xf32, #tpu.memory_space<hbm>> -> memref<1x10000xf32, #tpu.memory_space<hbm>>
        %dma_start3A_30 = tpu.memref_squeeze %dma_start3A_29 : memref<1x10000xf32, #tpu.memory_space<hbm>> -> memref<10000xf32, #tpu.memory_space<hbm>>
        tpu.enqueue_dma source(%arg8 : memref<10000xf32, #tpu.memory_space<vmem_shared>>) target(%dma_start3A_30 : memref<10000xf32, #tpu.memory_space<hbm>>) target_semaphore(%run_scoped3A : memref<!tpu.dma_semaphore, #tpu.memory_space<semaphore_mem>>)
        %dma_wait3A = arith.constant 0 : i32
        %dma_wait3A_31 = tpu.memref_slice %arg5[%arg0, %dma_wait3A] : memref<2x10000xf32, #tpu.memory_space<hbm>> -> memref<1x10000xf32, #tpu.memory_space<hbm>>
        %dma_wait3A_32 = tpu.memref_squeeze %dma_wait3A_31 : memref<1x10000xf32, #tpu.memory_space<hbm>> -> memref<10000xf32, #tpu.memory_space<hbm>>
        tpu.wait_dma2 semaphore(%run_scoped3A : memref<!tpu.dma_semaphore, #tpu.memory_space<semaphore_mem>>) src(%arg8 : memref<10000xf32, #tpu.memory_space<vmem_shared>>) dst(%dma_wait3A_32 : memref<10000xf32, #tpu.memory_space<hbm>>)
        tpu.yield
      }) : () -> ()
    } else {
    }
    return
  }
}

#map = affine_map<(d0, d1) -> (0, 0)>
#map1 = affine_map<(d0, d1) -> (0)>
#map2 = affine_map<(d0, d1) -> (0, 0, 0)>
module attributes {stable_mosaic.version = 14 : i64} {
  func.func @sc_edge_pass_f16(%arg0: i32, %arg1: i32, %arg2: memref<10000x16xf32, #tpu.memory_space<hbm>>, %arg3: memref<160000xi32, #tpu.memory_space<hbm>>, %arg4: memref<160000xi32, #tpu.memory_space<hbm>>, %arg5: memref<10000x16xf32, #tpu.memory_space<hbm>>, %arg6: memref<2x10000x16xf32, #tpu.memory_space<hbm>>, %arg7: memref<1000xi32, #tpu.memory_space<vmem>>, %arg8: memref<1000xi32, #tpu.memory_space<vmem>>, %arg9: memref<1000x16xf32, #tpu.memory_space<vmem>>, %arg10: memref<10000x16xf32, #tpu.memory_space<vmem_shared>>, %arg11: memref<!tpu.dma_semaphore, #tpu.memory_space<semaphore_mem>>) attributes {dimension_semantics = [#tpu.dimension_semantics<core_parallel>, #tpu.dimension_semantics<subcore_parallel>], iteration_bounds = array<i64: 2, 16>, scalar_prefetch = 0 : i64, scratch_operands = 5 : i64, tpu.core_type = #tpu.core_type<sc_vector_subcore>, window_params = [{transform_indices = #map}, {transform_indices = #map1}, {transform_indices = #map1}, {transform_indices = #map}, {transform_indices = #map2}]} {
    %mul3A = arith.constant 16 : i32
    %mul3A_0 = arith.muli %arg0, %mul3A : i32
    %add3A = arith.addi %mul3A_0, %arg1 : i32
    %mul3A_1 = arith.constant 632 : i32
    %mul3A_2 = arith.muli %arg1, %mul3A_1 : i32
    %min3A = arith.constant 9368 : i32
    %min3A_3 = arith.minsi %mul3A_2, %min3A : i32
    "tpu.region"() ({
      %run_scoped3A = tpu.sem_alloc : memref<!tpu.dma_semaphore, #tpu.memory_space<semaphore_mem>>
      %dma_start3A_53 = arith.constant 0 : i32
      %dma_start3A_54 = tpu.memref_slice %arg10[%min3A_3, %dma_start3A_53] : memref<10000x16xf32, #tpu.memory_space<vmem_shared>> -> memref<632x16xf32, #tpu.memory_space<vmem_shared>>
      %dma_start3A_55 = arith.constant 0 : i32
      %dma_start3A_56 = tpu.memref_slice %arg5[%min3A_3, %dma_start3A_55] : memref<10000x16xf32, #tpu.memory_space<hbm>> -> memref<632x16xf32, #tpu.memory_space<hbm>>
      tpu.enqueue_dma source(%dma_start3A_56 : memref<632x16xf32, #tpu.memory_space<hbm>>) target(%dma_start3A_54 : memref<632x16xf32, #tpu.memory_space<vmem_shared>>) target_semaphore(%run_scoped3A : memref<!tpu.dma_semaphore, #tpu.memory_space<semaphore_mem>>)
      %dma_wait3A_57 = arith.constant 0 : i32
      %dma_wait3A_58 = tpu.memref_slice %arg10[%min3A_3, %dma_wait3A_57] : memref<10000x16xf32, #tpu.memory_space<vmem_shared>> -> memref<632x16xf32, #tpu.memory_space<vmem_shared>>
      %dma_wait3A_59 = arith.constant 0 : i32
      %dma_wait3A_60 = tpu.memref_slice %arg5[%min3A_3, %dma_wait3A_59] : memref<10000x16xf32, #tpu.memory_space<hbm>> -> memref<632x16xf32, #tpu.memory_space<hbm>>
      tpu.wait_dma2 semaphore(%run_scoped3A : memref<!tpu.dma_semaphore, #tpu.memory_space<semaphore_mem>>) src(%dma_wait3A_60 : memref<632x16xf32, #tpu.memory_space<hbm>>) dst(%dma_wait3A_58 : memref<632x16xf32, #tpu.memory_space<vmem_shared>>)
      tpu.yield
    }) : () -> ()
    %barrier3A = arith.constant 0 : index
    tpu.barrier barrier_id(%barrier3A)
    %mul3A_4 = arith.constant 5000 : i32
    %mul3A_5 = arith.muli %add3A, %mul3A_4 : i32
    %add3A_6 = arith.constant 0 : i32
    %add3A_7 = arith.addi %mul3A_5, %add3A_6 : i32
    "tpu.region"() ({
      %run_scoped3A = tpu.sem_alloc : memref<!tpu.dma_semaphore, #tpu.memory_space<semaphore_mem>>
      %dma_start3A_53 = tpu.memref_slice %arg3[%add3A_7] : memref<160000xi32, #tpu.memory_space<hbm>> -> memref<1000xi32, #tpu.memory_space<hbm>>
      %dma_start3A_54 = tpu.memref_slice %arg3[%add3A_7] : memref<160000xi32, #tpu.memory_space<hbm>> -> memref<1000xi32, #tpu.memory_space<hbm>>
      tpu.enqueue_dma source(%dma_start3A_54 : memref<1000xi32, #tpu.memory_space<hbm>>) target(%arg7 : memref<1000xi32, #tpu.memory_space<vmem>>) target_semaphore(%run_scoped3A : memref<!tpu.dma_semaphore, #tpu.memory_space<semaphore_mem>>)
      %dma_wait3A_55 = tpu.memref_slice %arg3[%add3A_7] : memref<160000xi32, #tpu.memory_space<hbm>> -> memref<1000xi32, #tpu.memory_space<hbm>>
      %dma_wait3A_56 = tpu.memref_slice %arg3[%add3A_7] : memref<160000xi32, #tpu.memory_space<hbm>> -> memref<1000xi32, #tpu.memory_space<hbm>>
      tpu.wait_dma2 semaphore(%run_scoped3A : memref<!tpu.dma_semaphore, #tpu.memory_space<semaphore_mem>>) src(%dma_wait3A_56 : memref<1000xi32, #tpu.memory_space<hbm>>) dst(%arg7 : memref<1000xi32, #tpu.memory_space<vmem>>)
      tpu.yield
    }) : () -> ()
    "tpu.region"() ({
      %run_scoped3A = tpu.sem_alloc : memref<!tpu.dma_semaphore, #tpu.memory_space<semaphore_mem>>
      %dma_start3A_53 = tpu.memref_slice %arg4[%add3A_7] : memref<160000xi32, #tpu.memory_space<hbm>> -> memref<1000xi32, #tpu.memory_space<hbm>>
      %dma_start3A_54 = tpu.memref_slice %arg4[%add3A_7] : memref<160000xi32, #tpu.memory_space<hbm>> -> memref<1000xi32, #tpu.memory_space<hbm>>
      tpu.enqueue_dma source(%dma_start3A_54 : memref<1000xi32, #tpu.memory_space<hbm>>) target(%arg8 : memref<1000xi32, #tpu.memory_space<vmem>>) target_semaphore(%run_scoped3A : memref<!tpu.dma_semaphore, #tpu.memory_space<semaphore_mem>>)
      %dma_wait3A_55 = tpu.memref_slice %arg4[%add3A_7] : memref<160000xi32, #tpu.memory_space<hbm>> -> memref<1000xi32, #tpu.memory_space<hbm>>
      %dma_wait3A_56 = tpu.memref_slice %arg4[%add3A_7] : memref<160000xi32, #tpu.memory_space<hbm>> -> memref<1000xi32, #tpu.memory_space<hbm>>
      tpu.wait_dma2 semaphore(%run_scoped3A : memref<!tpu.dma_semaphore, #tpu.memory_space<semaphore_mem>>) src(%dma_wait3A_56 : memref<1000xi32, #tpu.memory_space<hbm>>) dst(%arg8 : memref<1000xi32, #tpu.memory_space<vmem>>)
      tpu.yield
    }) : () -> ()
    %dma_start3A = arith.constant 0 : i32
    %dma_start3A_8 = arith.constant 0 : i32
    %dma_start3A_9 = tpu.memref_slice %arg2[%dma_start3A, %dma_start3A_8] : memref<10000x16xf32, #tpu.memory_space<hbm>> -> memref<10000x16xf32, #tpu.memory_space<hbm>>
    tpu.enqueue_indirect_dma source(%dma_start3A_9 : memref<10000x16xf32, #tpu.memory_space<hbm>>) target(%arg9 : memref<1000x16xf32, #tpu.memory_space<vmem>>) offsets(%arg7 : memref<1000xi32, #tpu.memory_space<vmem>>) semaphore(%arg11 : memref<!tpu.dma_semaphore, #tpu.memory_space<semaphore_mem>>)
    %dma_wait3A = arith.constant 0 : i32
    %dma_wait3A_10 = arith.constant 0 : i32
    %dma_wait3A_11 = tpu.memref_slice %arg2[%dma_wait3A, %dma_wait3A_10] : memref<10000x16xf32, #tpu.memory_space<hbm>> -> memref<10000x16xf32, #tpu.memory_space<hbm>>
    tpu.wait_indirect_dma semaphore(%arg11 : memref<!tpu.dma_semaphore, #tpu.memory_space<semaphore_mem>>) src(%dma_wait3A_11 : memref<10000x16xf32, #tpu.memory_space<hbm>>) dst(%arg9 : memref<1000x16xf32, #tpu.memory_space<vmem>>)
    "tpu.region"() ({
      %run_scoped3A = tpu.sem_alloc : memref<!tpu.dma_semaphore, #tpu.memory_space<semaphore_mem>>
      %dma_start3A_53 = arith.constant 0 : i32
      %dma_start3A_54 = arith.constant 0 : i32
      %dma_start3A_55 = tpu.memref_slice %arg10[%dma_start3A_53, %dma_start3A_54] : memref<10000x16xf32, #tpu.memory_space<vmem_shared>> -> memref<10000x16xf32, #tpu.memory_space<vmem_shared>>
      tpu.enqueue_indirect_dma source(%arg9 : memref<1000x16xf32, #tpu.memory_space<vmem>>) target(%dma_start3A_55 : memref<10000x16xf32, #tpu.memory_space<vmem_shared>>) offsets(%arg8 : memref<1000xi32, #tpu.memory_space<vmem>>) semaphore(%run_scoped3A : memref<!tpu.dma_semaphore, #tpu.memory_space<semaphore_mem>>) {add = true}
      %dma_wait3A_56 = arith.constant 0 : i32
      %dma_wait3A_57 = arith.constant 0 : i32
      %dma_wait3A_58 = tpu.memref_slice %arg10[%dma_wait3A_56, %dma_wait3A_57] : memref<10000x16xf32, #tpu.memory_space<vmem_shared>> -> memref<10000x16xf32, #tpu.memory_space<vmem_shared>>
      tpu.wait_indirect_dma semaphore(%run_scoped3A : memref<!tpu.dma_semaphore, #tpu.memory_space<semaphore_mem>>) src(%arg9 : memref<1000x16xf32, #tpu.memory_space<vmem>>) dst(%dma_wait3A_58 : memref<10000x16xf32, #tpu.memory_space<vmem_shared>>)
      tpu.yield
    }) : () -> ()
    %mul3A_12 = arith.constant 5000 : i32
    %mul3A_13 = arith.muli %add3A, %mul3A_12 : i32
    %add3A_14 = arith.constant 1000 : i32
    %add3A_15 = arith.addi %mul3A_13, %add3A_14 : i32
    "tpu.region"() ({
      %run_scoped3A = tpu.sem_alloc : memref<!tpu.dma_semaphore, #tpu.memory_space<semaphore_mem>>
      %dma_start3A_53 = tpu.memref_slice %arg3[%add3A_15] : memref<160000xi32, #tpu.memory_space<hbm>> -> memref<1000xi32, #tpu.memory_space<hbm>>
      %dma_start3A_54 = tpu.memref_slice %arg3[%add3A_15] : memref<160000xi32, #tpu.memory_space<hbm>> -> memref<1000xi32, #tpu.memory_space<hbm>>
      tpu.enqueue_dma source(%dma_start3A_54 : memref<1000xi32, #tpu.memory_space<hbm>>) target(%arg7 : memref<1000xi32, #tpu.memory_space<vmem>>) target_semaphore(%run_scoped3A : memref<!tpu.dma_semaphore, #tpu.memory_space<semaphore_mem>>)
      %dma_wait3A_55 = tpu.memref_slice %arg3[%add3A_15] : memref<160000xi32, #tpu.memory_space<hbm>> -> memref<1000xi32, #tpu.memory_space<hbm>>
      %dma_wait3A_56 = tpu.memref_slice %arg3[%add3A_15] : memref<160000xi32, #tpu.memory_space<hbm>> -> memref<1000xi32, #tpu.memory_space<hbm>>
      tpu.wait_dma2 semaphore(%run_scoped3A : memref<!tpu.dma_semaphore, #tpu.memory_space<semaphore_mem>>) src(%dma_wait3A_56 : memref<1000xi32, #tpu.memory_space<hbm>>) dst(%arg7 : memref<1000xi32, #tpu.memory_space<vmem>>)
      tpu.yield
    }) : () -> ()
    "tpu.region"() ({
      %run_scoped3A = tpu.sem_alloc : memref<!tpu.dma_semaphore, #tpu.memory_space<semaphore_mem>>
      %dma_start3A_53 = tpu.memref_slice %arg4[%add3A_15] : memref<160000xi32, #tpu.memory_space<hbm>> -> memref<1000xi32, #tpu.memory_space<hbm>>
      %dma_start3A_54 = tpu.memref_slice %arg4[%add3A_15] : memref<160000xi32, #tpu.memory_space<hbm>> -> memref<1000xi32, #tpu.memory_space<hbm>>
      tpu.enqueue_dma source(%dma_start3A_54 : memref<1000xi32, #tpu.memory_space<hbm>>) target(%arg8 : memref<1000xi32, #tpu.memory_space<vmem>>) target_semaphore(%run_scoped3A : memref<!tpu.dma_semaphore, #tpu.memory_space<semaphore_mem>>)
      %dma_wait3A_55 = tpu.memref_slice %arg4[%add3A_15] : memref<160000xi32, #tpu.memory_space<hbm>> -> memref<1000xi32, #tpu.memory_space<hbm>>
      %dma_wait3A_56 = tpu.memref_slice %arg4[%add3A_15] : memref<160000xi32, #tpu.memory_space<hbm>> -> memref<1000xi32, #tpu.memory_space<hbm>>
      tpu.wait_dma2 semaphore(%run_scoped3A : memref<!tpu.dma_semaphore, #tpu.memory_space<semaphore_mem>>) src(%dma_wait3A_56 : memref<1000xi32, #tpu.memory_space<hbm>>) dst(%arg8 : memref<1000xi32, #tpu.memory_space<vmem>>)
      tpu.yield
    }) : () -> ()
    %dma_start3A_16 = arith.constant 0 : i32
    %dma_start3A_17 = arith.constant 0 : i32
    %dma_start3A_18 = tpu.memref_slice %arg2[%dma_start3A_16, %dma_start3A_17] : memref<10000x16xf32, #tpu.memory_space<hbm>> -> memref<10000x16xf32, #tpu.memory_space<hbm>>
    tpu.enqueue_indirect_dma source(%dma_start3A_18 : memref<10000x16xf32, #tpu.memory_space<hbm>>) target(%arg9 : memref<1000x16xf32, #tpu.memory_space<vmem>>) offsets(%arg7 : memref<1000xi32, #tpu.memory_space<vmem>>) semaphore(%arg11 : memref<!tpu.dma_semaphore, #tpu.memory_space<semaphore_mem>>)
    %dma_wait3A_19 = arith.constant 0 : i32
    %dma_wait3A_20 = arith.constant 0 : i32
    %dma_wait3A_21 = tpu.memref_slice %arg2[%dma_wait3A_19, %dma_wait3A_20] : memref<10000x16xf32, #tpu.memory_space<hbm>> -> memref<10000x16xf32, #tpu.memory_space<hbm>>
    tpu.wait_indirect_dma semaphore(%arg11 : memref<!tpu.dma_semaphore, #tpu.memory_space<semaphore_mem>>) src(%dma_wait3A_21 : memref<10000x16xf32, #tpu.memory_space<hbm>>) dst(%arg9 : memref<1000x16xf32, #tpu.memory_space<vmem>>)
    "tpu.region"() ({
      %run_scoped3A = tpu.sem_alloc : memref<!tpu.dma_semaphore, #tpu.memory_space<semaphore_mem>>
      %dma_start3A_53 = arith.constant 0 : i32
      %dma_start3A_54 = arith.constant 0 : i32
      %dma_start3A_55 = tpu.memref_slice %arg10[%dma_start3A_53, %dma_start3A_54] : memref<10000x16xf32, #tpu.memory_space<vmem_shared>> -> memref<10000x16xf32, #tpu.memory_space<vmem_shared>>
      tpu.enqueue_indirect_dma source(%arg9 : memref<1000x16xf32, #tpu.memory_space<vmem>>) target(%dma_start3A_55 : memref<10000x16xf32, #tpu.memory_space<vmem_shared>>) offsets(%arg8 : memref<1000xi32, #tpu.memory_space<vmem>>) semaphore(%run_scoped3A : memref<!tpu.dma_semaphore, #tpu.memory_space<semaphore_mem>>) {add = true}
      %dma_wait3A_56 = arith.constant 0 : i32
      %dma_wait3A_57 = arith.constant 0 : i32
      %dma_wait3A_58 = tpu.memref_slice %arg10[%dma_wait3A_56, %dma_wait3A_57] : memref<10000x16xf32, #tpu.memory_space<vmem_shared>> -> memref<10000x16xf32, #tpu.memory_space<vmem_shared>>
      tpu.wait_indirect_dma semaphore(%run_scoped3A : memref<!tpu.dma_semaphore, #tpu.memory_space<semaphore_mem>>) src(%arg9 : memref<1000x16xf32, #tpu.memory_space<vmem>>) dst(%dma_wait3A_58 : memref<10000x16xf32, #tpu.memory_space<vmem_shared>>)
      tpu.yield
    }) : () -> ()
    %mul3A_22 = arith.constant 5000 : i32
    %mul3A_23 = arith.muli %add3A, %mul3A_22 : i32
    %add3A_24 = arith.constant 2000 : i32
    %add3A_25 = arith.addi %mul3A_23, %add3A_24 : i32
    "tpu.region"() ({
      %run_scoped3A = tpu.sem_alloc : memref<!tpu.dma_semaphore, #tpu.memory_space<semaphore_mem>>
      %dma_start3A_53 = tpu.memref_slice %arg3[%add3A_25] : memref<160000xi32, #tpu.memory_space<hbm>> -> memref<1000xi32, #tpu.memory_space<hbm>>
      %dma_start3A_54 = tpu.memref_slice %arg3[%add3A_25] : memref<160000xi32, #tpu.memory_space<hbm>> -> memref<1000xi32, #tpu.memory_space<hbm>>
      tpu.enqueue_dma source(%dma_start3A_54 : memref<1000xi32, #tpu.memory_space<hbm>>) target(%arg7 : memref<1000xi32, #tpu.memory_space<vmem>>) target_semaphore(%run_scoped3A : memref<!tpu.dma_semaphore, #tpu.memory_space<semaphore_mem>>)
      %dma_wait3A_55 = tpu.memref_slice %arg3[%add3A_25] : memref<160000xi32, #tpu.memory_space<hbm>> -> memref<1000xi32, #tpu.memory_space<hbm>>
      %dma_wait3A_56 = tpu.memref_slice %arg3[%add3A_25] : memref<160000xi32, #tpu.memory_space<hbm>> -> memref<1000xi32, #tpu.memory_space<hbm>>
      tpu.wait_dma2 semaphore(%run_scoped3A : memref<!tpu.dma_semaphore, #tpu.memory_space<semaphore_mem>>) src(%dma_wait3A_56 : memref<1000xi32, #tpu.memory_space<hbm>>) dst(%arg7 : memref<1000xi32, #tpu.memory_space<vmem>>)
      tpu.yield
    }) : () -> ()
    "tpu.region"() ({
      %run_scoped3A = tpu.sem_alloc : memref<!tpu.dma_semaphore, #tpu.memory_space<semaphore_mem>>
      %dma_start3A_53 = tpu.memref_slice %arg4[%add3A_25] : memref<160000xi32, #tpu.memory_space<hbm>> -> memref<1000xi32, #tpu.memory_space<hbm>>
      %dma_start3A_54 = tpu.memref_slice %arg4[%add3A_25] : memref<160000xi32, #tpu.memory_space<hbm>> -> memref<1000xi32, #tpu.memory_space<hbm>>
      tpu.enqueue_dma source(%dma_start3A_54 : memref<1000xi32, #tpu.memory_space<hbm>>) target(%arg8 : memref<1000xi32, #tpu.memory_space<vmem>>) target_semaphore(%run_scoped3A : memref<!tpu.dma_semaphore, #tpu.memory_space<semaphore_mem>>)
      %dma_wait3A_55 = tpu.memref_slice %arg4[%add3A_25] : memref<160000xi32, #tpu.memory_space<hbm>> -> memref<1000xi32, #tpu.memory_space<hbm>>
      %dma_wait3A_56 = tpu.memref_slice %arg4[%add3A_25] : memref<160000xi32, #tpu.memory_space<hbm>> -> memref<1000xi32, #tpu.memory_space<hbm>>
      tpu.wait_dma2 semaphore(%run_scoped3A : memref<!tpu.dma_semaphore, #tpu.memory_space<semaphore_mem>>) src(%dma_wait3A_56 : memref<1000xi32, #tpu.memory_space<hbm>>) dst(%arg8 : memref<1000xi32, #tpu.memory_space<vmem>>)
      tpu.yield
    }) : () -> ()
    %dma_start3A_26 = arith.constant 0 : i32
    %dma_start3A_27 = arith.constant 0 : i32
    %dma_start3A_28 = tpu.memref_slice %arg2[%dma_start3A_26, %dma_start3A_27] : memref<10000x16xf32, #tpu.memory_space<hbm>> -> memref<10000x16xf32, #tpu.memory_space<hbm>>
    tpu.enqueue_indirect_dma source(%dma_start3A_28 : memref<10000x16xf32, #tpu.memory_space<hbm>>) target(%arg9 : memref<1000x16xf32, #tpu.memory_space<vmem>>) offsets(%arg7 : memref<1000xi32, #tpu.memory_space<vmem>>) semaphore(%arg11 : memref<!tpu.dma_semaphore, #tpu.memory_space<semaphore_mem>>)
    %dma_wait3A_29 = arith.constant 0 : i32
    %dma_wait3A_30 = arith.constant 0 : i32
    %dma_wait3A_31 = tpu.memref_slice %arg2[%dma_wait3A_29, %dma_wait3A_30] : memref<10000x16xf32, #tpu.memory_space<hbm>> -> memref<10000x16xf32, #tpu.memory_space<hbm>>
    tpu.wait_indirect_dma semaphore(%arg11 : memref<!tpu.dma_semaphore, #tpu.memory_space<semaphore_mem>>) src(%dma_wait3A_31 : memref<10000x16xf32, #tpu.memory_space<hbm>>) dst(%arg9 : memref<1000x16xf32, #tpu.memory_space<vmem>>)
    "tpu.region"() ({
      %run_scoped3A = tpu.sem_alloc : memref<!tpu.dma_semaphore, #tpu.memory_space<semaphore_mem>>
      %dma_start3A_53 = arith.constant 0 : i32
      %dma_start3A_54 = arith.constant 0 : i32
      %dma_start3A_55 = tpu.memref_slice %arg10[%dma_start3A_53, %dma_start3A_54] : memref<10000x16xf32, #tpu.memory_space<vmem_shared>> -> memref<10000x16xf32, #tpu.memory_space<vmem_shared>>
      tpu.enqueue_indirect_dma source(%arg9 : memref<1000x16xf32, #tpu.memory_space<vmem>>) target(%dma_start3A_55 : memref<10000x16xf32, #tpu.memory_space<vmem_shared>>) offsets(%arg8 : memref<1000xi32, #tpu.memory_space<vmem>>) semaphore(%run_scoped3A : memref<!tpu.dma_semaphore, #tpu.memory_space<semaphore_mem>>) {add = true}
      %dma_wait3A_56 = arith.constant 0 : i32
      %dma_wait3A_57 = arith.constant 0 : i32
      %dma_wait3A_58 = tpu.memref_slice %arg10[%dma_wait3A_56, %dma_wait3A_57] : memref<10000x16xf32, #tpu.memory_space<vmem_shared>> -> memref<10000x16xf32, #tpu.memory_space<vmem_shared>>
      tpu.wait_indirect_dma semaphore(%run_scoped3A : memref<!tpu.dma_semaphore, #tpu.memory_space<semaphore_mem>>) src(%arg9 : memref<1000x16xf32, #tpu.memory_space<vmem>>) dst(%dma_wait3A_58 : memref<10000x16xf32, #tpu.memory_space<vmem_shared>>)
      tpu.yield
    }) : () -> ()
    %mul3A_32 = arith.constant 5000 : i32
    %mul3A_33 = arith.muli %add3A, %mul3A_32 : i32
    %add3A_34 = arith.constant 3000 : i32
    %add3A_35 = arith.addi %mul3A_33, %add3A_34 : i32
    "tpu.region"() ({
      %run_scoped3A = tpu.sem_alloc : memref<!tpu.dma_semaphore, #tpu.memory_space<semaphore_mem>>
      %dma_start3A_53 = tpu.memref_slice %arg3[%add3A_35] : memref<160000xi32, #tpu.memory_space<hbm>> -> memref<1000xi32, #tpu.memory_space<hbm>>
      %dma_start3A_54 = tpu.memref_slice %arg3[%add3A_35] : memref<160000xi32, #tpu.memory_space<hbm>> -> memref<1000xi32, #tpu.memory_space<hbm>>
      tpu.enqueue_dma source(%dma_start3A_54 : memref<1000xi32, #tpu.memory_space<hbm>>) target(%arg7 : memref<1000xi32, #tpu.memory_space<vmem>>) target_semaphore(%run_scoped3A : memref<!tpu.dma_semaphore, #tpu.memory_space<semaphore_mem>>)
      %dma_wait3A_55 = tpu.memref_slice %arg3[%add3A_35] : memref<160000xi32, #tpu.memory_space<hbm>> -> memref<1000xi32, #tpu.memory_space<hbm>>
      %dma_wait3A_56 = tpu.memref_slice %arg3[%add3A_35] : memref<160000xi32, #tpu.memory_space<hbm>> -> memref<1000xi32, #tpu.memory_space<hbm>>
      tpu.wait_dma2 semaphore(%run_scoped3A : memref<!tpu.dma_semaphore, #tpu.memory_space<semaphore_mem>>) src(%dma_wait3A_56 : memref<1000xi32, #tpu.memory_space<hbm>>) dst(%arg7 : memref<1000xi32, #tpu.memory_space<vmem>>)
      tpu.yield
    }) : () -> ()
    "tpu.region"() ({
      %run_scoped3A = tpu.sem_alloc : memref<!tpu.dma_semaphore, #tpu.memory_space<semaphore_mem>>
      %dma_start3A_53 = tpu.memref_slice %arg4[%add3A_35] : memref<160000xi32, #tpu.memory_space<hbm>> -> memref<1000xi32, #tpu.memory_space<hbm>>
      %dma_start3A_54 = tpu.memref_slice %arg4[%add3A_35] : memref<160000xi32, #tpu.memory_space<hbm>> -> memref<1000xi32, #tpu.memory_space<hbm>>
      tpu.enqueue_dma source(%dma_start3A_54 : memref<1000xi32, #tpu.memory_space<hbm>>) target(%arg8 : memref<1000xi32, #tpu.memory_space<vmem>>) target_semaphore(%run_scoped3A : memref<!tpu.dma_semaphore, #tpu.memory_space<semaphore_mem>>)
      %dma_wait3A_55 = tpu.memref_slice %arg4[%add3A_35] : memref<160000xi32, #tpu.memory_space<hbm>> -> memref<1000xi32, #tpu.memory_space<hbm>>
      %dma_wait3A_56 = tpu.memref_slice %arg4[%add3A_35] : memref<160000xi32, #tpu.memory_space<hbm>> -> memref<1000xi32, #tpu.memory_space<hbm>>
      tpu.wait_dma2 semaphore(%run_scoped3A : memref<!tpu.dma_semaphore, #tpu.memory_space<semaphore_mem>>) src(%dma_wait3A_56 : memref<1000xi32, #tpu.memory_space<hbm>>) dst(%arg8 : memref<1000xi32, #tpu.memory_space<vmem>>)
      tpu.yield
    }) : () -> ()
    %dma_start3A_36 = arith.constant 0 : i32
    %dma_start3A_37 = arith.constant 0 : i32
    %dma_start3A_38 = tpu.memref_slice %arg2[%dma_start3A_36, %dma_start3A_37] : memref<10000x16xf32, #tpu.memory_space<hbm>> -> memref<10000x16xf32, #tpu.memory_space<hbm>>
    tpu.enqueue_indirect_dma source(%dma_start3A_38 : memref<10000x16xf32, #tpu.memory_space<hbm>>) target(%arg9 : memref<1000x16xf32, #tpu.memory_space<vmem>>) offsets(%arg7 : memref<1000xi32, #tpu.memory_space<vmem>>) semaphore(%arg11 : memref<!tpu.dma_semaphore, #tpu.memory_space<semaphore_mem>>)
    %dma_wait3A_39 = arith.constant 0 : i32
    %dma_wait3A_40 = arith.constant 0 : i32
    %dma_wait3A_41 = tpu.memref_slice %arg2[%dma_wait3A_39, %dma_wait3A_40] : memref<10000x16xf32, #tpu.memory_space<hbm>> -> memref<10000x16xf32, #tpu.memory_space<hbm>>
    tpu.wait_indirect_dma semaphore(%arg11 : memref<!tpu.dma_semaphore, #tpu.memory_space<semaphore_mem>>) src(%dma_wait3A_41 : memref<10000x16xf32, #tpu.memory_space<hbm>>) dst(%arg9 : memref<1000x16xf32, #tpu.memory_space<vmem>>)
    "tpu.region"() ({
      %run_scoped3A = tpu.sem_alloc : memref<!tpu.dma_semaphore, #tpu.memory_space<semaphore_mem>>
      %dma_start3A_53 = arith.constant 0 : i32
      %dma_start3A_54 = arith.constant 0 : i32
      %dma_start3A_55 = tpu.memref_slice %arg10[%dma_start3A_53, %dma_start3A_54] : memref<10000x16xf32, #tpu.memory_space<vmem_shared>> -> memref<10000x16xf32, #tpu.memory_space<vmem_shared>>
      tpu.enqueue_indirect_dma source(%arg9 : memref<1000x16xf32, #tpu.memory_space<vmem>>) target(%dma_start3A_55 : memref<10000x16xf32, #tpu.memory_space<vmem_shared>>) offsets(%arg8 : memref<1000xi32, #tpu.memory_space<vmem>>) semaphore(%run_scoped3A : memref<!tpu.dma_semaphore, #tpu.memory_space<semaphore_mem>>) {add = true}
      %dma_wait3A_56 = arith.constant 0 : i32
      %dma_wait3A_57 = arith.constant 0 : i32
      %dma_wait3A_58 = tpu.memref_slice %arg10[%dma_wait3A_56, %dma_wait3A_57] : memref<10000x16xf32, #tpu.memory_space<vmem_shared>> -> memref<10000x16xf32, #tpu.memory_space<vmem_shared>>
      tpu.wait_indirect_dma semaphore(%run_scoped3A : memref<!tpu.dma_semaphore, #tpu.memory_space<semaphore_mem>>) src(%arg9 : memref<1000x16xf32, #tpu.memory_space<vmem>>) dst(%dma_wait3A_58 : memref<10000x16xf32, #tpu.memory_space<vmem_shared>>)
      tpu.yield
    }) : () -> ()
    %mul3A_42 = arith.constant 5000 : i32
    %mul3A_43 = arith.muli %add3A, %mul3A_42 : i32
    %add3A_44 = arith.constant 4000 : i32
    %add3A_45 = arith.addi %mul3A_43, %add3A_44 : i32
    "tpu.region"() ({
      %run_scoped3A = tpu.sem_alloc : memref<!tpu.dma_semaphore, #tpu.memory_space<semaphore_mem>>
      %dma_start3A_53 = tpu.memref_slice %arg3[%add3A_45] : memref<160000xi32, #tpu.memory_space<hbm>> -> memref<1000xi32, #tpu.memory_space<hbm>>
      %dma_start3A_54 = tpu.memref_slice %arg3[%add3A_45] : memref<160000xi32, #tpu.memory_space<hbm>> -> memref<1000xi32, #tpu.memory_space<hbm>>
      tpu.enqueue_dma source(%dma_start3A_54 : memref<1000xi32, #tpu.memory_space<hbm>>) target(%arg7 : memref<1000xi32, #tpu.memory_space<vmem>>) target_semaphore(%run_scoped3A : memref<!tpu.dma_semaphore, #tpu.memory_space<semaphore_mem>>)
      %dma_wait3A_55 = tpu.memref_slice %arg3[%add3A_45] : memref<160000xi32, #tpu.memory_space<hbm>> -> memref<1000xi32, #tpu.memory_space<hbm>>
      %dma_wait3A_56 = tpu.memref_slice %arg3[%add3A_45] : memref<160000xi32, #tpu.memory_space<hbm>> -> memref<1000xi32, #tpu.memory_space<hbm>>
      tpu.wait_dma2 semaphore(%run_scoped3A : memref<!tpu.dma_semaphore, #tpu.memory_space<semaphore_mem>>) src(%dma_wait3A_56 : memref<1000xi32, #tpu.memory_space<hbm>>) dst(%arg7 : memref<1000xi32, #tpu.memory_space<vmem>>)
      tpu.yield
    }) : () -> ()
    "tpu.region"() ({
      %run_scoped3A = tpu.sem_alloc : memref<!tpu.dma_semaphore, #tpu.memory_space<semaphore_mem>>
      %dma_start3A_53 = tpu.memref_slice %arg4[%add3A_45] : memref<160000xi32, #tpu.memory_space<hbm>> -> memref<1000xi32, #tpu.memory_space<hbm>>
      %dma_start3A_54 = tpu.memref_slice %arg4[%add3A_45] : memref<160000xi32, #tpu.memory_space<hbm>> -> memref<1000xi32, #tpu.memory_space<hbm>>
      tpu.enqueue_dma source(%dma_start3A_54 : memref<1000xi32, #tpu.memory_space<hbm>>) target(%arg8 : memref<1000xi32, #tpu.memory_space<vmem>>) target_semaphore(%run_scoped3A : memref<!tpu.dma_semaphore, #tpu.memory_space<semaphore_mem>>)
      %dma_wait3A_55 = tpu.memref_slice %arg4[%add3A_45] : memref<160000xi32, #tpu.memory_space<hbm>> -> memref<1000xi32, #tpu.memory_space<hbm>>
      %dma_wait3A_56 = tpu.memref_slice %arg4[%add3A_45] : memref<160000xi32, #tpu.memory_space<hbm>> -> memref<1000xi32, #tpu.memory_space<hbm>>
      tpu.wait_dma2 semaphore(%run_scoped3A : memref<!tpu.dma_semaphore, #tpu.memory_space<semaphore_mem>>) src(%dma_wait3A_56 : memref<1000xi32, #tpu.memory_space<hbm>>) dst(%arg8 : memref<1000xi32, #tpu.memory_space<vmem>>)
      tpu.yield
    }) : () -> ()
    %dma_start3A_46 = arith.constant 0 : i32
    %dma_start3A_47 = arith.constant 0 : i32
    %dma_start3A_48 = tpu.memref_slice %arg2[%dma_start3A_46, %dma_start3A_47] : memref<10000x16xf32, #tpu.memory_space<hbm>> -> memref<10000x16xf32, #tpu.memory_space<hbm>>
    tpu.enqueue_indirect_dma source(%dma_start3A_48 : memref<10000x16xf32, #tpu.memory_space<hbm>>) target(%arg9 : memref<1000x16xf32, #tpu.memory_space<vmem>>) offsets(%arg7 : memref<1000xi32, #tpu.memory_space<vmem>>) semaphore(%arg11 : memref<!tpu.dma_semaphore, #tpu.memory_space<semaphore_mem>>)
    %dma_wait3A_49 = arith.constant 0 : i32
    %dma_wait3A_50 = arith.constant 0 : i32
    %dma_wait3A_51 = tpu.memref_slice %arg2[%dma_wait3A_49, %dma_wait3A_50] : memref<10000x16xf32, #tpu.memory_space<hbm>> -> memref<10000x16xf32, #tpu.memory_space<hbm>>
    tpu.wait_indirect_dma semaphore(%arg11 : memref<!tpu.dma_semaphore, #tpu.memory_space<semaphore_mem>>) src(%dma_wait3A_51 : memref<10000x16xf32, #tpu.memory_space<hbm>>) dst(%arg9 : memref<1000x16xf32, #tpu.memory_space<vmem>>)
    "tpu.region"() ({
      %run_scoped3A = tpu.sem_alloc : memref<!tpu.dma_semaphore, #tpu.memory_space<semaphore_mem>>
      %dma_start3A_53 = arith.constant 0 : i32
      %dma_start3A_54 = arith.constant 0 : i32
      %dma_start3A_55 = tpu.memref_slice %arg10[%dma_start3A_53, %dma_start3A_54] : memref<10000x16xf32, #tpu.memory_space<vmem_shared>> -> memref<10000x16xf32, #tpu.memory_space<vmem_shared>>
      tpu.enqueue_indirect_dma source(%arg9 : memref<1000x16xf32, #tpu.memory_space<vmem>>) target(%dma_start3A_55 : memref<10000x16xf32, #tpu.memory_space<vmem_shared>>) offsets(%arg8 : memref<1000xi32, #tpu.memory_space<vmem>>) semaphore(%run_scoped3A : memref<!tpu.dma_semaphore, #tpu.memory_space<semaphore_mem>>) {add = true}
      %dma_wait3A_56 = arith.constant 0 : i32
      %dma_wait3A_57 = arith.constant 0 : i32
      %dma_wait3A_58 = tpu.memref_slice %arg10[%dma_wait3A_56, %dma_wait3A_57] : memref<10000x16xf32, #tpu.memory_space<vmem_shared>> -> memref<10000x16xf32, #tpu.memory_space<vmem_shared>>
      tpu.wait_indirect_dma semaphore(%run_scoped3A : memref<!tpu.dma_semaphore, #tpu.memory_space<semaphore_mem>>) src(%arg9 : memref<1000x16xf32, #tpu.memory_space<vmem>>) dst(%dma_wait3A_58 : memref<10000x16xf32, #tpu.memory_space<vmem_shared>>)
      tpu.yield
    }) : () -> ()
    %barrier3A_52 = arith.constant 0 : index
    tpu.barrier barrier_id(%barrier3A_52)
    "tpu.region"() ({
      %run_scoped3A = tpu.sem_alloc : memref<!tpu.dma_semaphore, #tpu.memory_space<semaphore_mem>>
      %dma_start3A_53 = arith.constant 0 : i32
      %dma_start3A_54 = tpu.memref_slice %arg6[%arg0, %min3A_3, %dma_start3A_53] : memref<2x10000x16xf32, #tpu.memory_space<hbm>> -> memref<1x632x16xf32, #tpu.memory_space<hbm>>
      %dma_start3A_55 = tpu.memref_squeeze %dma_start3A_54 : memref<1x632x16xf32, #tpu.memory_space<hbm>> -> memref<632x16xf32, #tpu.memory_space<hbm>>
      %dma_start3A_56 = arith.constant 0 : i32
      %dma_start3A_57 = tpu.memref_slice %arg10[%min3A_3, %dma_start3A_56] : memref<10000x16xf32, #tpu.memory_space<vmem_shared>> -> memref<632x16xf32, #tpu.memory_space<vmem_shared>>
      tpu.enqueue_dma source(%dma_start3A_57 : memref<632x16xf32, #tpu.memory_space<vmem_shared>>) target(%dma_start3A_55 : memref<632x16xf32, #tpu.memory_space<hbm>>) target_semaphore(%run_scoped3A : memref<!tpu.dma_semaphore, #tpu.memory_space<semaphore_mem>>)
      %dma_wait3A_58 = arith.constant 0 : i32
      %dma_wait3A_59 = tpu.memref_slice %arg6[%arg0, %min3A_3, %dma_wait3A_58] : memref<2x10000x16xf32, #tpu.memory_space<hbm>> -> memref<1x632x16xf32, #tpu.memory_space<hbm>>
      %dma_wait3A_60 = tpu.memref_squeeze %dma_wait3A_59 : memref<1x632x16xf32, #tpu.memory_space<hbm>> -> memref<632x16xf32, #tpu.memory_space<hbm>>
      %dma_wait3A_61 = arith.constant 0 : i32
      %dma_wait3A_62 = tpu.memref_slice %arg10[%min3A_3, %dma_wait3A_61] : memref<10000x16xf32, #tpu.memory_space<vmem_shared>> -> memref<632x16xf32, #tpu.memory_space<vmem_shared>>
      tpu.wait_dma2 semaphore(%run_scoped3A : memref<!tpu.dma_semaphore, #tpu.memory_space<semaphore_mem>>) src(%dma_wait3A_62 : memref<632x16xf32, #tpu.memory_space<vmem_shared>>) dst(%dma_wait3A_60 : memref<632x16xf32, #tpu.memory_space<hbm>>)
      tpu.yield
    }) : () -> ()
    return
  }
}

#map = affine_map<(d0, d1) -> (0, 0)>
#map1 = affine_map<(d0, d1) -> (0)>
#map2 = affine_map<(d0, d1) -> (0, 0, 0)>
module attributes {stable_mosaic.version = 14 : i64} {
  func.func @sc_edge_pass_f32(%arg0: i32, %arg1: i32, %arg2: memref<10000x32xf32, #tpu.memory_space<hbm>>, %arg3: memref<160000xi32, #tpu.memory_space<hbm>>, %arg4: memref<160000xi32, #tpu.memory_space<hbm>>, %arg5: memref<10000x32xf32, #tpu.memory_space<hbm>>, %arg6: memref<2x10000x32xf32, #tpu.memory_space<hbm>>, %arg7: memref<1000xi32, #tpu.memory_space<vmem>>, %arg8: memref<1000xi32, #tpu.memory_space<vmem>>, %arg9: memref<1000x32xf32, #tpu.memory_space<vmem>>, %arg10: memref<10000x32xf32, #tpu.memory_space<vmem_shared>>, %arg11: memref<!tpu.dma_semaphore, #tpu.memory_space<semaphore_mem>>) attributes {dimension_semantics = [#tpu.dimension_semantics<core_parallel>, #tpu.dimension_semantics<subcore_parallel>], iteration_bounds = array<i64: 2, 16>, scalar_prefetch = 0 : i64, scratch_operands = 5 : i64, tpu.core_type = #tpu.core_type<sc_vector_subcore>, window_params = [{transform_indices = #map}, {transform_indices = #map1}, {transform_indices = #map1}, {transform_indices = #map}, {transform_indices = #map2}]} {
    %mul3A = arith.constant 16 : i32
    %mul3A_0 = arith.muli %arg0, %mul3A : i32
    %add3A = arith.addi %mul3A_0, %arg1 : i32
    %mul3A_1 = arith.constant 632 : i32
    %mul3A_2 = arith.muli %arg1, %mul3A_1 : i32
    %min3A = arith.constant 9368 : i32
    %min3A_3 = arith.minsi %mul3A_2, %min3A : i32
    "tpu.region"() ({
      %run_scoped3A = tpu.sem_alloc : memref<!tpu.dma_semaphore, #tpu.memory_space<semaphore_mem>>
      %dma_start3A_53 = arith.constant 0 : i32
      %dma_start3A_54 = tpu.memref_slice %arg10[%min3A_3, %dma_start3A_53] : memref<10000x32xf32, #tpu.memory_space<vmem_shared>> -> memref<632x32xf32, #tpu.memory_space<vmem_shared>>
      %dma_start3A_55 = arith.constant 0 : i32
      %dma_start3A_56 = tpu.memref_slice %arg5[%min3A_3, %dma_start3A_55] : memref<10000x32xf32, #tpu.memory_space<hbm>> -> memref<632x32xf32, #tpu.memory_space<hbm>>
      tpu.enqueue_dma source(%dma_start3A_56 : memref<632x32xf32, #tpu.memory_space<hbm>>) target(%dma_start3A_54 : memref<632x32xf32, #tpu.memory_space<vmem_shared>>) target_semaphore(%run_scoped3A : memref<!tpu.dma_semaphore, #tpu.memory_space<semaphore_mem>>)
      %dma_wait3A_57 = arith.constant 0 : i32
      %dma_wait3A_58 = tpu.memref_slice %arg10[%min3A_3, %dma_wait3A_57] : memref<10000x32xf32, #tpu.memory_space<vmem_shared>> -> memref<632x32xf32, #tpu.memory_space<vmem_shared>>
      %dma_wait3A_59 = arith.constant 0 : i32
      %dma_wait3A_60 = tpu.memref_slice %arg5[%min3A_3, %dma_wait3A_59] : memref<10000x32xf32, #tpu.memory_space<hbm>> -> memref<632x32xf32, #tpu.memory_space<hbm>>
      tpu.wait_dma2 semaphore(%run_scoped3A : memref<!tpu.dma_semaphore, #tpu.memory_space<semaphore_mem>>) src(%dma_wait3A_60 : memref<632x32xf32, #tpu.memory_space<hbm>>) dst(%dma_wait3A_58 : memref<632x32xf32, #tpu.memory_space<vmem_shared>>)
      tpu.yield
    }) : () -> ()
    %barrier3A = arith.constant 0 : index
    tpu.barrier barrier_id(%barrier3A)
    %mul3A_4 = arith.constant 5000 : i32
    %mul3A_5 = arith.muli %add3A, %mul3A_4 : i32
    %add3A_6 = arith.constant 0 : i32
    %add3A_7 = arith.addi %mul3A_5, %add3A_6 : i32
    "tpu.region"() ({
      %run_scoped3A = tpu.sem_alloc : memref<!tpu.dma_semaphore, #tpu.memory_space<semaphore_mem>>
      %dma_start3A_53 = tpu.memref_slice %arg3[%add3A_7] : memref<160000xi32, #tpu.memory_space<hbm>> -> memref<1000xi32, #tpu.memory_space<hbm>>
      %dma_start3A_54 = tpu.memref_slice %arg3[%add3A_7] : memref<160000xi32, #tpu.memory_space<hbm>> -> memref<1000xi32, #tpu.memory_space<hbm>>
      tpu.enqueue_dma source(%dma_start3A_54 : memref<1000xi32, #tpu.memory_space<hbm>>) target(%arg7 : memref<1000xi32, #tpu.memory_space<vmem>>) target_semaphore(%run_scoped3A : memref<!tpu.dma_semaphore, #tpu.memory_space<semaphore_mem>>)
      %dma_wait3A_55 = tpu.memref_slice %arg3[%add3A_7] : memref<160000xi32, #tpu.memory_space<hbm>> -> memref<1000xi32, #tpu.memory_space<hbm>>
      %dma_wait3A_56 = tpu.memref_slice %arg3[%add3A_7] : memref<160000xi32, #tpu.memory_space<hbm>> -> memref<1000xi32, #tpu.memory_space<hbm>>
      tpu.wait_dma2 semaphore(%run_scoped3A : memref<!tpu.dma_semaphore, #tpu.memory_space<semaphore_mem>>) src(%dma_wait3A_56 : memref<1000xi32, #tpu.memory_space<hbm>>) dst(%arg7 : memref<1000xi32, #tpu.memory_space<vmem>>)
      tpu.yield
    }) : () -> ()
    "tpu.region"() ({
      %run_scoped3A = tpu.sem_alloc : memref<!tpu.dma_semaphore, #tpu.memory_space<semaphore_mem>>
      %dma_start3A_53 = tpu.memref_slice %arg4[%add3A_7] : memref<160000xi32, #tpu.memory_space<hbm>> -> memref<1000xi32, #tpu.memory_space<hbm>>
      %dma_start3A_54 = tpu.memref_slice %arg4[%add3A_7] : memref<160000xi32, #tpu.memory_space<hbm>> -> memref<1000xi32, #tpu.memory_space<hbm>>
      tpu.enqueue_dma source(%dma_start3A_54 : memref<1000xi32, #tpu.memory_space<hbm>>) target(%arg8 : memref<1000xi32, #tpu.memory_space<vmem>>) target_semaphore(%run_scoped3A : memref<!tpu.dma_semaphore, #tpu.memory_space<semaphore_mem>>)
      %dma_wait3A_55 = tpu.memref_slice %arg4[%add3A_7] : memref<160000xi32, #tpu.memory_space<hbm>> -> memref<1000xi32, #tpu.memory_space<hbm>>
      %dma_wait3A_56 = tpu.memref_slice %arg4[%add3A_7] : memref<160000xi32, #tpu.memory_space<hbm>> -> memref<1000xi32, #tpu.memory_space<hbm>>
      tpu.wait_dma2 semaphore(%run_scoped3A : memref<!tpu.dma_semaphore, #tpu.memory_space<semaphore_mem>>) src(%dma_wait3A_56 : memref<1000xi32, #tpu.memory_space<hbm>>) dst(%arg8 : memref<1000xi32, #tpu.memory_space<vmem>>)
      tpu.yield
    }) : () -> ()
    %dma_start3A = arith.constant 0 : i32
    %dma_start3A_8 = arith.constant 0 : i32
    %dma_start3A_9 = tpu.memref_slice %arg2[%dma_start3A, %dma_start3A_8] : memref<10000x32xf32, #tpu.memory_space<hbm>> -> memref<10000x32xf32, #tpu.memory_space<hbm>>
    tpu.enqueue_indirect_dma source(%dma_start3A_9 : memref<10000x32xf32, #tpu.memory_space<hbm>>) target(%arg9 : memref<1000x32xf32, #tpu.memory_space<vmem>>) offsets(%arg7 : memref<1000xi32, #tpu.memory_space<vmem>>) semaphore(%arg11 : memref<!tpu.dma_semaphore, #tpu.memory_space<semaphore_mem>>)
    %dma_wait3A = arith.constant 0 : i32
    %dma_wait3A_10 = arith.constant 0 : i32
    %dma_wait3A_11 = tpu.memref_slice %arg2[%dma_wait3A, %dma_wait3A_10] : memref<10000x32xf32, #tpu.memory_space<hbm>> -> memref<10000x32xf32, #tpu.memory_space<hbm>>
    tpu.wait_indirect_dma semaphore(%arg11 : memref<!tpu.dma_semaphore, #tpu.memory_space<semaphore_mem>>) src(%dma_wait3A_11 : memref<10000x32xf32, #tpu.memory_space<hbm>>) dst(%arg9 : memref<1000x32xf32, #tpu.memory_space<vmem>>)
    "tpu.region"() ({
      %run_scoped3A = tpu.sem_alloc : memref<!tpu.dma_semaphore, #tpu.memory_space<semaphore_mem>>
      %dma_start3A_53 = arith.constant 0 : i32
      %dma_start3A_54 = arith.constant 0 : i32
      %dma_start3A_55 = tpu.memref_slice %arg10[%dma_start3A_53, %dma_start3A_54] : memref<10000x32xf32, #tpu.memory_space<vmem_shared>> -> memref<10000x32xf32, #tpu.memory_space<vmem_shared>>
      tpu.enqueue_indirect_dma source(%arg9 : memref<1000x32xf32, #tpu.memory_space<vmem>>) target(%dma_start3A_55 : memref<10000x32xf32, #tpu.memory_space<vmem_shared>>) offsets(%arg8 : memref<1000xi32, #tpu.memory_space<vmem>>) semaphore(%run_scoped3A : memref<!tpu.dma_semaphore, #tpu.memory_space<semaphore_mem>>) {add = true}
      %dma_wait3A_56 = arith.constant 0 : i32
      %dma_wait3A_57 = arith.constant 0 : i32
      %dma_wait3A_58 = tpu.memref_slice %arg10[%dma_wait3A_56, %dma_wait3A_57] : memref<10000x32xf32, #tpu.memory_space<vmem_shared>> -> memref<10000x32xf32, #tpu.memory_space<vmem_shared>>
      tpu.wait_indirect_dma semaphore(%run_scoped3A : memref<!tpu.dma_semaphore, #tpu.memory_space<semaphore_mem>>) src(%arg9 : memref<1000x32xf32, #tpu.memory_space<vmem>>) dst(%dma_wait3A_58 : memref<10000x32xf32, #tpu.memory_space<vmem_shared>>)
      tpu.yield
    }) : () -> ()
    %mul3A_12 = arith.constant 5000 : i32
    %mul3A_13 = arith.muli %add3A, %mul3A_12 : i32
    %add3A_14 = arith.constant 1000 : i32
    %add3A_15 = arith.addi %mul3A_13, %add3A_14 : i32
    "tpu.region"() ({
      %run_scoped3A = tpu.sem_alloc : memref<!tpu.dma_semaphore, #tpu.memory_space<semaphore_mem>>
      %dma_start3A_53 = tpu.memref_slice %arg3[%add3A_15] : memref<160000xi32, #tpu.memory_space<hbm>> -> memref<1000xi32, #tpu.memory_space<hbm>>
      %dma_start3A_54 = tpu.memref_slice %arg3[%add3A_15] : memref<160000xi32, #tpu.memory_space<hbm>> -> memref<1000xi32, #tpu.memory_space<hbm>>
      tpu.enqueue_dma source(%dma_start3A_54 : memref<1000xi32, #tpu.memory_space<hbm>>) target(%arg7 : memref<1000xi32, #tpu.memory_space<vmem>>) target_semaphore(%run_scoped3A : memref<!tpu.dma_semaphore, #tpu.memory_space<semaphore_mem>>)
      %dma_wait3A_55 = tpu.memref_slice %arg3[%add3A_15] : memref<160000xi32, #tpu.memory_space<hbm>> -> memref<1000xi32, #tpu.memory_space<hbm>>
      %dma_wait3A_56 = tpu.memref_slice %arg3[%add3A_15] : memref<160000xi32, #tpu.memory_space<hbm>> -> memref<1000xi32, #tpu.memory_space<hbm>>
      tpu.wait_dma2 semaphore(%run_scoped3A : memref<!tpu.dma_semaphore, #tpu.memory_space<semaphore_mem>>) src(%dma_wait3A_56 : memref<1000xi32, #tpu.memory_space<hbm>>) dst(%arg7 : memref<1000xi32, #tpu.memory_space<vmem>>)
      tpu.yield
    }) : () -> ()
    "tpu.region"() ({
      %run_scoped3A = tpu.sem_alloc : memref<!tpu.dma_semaphore, #tpu.memory_space<semaphore_mem>>
      %dma_start3A_53 = tpu.memref_slice %arg4[%add3A_15] : memref<160000xi32, #tpu.memory_space<hbm>> -> memref<1000xi32, #tpu.memory_space<hbm>>
      %dma_start3A_54 = tpu.memref_slice %arg4[%add3A_15] : memref<160000xi32, #tpu.memory_space<hbm>> -> memref<1000xi32, #tpu.memory_space<hbm>>
      tpu.enqueue_dma source(%dma_start3A_54 : memref<1000xi32, #tpu.memory_space<hbm>>) target(%arg8 : memref<1000xi32, #tpu.memory_space<vmem>>) target_semaphore(%run_scoped3A : memref<!tpu.dma_semaphore, #tpu.memory_space<semaphore_mem>>)
      %dma_wait3A_55 = tpu.memref_slice %arg4[%add3A_15] : memref<160000xi32, #tpu.memory_space<hbm>> -> memref<1000xi32, #tpu.memory_space<hbm>>
      %dma_wait3A_56 = tpu.memref_slice %arg4[%add3A_15] : memref<160000xi32, #tpu.memory_space<hbm>> -> memref<1000xi32, #tpu.memory_space<hbm>>
      tpu.wait_dma2 semaphore(%run_scoped3A : memref<!tpu.dma_semaphore, #tpu.memory_space<semaphore_mem>>) src(%dma_wait3A_56 : memref<1000xi32, #tpu.memory_space<hbm>>) dst(%arg8 : memref<1000xi32, #tpu.memory_space<vmem>>)
      tpu.yield
    }) : () -> ()
    %dma_start3A_16 = arith.constant 0 : i32
    %dma_start3A_17 = arith.constant 0 : i32
    %dma_start3A_18 = tpu.memref_slice %arg2[%dma_start3A_16, %dma_start3A_17] : memref<10000x32xf32, #tpu.memory_space<hbm>> -> memref<10000x32xf32, #tpu.memory_space<hbm>>
    tpu.enqueue_indirect_dma source(%dma_start3A_18 : memref<10000x32xf32, #tpu.memory_space<hbm>>) target(%arg9 : memref<1000x32xf32, #tpu.memory_space<vmem>>) offsets(%arg7 : memref<1000xi32, #tpu.memory_space<vmem>>) semaphore(%arg11 : memref<!tpu.dma_semaphore, #tpu.memory_space<semaphore_mem>>)
    %dma_wait3A_19 = arith.constant 0 : i32
    %dma_wait3A_20 = arith.constant 0 : i32
    %dma_wait3A_21 = tpu.memref_slice %arg2[%dma_wait3A_19, %dma_wait3A_20] : memref<10000x32xf32, #tpu.memory_space<hbm>> -> memref<10000x32xf32, #tpu.memory_space<hbm>>
    tpu.wait_indirect_dma semaphore(%arg11 : memref<!tpu.dma_semaphore, #tpu.memory_space<semaphore_mem>>) src(%dma_wait3A_21 : memref<10000x32xf32, #tpu.memory_space<hbm>>) dst(%arg9 : memref<1000x32xf32, #tpu.memory_space<vmem>>)
    "tpu.region"() ({
      %run_scoped3A = tpu.sem_alloc : memref<!tpu.dma_semaphore, #tpu.memory_space<semaphore_mem>>
      %dma_start3A_53 = arith.constant 0 : i32
      %dma_start3A_54 = arith.constant 0 : i32
      %dma_start3A_55 = tpu.memref_slice %arg10[%dma_start3A_53, %dma_start3A_54] : memref<10000x32xf32, #tpu.memory_space<vmem_shared>> -> memref<10000x32xf32, #tpu.memory_space<vmem_shared>>
      tpu.enqueue_indirect_dma source(%arg9 : memref<1000x32xf32, #tpu.memory_space<vmem>>) target(%dma_start3A_55 : memref<10000x32xf32, #tpu.memory_space<vmem_shared>>) offsets(%arg8 : memref<1000xi32, #tpu.memory_space<vmem>>) semaphore(%run_scoped3A : memref<!tpu.dma_semaphore, #tpu.memory_space<semaphore_mem>>) {add = true}
      %dma_wait3A_56 = arith.constant 0 : i32
      %dma_wait3A_57 = arith.constant 0 : i32
      %dma_wait3A_58 = tpu.memref_slice %arg10[%dma_wait3A_56, %dma_wait3A_57] : memref<10000x32xf32, #tpu.memory_space<vmem_shared>> -> memref<10000x32xf32, #tpu.memory_space<vmem_shared>>
      tpu.wait_indirect_dma semaphore(%run_scoped3A : memref<!tpu.dma_semaphore, #tpu.memory_space<semaphore_mem>>) src(%arg9 : memref<1000x32xf32, #tpu.memory_space<vmem>>) dst(%dma_wait3A_58 : memref<10000x32xf32, #tpu.memory_space<vmem_shared>>)
      tpu.yield
    }) : () -> ()
    %mul3A_22 = arith.constant 5000 : i32
    %mul3A_23 = arith.muli %add3A, %mul3A_22 : i32
    %add3A_24 = arith.constant 2000 : i32
    %add3A_25 = arith.addi %mul3A_23, %add3A_24 : i32
    "tpu.region"() ({
      %run_scoped3A = tpu.sem_alloc : memref<!tpu.dma_semaphore, #tpu.memory_space<semaphore_mem>>
      %dma_start3A_53 = tpu.memref_slice %arg3[%add3A_25] : memref<160000xi32, #tpu.memory_space<hbm>> -> memref<1000xi32, #tpu.memory_space<hbm>>
      %dma_start3A_54 = tpu.memref_slice %arg3[%add3A_25] : memref<160000xi32, #tpu.memory_space<hbm>> -> memref<1000xi32, #tpu.memory_space<hbm>>
      tpu.enqueue_dma source(%dma_start3A_54 : memref<1000xi32, #tpu.memory_space<hbm>>) target(%arg7 : memref<1000xi32, #tpu.memory_space<vmem>>) target_semaphore(%run_scoped3A : memref<!tpu.dma_semaphore, #tpu.memory_space<semaphore_mem>>)
      %dma_wait3A_55 = tpu.memref_slice %arg3[%add3A_25] : memref<160000xi32, #tpu.memory_space<hbm>> -> memref<1000xi32, #tpu.memory_space<hbm>>
      %dma_wait3A_56 = tpu.memref_slice %arg3[%add3A_25] : memref<160000xi32, #tpu.memory_space<hbm>> -> memref<1000xi32, #tpu.memory_space<hbm>>
      tpu.wait_dma2 semaphore(%run_scoped3A : memref<!tpu.dma_semaphore, #tpu.memory_space<semaphore_mem>>) src(%dma_wait3A_56 : memref<1000xi32, #tpu.memory_space<hbm>>) dst(%arg7 : memref<1000xi32, #tpu.memory_space<vmem>>)
      tpu.yield
    }) : () -> ()
    "tpu.region"() ({
      %run_scoped3A = tpu.sem_alloc : memref<!tpu.dma_semaphore, #tpu.memory_space<semaphore_mem>>
      %dma_start3A_53 = tpu.memref_slice %arg4[%add3A_25] : memref<160000xi32, #tpu.memory_space<hbm>> -> memref<1000xi32, #tpu.memory_space<hbm>>
      %dma_start3A_54 = tpu.memref_slice %arg4[%add3A_25] : memref<160000xi32, #tpu.memory_space<hbm>> -> memref<1000xi32, #tpu.memory_space<hbm>>
      tpu.enqueue_dma source(%dma_start3A_54 : memref<1000xi32, #tpu.memory_space<hbm>>) target(%arg8 : memref<1000xi32, #tpu.memory_space<vmem>>) target_semaphore(%run_scoped3A : memref<!tpu.dma_semaphore, #tpu.memory_space<semaphore_mem>>)
      %dma_wait3A_55 = tpu.memref_slice %arg4[%add3A_25] : memref<160000xi32, #tpu.memory_space<hbm>> -> memref<1000xi32, #tpu.memory_space<hbm>>
      %dma_wait3A_56 = tpu.memref_slice %arg4[%add3A_25] : memref<160000xi32, #tpu.memory_space<hbm>> -> memref<1000xi32, #tpu.memory_space<hbm>>
      tpu.wait_dma2 semaphore(%run_scoped3A : memref<!tpu.dma_semaphore, #tpu.memory_space<semaphore_mem>>) src(%dma_wait3A_56 : memref<1000xi32, #tpu.memory_space<hbm>>) dst(%arg8 : memref<1000xi32, #tpu.memory_space<vmem>>)
      tpu.yield
    }) : () -> ()
    %dma_start3A_26 = arith.constant 0 : i32
    %dma_start3A_27 = arith.constant 0 : i32
    %dma_start3A_28 = tpu.memref_slice %arg2[%dma_start3A_26, %dma_start3A_27] : memref<10000x32xf32, #tpu.memory_space<hbm>> -> memref<10000x32xf32, #tpu.memory_space<hbm>>
    tpu.enqueue_indirect_dma source(%dma_start3A_28 : memref<10000x32xf32, #tpu.memory_space<hbm>>) target(%arg9 : memref<1000x32xf32, #tpu.memory_space<vmem>>) offsets(%arg7 : memref<1000xi32, #tpu.memory_space<vmem>>) semaphore(%arg11 : memref<!tpu.dma_semaphore, #tpu.memory_space<semaphore_mem>>)
    %dma_wait3A_29 = arith.constant 0 : i32
    %dma_wait3A_30 = arith.constant 0 : i32
    %dma_wait3A_31 = tpu.memref_slice %arg2[%dma_wait3A_29, %dma_wait3A_30] : memref<10000x32xf32, #tpu.memory_space<hbm>> -> memref<10000x32xf32, #tpu.memory_space<hbm>>
    tpu.wait_indirect_dma semaphore(%arg11 : memref<!tpu.dma_semaphore, #tpu.memory_space<semaphore_mem>>) src(%dma_wait3A_31 : memref<10000x32xf32, #tpu.memory_space<hbm>>) dst(%arg9 : memref<1000x32xf32, #tpu.memory_space<vmem>>)
    "tpu.region"() ({
      %run_scoped3A = tpu.sem_alloc : memref<!tpu.dma_semaphore, #tpu.memory_space<semaphore_mem>>
      %dma_start3A_53 = arith.constant 0 : i32
      %dma_start3A_54 = arith.constant 0 : i32
      %dma_start3A_55 = tpu.memref_slice %arg10[%dma_start3A_53, %dma_start3A_54] : memref<10000x32xf32, #tpu.memory_space<vmem_shared>> -> memref<10000x32xf32, #tpu.memory_space<vmem_shared>>
      tpu.enqueue_indirect_dma source(%arg9 : memref<1000x32xf32, #tpu.memory_space<vmem>>) target(%dma_start3A_55 : memref<10000x32xf32, #tpu.memory_space<vmem_shared>>) offsets(%arg8 : memref<1000xi32, #tpu.memory_space<vmem>>) semaphore(%run_scoped3A : memref<!tpu.dma_semaphore, #tpu.memory_space<semaphore_mem>>) {add = true}
      %dma_wait3A_56 = arith.constant 0 : i32
      %dma_wait3A_57 = arith.constant 0 : i32
      %dma_wait3A_58 = tpu.memref_slice %arg10[%dma_wait3A_56, %dma_wait3A_57] : memref<10000x32xf32, #tpu.memory_space<vmem_shared>> -> memref<10000x32xf32, #tpu.memory_space<vmem_shared>>
      tpu.wait_indirect_dma semaphore(%run_scoped3A : memref<!tpu.dma_semaphore, #tpu.memory_space<semaphore_mem>>) src(%arg9 : memref<1000x32xf32, #tpu.memory_space<vmem>>) dst(%dma_wait3A_58 : memref<10000x32xf32, #tpu.memory_space<vmem_shared>>)
      tpu.yield
    }) : () -> ()
    %mul3A_32 = arith.constant 5000 : i32
    %mul3A_33 = arith.muli %add3A, %mul3A_32 : i32
    %add3A_34 = arith.constant 3000 : i32
    %add3A_35 = arith.addi %mul3A_33, %add3A_34 : i32
    "tpu.region"() ({
      %run_scoped3A = tpu.sem_alloc : memref<!tpu.dma_semaphore, #tpu.memory_space<semaphore_mem>>
      %dma_start3A_53 = tpu.memref_slice %arg3[%add3A_35] : memref<160000xi32, #tpu.memory_space<hbm>> -> memref<1000xi32, #tpu.memory_space<hbm>>
      %dma_start3A_54 = tpu.memref_slice %arg3[%add3A_35] : memref<160000xi32, #tpu.memory_space<hbm>> -> memref<1000xi32, #tpu.memory_space<hbm>>
      tpu.enqueue_dma source(%dma_start3A_54 : memref<1000xi32, #tpu.memory_space<hbm>>) target(%arg7 : memref<1000xi32, #tpu.memory_space<vmem>>) target_semaphore(%run_scoped3A : memref<!tpu.dma_semaphore, #tpu.memory_space<semaphore_mem>>)
      %dma_wait3A_55 = tpu.memref_slice %arg3[%add3A_35] : memref<160000xi32, #tpu.memory_space<hbm>> -> memref<1000xi32, #tpu.memory_space<hbm>>
      %dma_wait3A_56 = tpu.memref_slice %arg3[%add3A_35] : memref<160000xi32, #tpu.memory_space<hbm>> -> memref<1000xi32, #tpu.memory_space<hbm>>
      tpu.wait_dma2 semaphore(%run_scoped3A : memref<!tpu.dma_semaphore, #tpu.memory_space<semaphore_mem>>) src(%dma_wait3A_56 : memref<1000xi32, #tpu.memory_space<hbm>>) dst(%arg7 : memref<1000xi32, #tpu.memory_space<vmem>>)
      tpu.yield
    }) : () -> ()
    "tpu.region"() ({
      %run_scoped3A = tpu.sem_alloc : memref<!tpu.dma_semaphore, #tpu.memory_space<semaphore_mem>>
      %dma_start3A_53 = tpu.memref_slice %arg4[%add3A_35] : memref<160000xi32, #tpu.memory_space<hbm>> -> memref<1000xi32, #tpu.memory_space<hbm>>
      %dma_start3A_54 = tpu.memref_slice %arg4[%add3A_35] : memref<160000xi32, #tpu.memory_space<hbm>> -> memref<1000xi32, #tpu.memory_space<hbm>>
      tpu.enqueue_dma source(%dma_start3A_54 : memref<1000xi32, #tpu.memory_space<hbm>>) target(%arg8 : memref<1000xi32, #tpu.memory_space<vmem>>) target_semaphore(%run_scoped3A : memref<!tpu.dma_semaphore, #tpu.memory_space<semaphore_mem>>)
      %dma_wait3A_55 = tpu.memref_slice %arg4[%add3A_35] : memref<160000xi32, #tpu.memory_space<hbm>> -> memref<1000xi32, #tpu.memory_space<hbm>>
      %dma_wait3A_56 = tpu.memref_slice %arg4[%add3A_35] : memref<160000xi32, #tpu.memory_space<hbm>> -> memref<1000xi32, #tpu.memory_space<hbm>>
      tpu.wait_dma2 semaphore(%run_scoped3A : memref<!tpu.dma_semaphore, #tpu.memory_space<semaphore_mem>>) src(%dma_wait3A_56 : memref<1000xi32, #tpu.memory_space<hbm>>) dst(%arg8 : memref<1000xi32, #tpu.memory_space<vmem>>)
      tpu.yield
    }) : () -> ()
    %dma_start3A_36 = arith.constant 0 : i32
    %dma_start3A_37 = arith.constant 0 : i32
    %dma_start3A_38 = tpu.memref_slice %arg2[%dma_start3A_36, %dma_start3A_37] : memref<10000x32xf32, #tpu.memory_space<hbm>> -> memref<10000x32xf32, #tpu.memory_space<hbm>>
    tpu.enqueue_indirect_dma source(%dma_start3A_38 : memref<10000x32xf32, #tpu.memory_space<hbm>>) target(%arg9 : memref<1000x32xf32, #tpu.memory_space<vmem>>) offsets(%arg7 : memref<1000xi32, #tpu.memory_space<vmem>>) semaphore(%arg11 : memref<!tpu.dma_semaphore, #tpu.memory_space<semaphore_mem>>)
    %dma_wait3A_39 = arith.constant 0 : i32
    %dma_wait3A_40 = arith.constant 0 : i32
    %dma_wait3A_41 = tpu.memref_slice %arg2[%dma_wait3A_39, %dma_wait3A_40] : memref<10000x32xf32, #tpu.memory_space<hbm>> -> memref<10000x32xf32, #tpu.memory_space<hbm>>
    tpu.wait_indirect_dma semaphore(%arg11 : memref<!tpu.dma_semaphore, #tpu.memory_space<semaphore_mem>>) src(%dma_wait3A_41 : memref<10000x32xf32, #tpu.memory_space<hbm>>) dst(%arg9 : memref<1000x32xf32, #tpu.memory_space<vmem>>)
    "tpu.region"() ({
      %run_scoped3A = tpu.sem_alloc : memref<!tpu.dma_semaphore, #tpu.memory_space<semaphore_mem>>
      %dma_start3A_53 = arith.constant 0 : i32
      %dma_start3A_54 = arith.constant 0 : i32
      %dma_start3A_55 = tpu.memref_slice %arg10[%dma_start3A_53, %dma_start3A_54] : memref<10000x32xf32, #tpu.memory_space<vmem_shared>> -> memref<10000x32xf32, #tpu.memory_space<vmem_shared>>
      tpu.enqueue_indirect_dma source(%arg9 : memref<1000x32xf32, #tpu.memory_space<vmem>>) target(%dma_start3A_55 : memref<10000x32xf32, #tpu.memory_space<vmem_shared>>) offsets(%arg8 : memref<1000xi32, #tpu.memory_space<vmem>>) semaphore(%run_scoped3A : memref<!tpu.dma_semaphore, #tpu.memory_space<semaphore_mem>>) {add = true}
      %dma_wait3A_56 = arith.constant 0 : i32
      %dma_wait3A_57 = arith.constant 0 : i32
      %dma_wait3A_58 = tpu.memref_slice %arg10[%dma_wait3A_56, %dma_wait3A_57] : memref<10000x32xf32, #tpu.memory_space<vmem_shared>> -> memref<10000x32xf32, #tpu.memory_space<vmem_shared>>
      tpu.wait_indirect_dma semaphore(%run_scoped3A : memref<!tpu.dma_semaphore, #tpu.memory_space<semaphore_mem>>) src(%arg9 : memref<1000x32xf32, #tpu.memory_space<vmem>>) dst(%dma_wait3A_58 : memref<10000x32xf32, #tpu.memory_space<vmem_shared>>)
      tpu.yield
    }) : () -> ()
    %mul3A_42 = arith.constant 5000 : i32
    %mul3A_43 = arith.muli %add3A, %mul3A_42 : i32
    %add3A_44 = arith.constant 4000 : i32
    %add3A_45 = arith.addi %mul3A_43, %add3A_44 : i32
    "tpu.region"() ({
      %run_scoped3A = tpu.sem_alloc : memref<!tpu.dma_semaphore, #tpu.memory_space<semaphore_mem>>
      %dma_start3A_53 = tpu.memref_slice %arg3[%add3A_45] : memref<160000xi32, #tpu.memory_space<hbm>> -> memref<1000xi32, #tpu.memory_space<hbm>>
      %dma_start3A_54 = tpu.memref_slice %arg3[%add3A_45] : memref<160000xi32, #tpu.memory_space<hbm>> -> memref<1000xi32, #tpu.memory_space<hbm>>
      tpu.enqueue_dma source(%dma_start3A_54 : memref<1000xi32, #tpu.memory_space<hbm>>) target(%arg7 : memref<1000xi32, #tpu.memory_space<vmem>>) target_semaphore(%run_scoped3A : memref<!tpu.dma_semaphore, #tpu.memory_space<semaphore_mem>>)
      %dma_wait3A_55 = tpu.memref_slice %arg3[%add3A_45] : memref<160000xi32, #tpu.memory_space<hbm>> -> memref<1000xi32, #tpu.memory_space<hbm>>
      %dma_wait3A_56 = tpu.memref_slice %arg3[%add3A_45] : memref<160000xi32, #tpu.memory_space<hbm>> -> memref<1000xi32, #tpu.memory_space<hbm>>
      tpu.wait_dma2 semaphore(%run_scoped3A : memref<!tpu.dma_semaphore, #tpu.memory_space<semaphore_mem>>) src(%dma_wait3A_56 : memref<1000xi32, #tpu.memory_space<hbm>>) dst(%arg7 : memref<1000xi32, #tpu.memory_space<vmem>>)
      tpu.yield
    }) : () -> ()
    "tpu.region"() ({
      %run_scoped3A = tpu.sem_alloc : memref<!tpu.dma_semaphore, #tpu.memory_space<semaphore_mem>>
      %dma_start3A_53 = tpu.memref_slice %arg4[%add3A_45] : memref<160000xi32, #tpu.memory_space<hbm>> -> memref<1000xi32, #tpu.memory_space<hbm>>
      %dma_start3A_54 = tpu.memref_slice %arg4[%add3A_45] : memref<160000xi32, #tpu.memory_space<hbm>> -> memref<1000xi32, #tpu.memory_space<hbm>>
      tpu.enqueue_dma source(%dma_start3A_54 : memref<1000xi32, #tpu.memory_space<hbm>>) target(%arg8 : memref<1000xi32, #tpu.memory_space<vmem>>) target_semaphore(%run_scoped3A : memref<!tpu.dma_semaphore, #tpu.memory_space<semaphore_mem>>)
      %dma_wait3A_55 = tpu.memref_slice %arg4[%add3A_45] : memref<160000xi32, #tpu.memory_space<hbm>> -> memref<1000xi32, #tpu.memory_space<hbm>>
      %dma_wait3A_56 = tpu.memref_slice %arg4[%add3A_45] : memref<160000xi32, #tpu.memory_space<hbm>> -> memref<1000xi32, #tpu.memory_space<hbm>>
      tpu.wait_dma2 semaphore(%run_scoped3A : memref<!tpu.dma_semaphore, #tpu.memory_space<semaphore_mem>>) src(%dma_wait3A_56 : memref<1000xi32, #tpu.memory_space<hbm>>) dst(%arg8 : memref<1000xi32, #tpu.memory_space<vmem>>)
      tpu.yield
    }) : () -> ()
    %dma_start3A_46 = arith.constant 0 : i32
    %dma_start3A_47 = arith.constant 0 : i32
    %dma_start3A_48 = tpu.memref_slice %arg2[%dma_start3A_46, %dma_start3A_47] : memref<10000x32xf32, #tpu.memory_space<hbm>> -> memref<10000x32xf32, #tpu.memory_space<hbm>>
    tpu.enqueue_indirect_dma source(%dma_start3A_48 : memref<10000x32xf32, #tpu.memory_space<hbm>>) target(%arg9 : memref<1000x32xf32, #tpu.memory_space<vmem>>) offsets(%arg7 : memref<1000xi32, #tpu.memory_space<vmem>>) semaphore(%arg11 : memref<!tpu.dma_semaphore, #tpu.memory_space<semaphore_mem>>)
    %dma_wait3A_49 = arith.constant 0 : i32
    %dma_wait3A_50 = arith.constant 0 : i32
    %dma_wait3A_51 = tpu.memref_slice %arg2[%dma_wait3A_49, %dma_wait3A_50] : memref<10000x32xf32, #tpu.memory_space<hbm>> -> memref<10000x32xf32, #tpu.memory_space<hbm>>
    tpu.wait_indirect_dma semaphore(%arg11 : memref<!tpu.dma_semaphore, #tpu.memory_space<semaphore_mem>>) src(%dma_wait3A_51 : memref<10000x32xf32, #tpu.memory_space<hbm>>) dst(%arg9 : memref<1000x32xf32, #tpu.memory_space<vmem>>)
    "tpu.region"() ({
      %run_scoped3A = tpu.sem_alloc : memref<!tpu.dma_semaphore, #tpu.memory_space<semaphore_mem>>
      %dma_start3A_53 = arith.constant 0 : i32
      %dma_start3A_54 = arith.constant 0 : i32
      %dma_start3A_55 = tpu.memref_slice %arg10[%dma_start3A_53, %dma_start3A_54] : memref<10000x32xf32, #tpu.memory_space<vmem_shared>> -> memref<10000x32xf32, #tpu.memory_space<vmem_shared>>
      tpu.enqueue_indirect_dma source(%arg9 : memref<1000x32xf32, #tpu.memory_space<vmem>>) target(%dma_start3A_55 : memref<10000x32xf32, #tpu.memory_space<vmem_shared>>) offsets(%arg8 : memref<1000xi32, #tpu.memory_space<vmem>>) semaphore(%run_scoped3A : memref<!tpu.dma_semaphore, #tpu.memory_space<semaphore_mem>>) {add = true}
      %dma_wait3A_56 = arith.constant 0 : i32
      %dma_wait3A_57 = arith.constant 0 : i32
      %dma_wait3A_58 = tpu.memref_slice %arg10[%dma_wait3A_56, %dma_wait3A_57] : memref<10000x32xf32, #tpu.memory_space<vmem_shared>> -> memref<10000x32xf32, #tpu.memory_space<vmem_shared>>
      tpu.wait_indirect_dma semaphore(%run_scoped3A : memref<!tpu.dma_semaphore, #tpu.memory_space<semaphore_mem>>) src(%arg9 : memref<1000x32xf32, #tpu.memory_space<vmem>>) dst(%dma_wait3A_58 : memref<10000x32xf32, #tpu.memory_space<vmem_shared>>)
      tpu.yield
    }) : () -> ()
    %barrier3A_52 = arith.constant 0 : index
    tpu.barrier barrier_id(%barrier3A_52)
    "tpu.region"() ({
      %run_scoped3A = tpu.sem_alloc : memref<!tpu.dma_semaphore, #tpu.memory_space<semaphore_mem>>
      %dma_start3A_53 = arith.constant 0 : i32
      %dma_start3A_54 = tpu.memref_slice %arg6[%arg0, %min3A_3, %dma_start3A_53] : memref<2x10000x32xf32, #tpu.memory_space<hbm>> -> memref<1x632x32xf32, #tpu.memory_space<hbm>>
      %dma_start3A_55 = tpu.memref_squeeze %dma_start3A_54 : memref<1x632x32xf32, #tpu.memory_space<hbm>> -> memref<632x32xf32, #tpu.memory_space<hbm>>
      %dma_start3A_56 = arith.constant 0 : i32
      %dma_start3A_57 = tpu.memref_slice %arg10[%min3A_3, %dma_start3A_56] : memref<10000x32xf32, #tpu.memory_space<vmem_shared>> -> memref<632x32xf32, #tpu.memory_space<vmem_shared>>
      tpu.enqueue_dma source(%dma_start3A_57 : memref<632x32xf32, #tpu.memory_space<vmem_shared>>) target(%dma_start3A_55 : memref<632x32xf32, #tpu.memory_space<hbm>>) target_semaphore(%run_scoped3A : memref<!tpu.dma_semaphore, #tpu.memory_space<semaphore_mem>>)
      %dma_wait3A_58 = arith.constant 0 : i32
      %dma_wait3A_59 = tpu.memref_slice %arg6[%arg0, %min3A_3, %dma_wait3A_58] : memref<2x10000x32xf32, #tpu.memory_space<hbm>> -> memref<1x632x32xf32, #tpu.memory_space<hbm>>
      %dma_wait3A_60 = tpu.memref_squeeze %dma_wait3A_59 : memref<1x632x32xf32, #tpu.memory_space<hbm>> -> memref<632x32xf32, #tpu.memory_space<hbm>>
      %dma_wait3A_61 = arith.constant 0 : i32
      %dma_wait3A_62 = tpu.memref_slice %arg10[%min3A_3, %dma_wait3A_61] : memref<10000x32xf32, #tpu.memory_space<vmem_shared>> -> memref<632x32xf32, #tpu.memory_space<vmem_shared>>
      tpu.wait_dma2 semaphore(%run_scoped3A : memref<!tpu.dma_semaphore, #tpu.memory_space<semaphore_mem>>) src(%dma_wait3A_62 : memref<632x32xf32, #tpu.memory_space<vmem_shared>>) dst(%dma_wait3A_60 : memref<632x32xf32, #tpu.memory_space<hbm>>)
      tpu.yield
    }) : () -> ()
    return
  }
}

#map = affine_map<(d0, d1) -> (0, 0)>
#map1 = affine_map<(d0, d1) -> (0)>
#map2 = affine_map<(d0, d1) -> (0, 0, 0)>
module attributes {stable_mosaic.version = 14 : i64} {
  func.func @sc_edge_pass_f32(%arg0: i32, %arg1: i32, %arg2: memref<10000x32xf32, #tpu.memory_space<hbm>>, %arg3: memref<160000xi32, #tpu.memory_space<hbm>>, %arg4: memref<160000xi32, #tpu.memory_space<hbm>>, %arg5: memref<10000x32xf32, #tpu.memory_space<hbm>>, %arg6: memref<2x10000x32xf32, #tpu.memory_space<hbm>>, %arg7: memref<1000xi32, #tpu.memory_space<vmem>>, %arg8: memref<1000xi32, #tpu.memory_space<vmem>>, %arg9: memref<1000x32xf32, #tpu.memory_space<vmem>>, %arg10: memref<10000x32xf32, #tpu.memory_space<vmem_shared>>, %arg11: memref<!tpu.dma_semaphore, #tpu.memory_space<semaphore_mem>>) attributes {dimension_semantics = [#tpu.dimension_semantics<core_parallel>, #tpu.dimension_semantics<subcore_parallel>], iteration_bounds = array<i64: 2, 16>, scalar_prefetch = 0 : i64, scratch_operands = 5 : i64, tpu.core_type = #tpu.core_type<sc_vector_subcore>, window_params = [{transform_indices = #map}, {transform_indices = #map1}, {transform_indices = #map1}, {transform_indices = #map}, {transform_indices = #map2}]} {
    %mul3A = arith.constant 16 : i32
    %mul3A_0 = arith.muli %arg0, %mul3A : i32
    %add3A = arith.addi %mul3A_0, %arg1 : i32
    %mul3A_1 = arith.constant 632 : i32
    %mul3A_2 = arith.muli %arg1, %mul3A_1 : i32
    %min3A = arith.constant 9368 : i32
    %min3A_3 = arith.minsi %mul3A_2, %min3A : i32
    "tpu.region"() ({
      %run_scoped3A = tpu.sem_alloc : memref<!tpu.dma_semaphore, #tpu.memory_space<semaphore_mem>>
      %dma_start3A_53 = arith.constant 0 : i32
      %dma_start3A_54 = tpu.memref_slice %arg10[%min3A_3, %dma_start3A_53] : memref<10000x32xf32, #tpu.memory_space<vmem_shared>> -> memref<632x32xf32, #tpu.memory_space<vmem_shared>>
      %dma_start3A_55 = arith.constant 0 : i32
      %dma_start3A_56 = tpu.memref_slice %arg5[%min3A_3, %dma_start3A_55] : memref<10000x32xf32, #tpu.memory_space<hbm>> -> memref<632x32xf32, #tpu.memory_space<hbm>>
      tpu.enqueue_dma source(%dma_start3A_56 : memref<632x32xf32, #tpu.memory_space<hbm>>) target(%dma_start3A_54 : memref<632x32xf32, #tpu.memory_space<vmem_shared>>) target_semaphore(%run_scoped3A : memref<!tpu.dma_semaphore, #tpu.memory_space<semaphore_mem>>)
      %dma_wait3A_57 = arith.constant 0 : i32
      %dma_wait3A_58 = tpu.memref_slice %arg10[%min3A_3, %dma_wait3A_57] : memref<10000x32xf32, #tpu.memory_space<vmem_shared>> -> memref<632x32xf32, #tpu.memory_space<vmem_shared>>
      %dma_wait3A_59 = arith.constant 0 : i32
      %dma_wait3A_60 = tpu.memref_slice %arg5[%min3A_3, %dma_wait3A_59] : memref<10000x32xf32, #tpu.memory_space<hbm>> -> memref<632x32xf32, #tpu.memory_space<hbm>>
      tpu.wait_dma2 semaphore(%run_scoped3A : memref<!tpu.dma_semaphore, #tpu.memory_space<semaphore_mem>>) src(%dma_wait3A_60 : memref<632x32xf32, #tpu.memory_space<hbm>>) dst(%dma_wait3A_58 : memref<632x32xf32, #tpu.memory_space<vmem_shared>>)
      tpu.yield
    }) : () -> ()
    %barrier3A = arith.constant 0 : index
    tpu.barrier barrier_id(%barrier3A)
    %mul3A_4 = arith.constant 5000 : i32
    %mul3A_5 = arith.muli %add3A, %mul3A_4 : i32
    %add3A_6 = arith.constant 0 : i32
    %add3A_7 = arith.addi %mul3A_5, %add3A_6 : i32
    "tpu.region"() ({
      %run_scoped3A = tpu.sem_alloc : memref<!tpu.dma_semaphore, #tpu.memory_space<semaphore_mem>>
      %dma_start3A_53 = tpu.memref_slice %arg3[%add3A_7] : memref<160000xi32, #tpu.memory_space<hbm>> -> memref<1000xi32, #tpu.memory_space<hbm>>
      %dma_start3A_54 = tpu.memref_slice %arg3[%add3A_7] : memref<160000xi32, #tpu.memory_space<hbm>> -> memref<1000xi32, #tpu.memory_space<hbm>>
      tpu.enqueue_dma source(%dma_start3A_54 : memref<1000xi32, #tpu.memory_space<hbm>>) target(%arg7 : memref<1000xi32, #tpu.memory_space<vmem>>) target_semaphore(%run_scoped3A : memref<!tpu.dma_semaphore, #tpu.memory_space<semaphore_mem>>)
      %dma_wait3A_55 = tpu.memref_slice %arg3[%add3A_7] : memref<160000xi32, #tpu.memory_space<hbm>> -> memref<1000xi32, #tpu.memory_space<hbm>>
      %dma_wait3A_56 = tpu.memref_slice %arg3[%add3A_7] : memref<160000xi32, #tpu.memory_space<hbm>> -> memref<1000xi32, #tpu.memory_space<hbm>>
      tpu.wait_dma2 semaphore(%run_scoped3A : memref<!tpu.dma_semaphore, #tpu.memory_space<semaphore_mem>>) src(%dma_wait3A_56 : memref<1000xi32, #tpu.memory_space<hbm>>) dst(%arg7 : memref<1000xi32, #tpu.memory_space<vmem>>)
      tpu.yield
    }) : () -> ()
    "tpu.region"() ({
      %run_scoped3A = tpu.sem_alloc : memref<!tpu.dma_semaphore, #tpu.memory_space<semaphore_mem>>
      %dma_start3A_53 = tpu.memref_slice %arg4[%add3A_7] : memref<160000xi32, #tpu.memory_space<hbm>> -> memref<1000xi32, #tpu.memory_space<hbm>>
      %dma_start3A_54 = tpu.memref_slice %arg4[%add3A_7] : memref<160000xi32, #tpu.memory_space<hbm>> -> memref<1000xi32, #tpu.memory_space<hbm>>
      tpu.enqueue_dma source(%dma_start3A_54 : memref<1000xi32, #tpu.memory_space<hbm>>) target(%arg8 : memref<1000xi32, #tpu.memory_space<vmem>>) target_semaphore(%run_scoped3A : memref<!tpu.dma_semaphore, #tpu.memory_space<semaphore_mem>>)
      %dma_wait3A_55 = tpu.memref_slice %arg4[%add3A_7] : memref<160000xi32, #tpu.memory_space<hbm>> -> memref<1000xi32, #tpu.memory_space<hbm>>
      %dma_wait3A_56 = tpu.memref_slice %arg4[%add3A_7] : memref<160000xi32, #tpu.memory_space<hbm>> -> memref<1000xi32, #tpu.memory_space<hbm>>
      tpu.wait_dma2 semaphore(%run_scoped3A : memref<!tpu.dma_semaphore, #tpu.memory_space<semaphore_mem>>) src(%dma_wait3A_56 : memref<1000xi32, #tpu.memory_space<hbm>>) dst(%arg8 : memref<1000xi32, #tpu.memory_space<vmem>>)
      tpu.yield
    }) : () -> ()
    %dma_start3A = arith.constant 0 : i32
    %dma_start3A_8 = arith.constant 0 : i32
    %dma_start3A_9 = tpu.memref_slice %arg2[%dma_start3A, %dma_start3A_8] : memref<10000x32xf32, #tpu.memory_space<hbm>> -> memref<10000x32xf32, #tpu.memory_space<hbm>>
    tpu.enqueue_indirect_dma source(%dma_start3A_9 : memref<10000x32xf32, #tpu.memory_space<hbm>>) target(%arg9 : memref<1000x32xf32, #tpu.memory_space<vmem>>) offsets(%arg7 : memref<1000xi32, #tpu.memory_space<vmem>>) semaphore(%arg11 : memref<!tpu.dma_semaphore, #tpu.memory_space<semaphore_mem>>)
    %dma_wait3A = arith.constant 0 : i32
    %dma_wait3A_10 = arith.constant 0 : i32
    %dma_wait3A_11 = tpu.memref_slice %arg2[%dma_wait3A, %dma_wait3A_10] : memref<10000x32xf32, #tpu.memory_space<hbm>> -> memref<10000x32xf32, #tpu.memory_space<hbm>>
    tpu.wait_indirect_dma semaphore(%arg11 : memref<!tpu.dma_semaphore, #tpu.memory_space<semaphore_mem>>) src(%dma_wait3A_11 : memref<10000x32xf32, #tpu.memory_space<hbm>>) dst(%arg9 : memref<1000x32xf32, #tpu.memory_space<vmem>>)
    "tpu.region"() ({
      %run_scoped3A = tpu.sem_alloc : memref<!tpu.dma_semaphore, #tpu.memory_space<semaphore_mem>>
      %dma_start3A_53 = arith.constant 0 : i32
      %dma_start3A_54 = arith.constant 0 : i32
      %dma_start3A_55 = tpu.memref_slice %arg10[%dma_start3A_53, %dma_start3A_54] : memref<10000x32xf32, #tpu.memory_space<vmem_shared>> -> memref<10000x32xf32, #tpu.memory_space<vmem_shared>>
      tpu.enqueue_indirect_dma source(%arg9 : memref<1000x32xf32, #tpu.memory_space<vmem>>) target(%dma_start3A_55 : memref<10000x32xf32, #tpu.memory_space<vmem_shared>>) offsets(%arg8 : memref<1000xi32, #tpu.memory_space<vmem>>) semaphore(%run_scoped3A : memref<!tpu.dma_semaphore, #tpu.memory_space<semaphore_mem>>) {add = true}
      %dma_wait3A_56 = arith.constant 0 : i32
      %dma_wait3A_57 = arith.constant 0 : i32
      %dma_wait3A_58 = tpu.memref_slice %arg10[%dma_wait3A_56, %dma_wait3A_57] : memref<10000x32xf32, #tpu.memory_space<vmem_shared>> -> memref<10000x32xf32, #tpu.memory_space<vmem_shared>>
      tpu.wait_indirect_dma semaphore(%run_scoped3A : memref<!tpu.dma_semaphore, #tpu.memory_space<semaphore_mem>>) src(%arg9 : memref<1000x32xf32, #tpu.memory_space<vmem>>) dst(%dma_wait3A_58 : memref<10000x32xf32, #tpu.memory_space<vmem_shared>>)
      tpu.yield
    }) : () -> ()
    %mul3A_12 = arith.constant 5000 : i32
    %mul3A_13 = arith.muli %add3A, %mul3A_12 : i32
    %add3A_14 = arith.constant 1000 : i32
    %add3A_15 = arith.addi %mul3A_13, %add3A_14 : i32
    "tpu.region"() ({
      %run_scoped3A = tpu.sem_alloc : memref<!tpu.dma_semaphore, #tpu.memory_space<semaphore_mem>>
      %dma_start3A_53 = tpu.memref_slice %arg3[%add3A_15] : memref<160000xi32, #tpu.memory_space<hbm>> -> memref<1000xi32, #tpu.memory_space<hbm>>
      %dma_start3A_54 = tpu.memref_slice %arg3[%add3A_15] : memref<160000xi32, #tpu.memory_space<hbm>> -> memref<1000xi32, #tpu.memory_space<hbm>>
      tpu.enqueue_dma source(%dma_start3A_54 : memref<1000xi32, #tpu.memory_space<hbm>>) target(%arg7 : memref<1000xi32, #tpu.memory_space<vmem>>) target_semaphore(%run_scoped3A : memref<!tpu.dma_semaphore, #tpu.memory_space<semaphore_mem>>)
      %dma_wait3A_55 = tpu.memref_slice %arg3[%add3A_15] : memref<160000xi32, #tpu.memory_space<hbm>> -> memref<1000xi32, #tpu.memory_space<hbm>>
      %dma_wait3A_56 = tpu.memref_slice %arg3[%add3A_15] : memref<160000xi32, #tpu.memory_space<hbm>> -> memref<1000xi32, #tpu.memory_space<hbm>>
      tpu.wait_dma2 semaphore(%run_scoped3A : memref<!tpu.dma_semaphore, #tpu.memory_space<semaphore_mem>>) src(%dma_wait3A_56 : memref<1000xi32, #tpu.memory_space<hbm>>) dst(%arg7 : memref<1000xi32, #tpu.memory_space<vmem>>)
      tpu.yield
    }) : () -> ()
    "tpu.region"() ({
      %run_scoped3A = tpu.sem_alloc : memref<!tpu.dma_semaphore, #tpu.memory_space<semaphore_mem>>
      %dma_start3A_53 = tpu.memref_slice %arg4[%add3A_15] : memref<160000xi32, #tpu.memory_space<hbm>> -> memref<1000xi32, #tpu.memory_space<hbm>>
      %dma_start3A_54 = tpu.memref_slice %arg4[%add3A_15] : memref<160000xi32, #tpu.memory_space<hbm>> -> memref<1000xi32, #tpu.memory_space<hbm>>
      tpu.enqueue_dma source(%dma_start3A_54 : memref<1000xi32, #tpu.memory_space<hbm>>) target(%arg8 : memref<1000xi32, #tpu.memory_space<vmem>>) target_semaphore(%run_scoped3A : memref<!tpu.dma_semaphore, #tpu.memory_space<semaphore_mem>>)
      %dma_wait3A_55 = tpu.memref_slice %arg4[%add3A_15] : memref<160000xi32, #tpu.memory_space<hbm>> -> memref<1000xi32, #tpu.memory_space<hbm>>
      %dma_wait3A_56 = tpu.memref_slice %arg4[%add3A_15] : memref<160000xi32, #tpu.memory_space<hbm>> -> memref<1000xi32, #tpu.memory_space<hbm>>
      tpu.wait_dma2 semaphore(%run_scoped3A : memref<!tpu.dma_semaphore, #tpu.memory_space<semaphore_mem>>) src(%dma_wait3A_56 : memref<1000xi32, #tpu.memory_space<hbm>>) dst(%arg8 : memref<1000xi32, #tpu.memory_space<vmem>>)
      tpu.yield
    }) : () -> ()
    %dma_start3A_16 = arith.constant 0 : i32
    %dma_start3A_17 = arith.constant 0 : i32
    %dma_start3A_18 = tpu.memref_slice %arg2[%dma_start3A_16, %dma_start3A_17] : memref<10000x32xf32, #tpu.memory_space<hbm>> -> memref<10000x32xf32, #tpu.memory_space<hbm>>
    tpu.enqueue_indirect_dma source(%dma_start3A_18 : memref<10000x32xf32, #tpu.memory_space<hbm>>) target(%arg9 : memref<1000x32xf32, #tpu.memory_space<vmem>>) offsets(%arg7 : memref<1000xi32, #tpu.memory_space<vmem>>) semaphore(%arg11 : memref<!tpu.dma_semaphore, #tpu.memory_space<semaphore_mem>>)
    %dma_wait3A_19 = arith.constant 0 : i32
    %dma_wait3A_20 = arith.constant 0 : i32
    %dma_wait3A_21 = tpu.memref_slice %arg2[%dma_wait3A_19, %dma_wait3A_20] : memref<10000x32xf32, #tpu.memory_space<hbm>> -> memref<10000x32xf32, #tpu.memory_space<hbm>>
    tpu.wait_indirect_dma semaphore(%arg11 : memref<!tpu.dma_semaphore, #tpu.memory_space<semaphore_mem>>) src(%dma_wait3A_21 : memref<10000x32xf32, #tpu.memory_space<hbm>>) dst(%arg9 : memref<1000x32xf32, #tpu.memory_space<vmem>>)
    "tpu.region"() ({
      %run_scoped3A = tpu.sem_alloc : memref<!tpu.dma_semaphore, #tpu.memory_space<semaphore_mem>>
      %dma_start3A_53 = arith.constant 0 : i32
      %dma_start3A_54 = arith.constant 0 : i32
      %dma_start3A_55 = tpu.memref_slice %arg10[%dma_start3A_53, %dma_start3A_54] : memref<10000x32xf32, #tpu.memory_space<vmem_shared>> -> memref<10000x32xf32, #tpu.memory_space<vmem_shared>>
      tpu.enqueue_indirect_dma source(%arg9 : memref<1000x32xf32, #tpu.memory_space<vmem>>) target(%dma_start3A_55 : memref<10000x32xf32, #tpu.memory_space<vmem_shared>>) offsets(%arg8 : memref<1000xi32, #tpu.memory_space<vmem>>) semaphore(%run_scoped3A : memref<!tpu.dma_semaphore, #tpu.memory_space<semaphore_mem>>) {add = true}
      %dma_wait3A_56 = arith.constant 0 : i32
      %dma_wait3A_57 = arith.constant 0 : i32
      %dma_wait3A_58 = tpu.memref_slice %arg10[%dma_wait3A_56, %dma_wait3A_57] : memref<10000x32xf32, #tpu.memory_space<vmem_shared>> -> memref<10000x32xf32, #tpu.memory_space<vmem_shared>>
      tpu.wait_indirect_dma semaphore(%run_scoped3A : memref<!tpu.dma_semaphore, #tpu.memory_space<semaphore_mem>>) src(%arg9 : memref<1000x32xf32, #tpu.memory_space<vmem>>) dst(%dma_wait3A_58 : memref<10000x32xf32, #tpu.memory_space<vmem_shared>>)
      tpu.yield
    }) : () -> ()
    %mul3A_22 = arith.constant 5000 : i32
    %mul3A_23 = arith.muli %add3A, %mul3A_22 : i32
    %add3A_24 = arith.constant 2000 : i32
    %add3A_25 = arith.addi %mul3A_23, %add3A_24 : i32
    "tpu.region"() ({
      %run_scoped3A = tpu.sem_alloc : memref<!tpu.dma_semaphore, #tpu.memory_space<semaphore_mem>>
      %dma_start3A_53 = tpu.memref_slice %arg3[%add3A_25] : memref<160000xi32, #tpu.memory_space<hbm>> -> memref<1000xi32, #tpu.memory_space<hbm>>
      %dma_start3A_54 = tpu.memref_slice %arg3[%add3A_25] : memref<160000xi32, #tpu.memory_space<hbm>> -> memref<1000xi32, #tpu.memory_space<hbm>>
      tpu.enqueue_dma source(%dma_start3A_54 : memref<1000xi32, #tpu.memory_space<hbm>>) target(%arg7 : memref<1000xi32, #tpu.memory_space<vmem>>) target_semaphore(%run_scoped3A : memref<!tpu.dma_semaphore, #tpu.memory_space<semaphore_mem>>)
      %dma_wait3A_55 = tpu.memref_slice %arg3[%add3A_25] : memref<160000xi32, #tpu.memory_space<hbm>> -> memref<1000xi32, #tpu.memory_space<hbm>>
      %dma_wait3A_56 = tpu.memref_slice %arg3[%add3A_25] : memref<160000xi32, #tpu.memory_space<hbm>> -> memref<1000xi32, #tpu.memory_space<hbm>>
      tpu.wait_dma2 semaphore(%run_scoped3A : memref<!tpu.dma_semaphore, #tpu.memory_space<semaphore_mem>>) src(%dma_wait3A_56 : memref<1000xi32, #tpu.memory_space<hbm>>) dst(%arg7 : memref<1000xi32, #tpu.memory_space<vmem>>)
      tpu.yield
    }) : () -> ()
    "tpu.region"() ({
      %run_scoped3A = tpu.sem_alloc : memref<!tpu.dma_semaphore, #tpu.memory_space<semaphore_mem>>
      %dma_start3A_53 = tpu.memref_slice %arg4[%add3A_25] : memref<160000xi32, #tpu.memory_space<hbm>> -> memref<1000xi32, #tpu.memory_space<hbm>>
      %dma_start3A_54 = tpu.memref_slice %arg4[%add3A_25] : memref<160000xi32, #tpu.memory_space<hbm>> -> memref<1000xi32, #tpu.memory_space<hbm>>
      tpu.enqueue_dma source(%dma_start3A_54 : memref<1000xi32, #tpu.memory_space<hbm>>) target(%arg8 : memref<1000xi32, #tpu.memory_space<vmem>>) target_semaphore(%run_scoped3A : memref<!tpu.dma_semaphore, #tpu.memory_space<semaphore_mem>>)
      %dma_wait3A_55 = tpu.memref_slice %arg4[%add3A_25] : memref<160000xi32, #tpu.memory_space<hbm>> -> memref<1000xi32, #tpu.memory_space<hbm>>
      %dma_wait3A_56 = tpu.memref_slice %arg4[%add3A_25] : memref<160000xi32, #tpu.memory_space<hbm>> -> memref<1000xi32, #tpu.memory_space<hbm>>
      tpu.wait_dma2 semaphore(%run_scoped3A : memref<!tpu.dma_semaphore, #tpu.memory_space<semaphore_mem>>) src(%dma_wait3A_56 : memref<1000xi32, #tpu.memory_space<hbm>>) dst(%arg8 : memref<1000xi32, #tpu.memory_space<vmem>>)
      tpu.yield
    }) : () -> ()
    %dma_start3A_26 = arith.constant 0 : i32
    %dma_start3A_27 = arith.constant 0 : i32
    %dma_start3A_28 = tpu.memref_slice %arg2[%dma_start3A_26, %dma_start3A_27] : memref<10000x32xf32, #tpu.memory_space<hbm>> -> memref<10000x32xf32, #tpu.memory_space<hbm>>
    tpu.enqueue_indirect_dma source(%dma_start3A_28 : memref<10000x32xf32, #tpu.memory_space<hbm>>) target(%arg9 : memref<1000x32xf32, #tpu.memory_space<vmem>>) offsets(%arg7 : memref<1000xi32, #tpu.memory_space<vmem>>) semaphore(%arg11 : memref<!tpu.dma_semaphore, #tpu.memory_space<semaphore_mem>>)
    %dma_wait3A_29 = arith.constant 0 : i32
    %dma_wait3A_30 = arith.constant 0 : i32
    %dma_wait3A_31 = tpu.memref_slice %arg2[%dma_wait3A_29, %dma_wait3A_30] : memref<10000x32xf32, #tpu.memory_space<hbm>> -> memref<10000x32xf32, #tpu.memory_space<hbm>>
    tpu.wait_indirect_dma semaphore(%arg11 : memref<!tpu.dma_semaphore, #tpu.memory_space<semaphore_mem>>) src(%dma_wait3A_31 : memref<10000x32xf32, #tpu.memory_space<hbm>>) dst(%arg9 : memref<1000x32xf32, #tpu.memory_space<vmem>>)
    "tpu.region"() ({
      %run_scoped3A = tpu.sem_alloc : memref<!tpu.dma_semaphore, #tpu.memory_space<semaphore_mem>>
      %dma_start3A_53 = arith.constant 0 : i32
      %dma_start3A_54 = arith.constant 0 : i32
      %dma_start3A_55 = tpu.memref_slice %arg10[%dma_start3A_53, %dma_start3A_54] : memref<10000x32xf32, #tpu.memory_space<vmem_shared>> -> memref<10000x32xf32, #tpu.memory_space<vmem_shared>>
      tpu.enqueue_indirect_dma source(%arg9 : memref<1000x32xf32, #tpu.memory_space<vmem>>) target(%dma_start3A_55 : memref<10000x32xf32, #tpu.memory_space<vmem_shared>>) offsets(%arg8 : memref<1000xi32, #tpu.memory_space<vmem>>) semaphore(%run_scoped3A : memref<!tpu.dma_semaphore, #tpu.memory_space<semaphore_mem>>) {add = true}
      %dma_wait3A_56 = arith.constant 0 : i32
      %dma_wait3A_57 = arith.constant 0 : i32
      %dma_wait3A_58 = tpu.memref_slice %arg10[%dma_wait3A_56, %dma_wait3A_57] : memref<10000x32xf32, #tpu.memory_space<vmem_shared>> -> memref<10000x32xf32, #tpu.memory_space<vmem_shared>>
      tpu.wait_indirect_dma semaphore(%run_scoped3A : memref<!tpu.dma_semaphore, #tpu.memory_space<semaphore_mem>>) src(%arg9 : memref<1000x32xf32, #tpu.memory_space<vmem>>) dst(%dma_wait3A_58 : memref<10000x32xf32, #tpu.memory_space<vmem_shared>>)
      tpu.yield
    }) : () -> ()
    %mul3A_32 = arith.constant 5000 : i32
    %mul3A_33 = arith.muli %add3A, %mul3A_32 : i32
    %add3A_34 = arith.constant 3000 : i32
    %add3A_35 = arith.addi %mul3A_33, %add3A_34 : i32
    "tpu.region"() ({
      %run_scoped3A = tpu.sem_alloc : memref<!tpu.dma_semaphore, #tpu.memory_space<semaphore_mem>>
      %dma_start3A_53 = tpu.memref_slice %arg3[%add3A_35] : memref<160000xi32, #tpu.memory_space<hbm>> -> memref<1000xi32, #tpu.memory_space<hbm>>
      %dma_start3A_54 = tpu.memref_slice %arg3[%add3A_35] : memref<160000xi32, #tpu.memory_space<hbm>> -> memref<1000xi32, #tpu.memory_space<hbm>>
      tpu.enqueue_dma source(%dma_start3A_54 : memref<1000xi32, #tpu.memory_space<hbm>>) target(%arg7 : memref<1000xi32, #tpu.memory_space<vmem>>) target_semaphore(%run_scoped3A : memref<!tpu.dma_semaphore, #tpu.memory_space<semaphore_mem>>)
      %dma_wait3A_55 = tpu.memref_slice %arg3[%add3A_35] : memref<160000xi32, #tpu.memory_space<hbm>> -> memref<1000xi32, #tpu.memory_space<hbm>>
      %dma_wait3A_56 = tpu.memref_slice %arg3[%add3A_35] : memref<160000xi32, #tpu.memory_space<hbm>> -> memref<1000xi32, #tpu.memory_space<hbm>>
      tpu.wait_dma2 semaphore(%run_scoped3A : memref<!tpu.dma_semaphore, #tpu.memory_space<semaphore_mem>>) src(%dma_wait3A_56 : memref<1000xi32, #tpu.memory_space<hbm>>) dst(%arg7 : memref<1000xi32, #tpu.memory_space<vmem>>)
      tpu.yield
    }) : () -> ()
    "tpu.region"() ({
      %run_scoped3A = tpu.sem_alloc : memref<!tpu.dma_semaphore, #tpu.memory_space<semaphore_mem>>
      %dma_start3A_53 = tpu.memref_slice %arg4[%add3A_35] : memref<160000xi32, #tpu.memory_space<hbm>> -> memref<1000xi32, #tpu.memory_space<hbm>>
      %dma_start3A_54 = tpu.memref_slice %arg4[%add3A_35] : memref<160000xi32, #tpu.memory_space<hbm>> -> memref<1000xi32, #tpu.memory_space<hbm>>
      tpu.enqueue_dma source(%dma_start3A_54 : memref<1000xi32, #tpu.memory_space<hbm>>) target(%arg8 : memref<1000xi32, #tpu.memory_space<vmem>>) target_semaphore(%run_scoped3A : memref<!tpu.dma_semaphore, #tpu.memory_space<semaphore_mem>>)
      %dma_wait3A_55 = tpu.memref_slice %arg4[%add3A_35] : memref<160000xi32, #tpu.memory_space<hbm>> -> memref<1000xi32, #tpu.memory_space<hbm>>
      %dma_wait3A_56 = tpu.memref_slice %arg4[%add3A_35] : memref<160000xi32, #tpu.memory_space<hbm>> -> memref<1000xi32, #tpu.memory_space<hbm>>
      tpu.wait_dma2 semaphore(%run_scoped3A : memref<!tpu.dma_semaphore, #tpu.memory_space<semaphore_mem>>) src(%dma_wait3A_56 : memref<1000xi32, #tpu.memory_space<hbm>>) dst(%arg8 : memref<1000xi32, #tpu.memory_space<vmem>>)
      tpu.yield
    }) : () -> ()
    %dma_start3A_36 = arith.constant 0 : i32
    %dma_start3A_37 = arith.constant 0 : i32
    %dma_start3A_38 = tpu.memref_slice %arg2[%dma_start3A_36, %dma_start3A_37] : memref<10000x32xf32, #tpu.memory_space<hbm>> -> memref<10000x32xf32, #tpu.memory_space<hbm>>
    tpu.enqueue_indirect_dma source(%dma_start3A_38 : memref<10000x32xf32, #tpu.memory_space<hbm>>) target(%arg9 : memref<1000x32xf32, #tpu.memory_space<vmem>>) offsets(%arg7 : memref<1000xi32, #tpu.memory_space<vmem>>) semaphore(%arg11 : memref<!tpu.dma_semaphore, #tpu.memory_space<semaphore_mem>>)
    %dma_wait3A_39 = arith.constant 0 : i32
    %dma_wait3A_40 = arith.constant 0 : i32
    %dma_wait3A_41 = tpu.memref_slice %arg2[%dma_wait3A_39, %dma_wait3A_40] : memref<10000x32xf32, #tpu.memory_space<hbm>> -> memref<10000x32xf32, #tpu.memory_space<hbm>>
    tpu.wait_indirect_dma semaphore(%arg11 : memref<!tpu.dma_semaphore, #tpu.memory_space<semaphore_mem>>) src(%dma_wait3A_41 : memref<10000x32xf32, #tpu.memory_space<hbm>>) dst(%arg9 : memref<1000x32xf32, #tpu.memory_space<vmem>>)
    "tpu.region"() ({
      %run_scoped3A = tpu.sem_alloc : memref<!tpu.dma_semaphore, #tpu.memory_space<semaphore_mem>>
      %dma_start3A_53 = arith.constant 0 : i32
      %dma_start3A_54 = arith.constant 0 : i32
      %dma_start3A_55 = tpu.memref_slice %arg10[%dma_start3A_53, %dma_start3A_54] : memref<10000x32xf32, #tpu.memory_space<vmem_shared>> -> memref<10000x32xf32, #tpu.memory_space<vmem_shared>>
      tpu.enqueue_indirect_dma source(%arg9 : memref<1000x32xf32, #tpu.memory_space<vmem>>) target(%dma_start3A_55 : memref<10000x32xf32, #tpu.memory_space<vmem_shared>>) offsets(%arg8 : memref<1000xi32, #tpu.memory_space<vmem>>) semaphore(%run_scoped3A : memref<!tpu.dma_semaphore, #tpu.memory_space<semaphore_mem>>) {add = true}
      %dma_wait3A_56 = arith.constant 0 : i32
      %dma_wait3A_57 = arith.constant 0 : i32
      %dma_wait3A_58 = tpu.memref_slice %arg10[%dma_wait3A_56, %dma_wait3A_57] : memref<10000x32xf32, #tpu.memory_space<vmem_shared>> -> memref<10000x32xf32, #tpu.memory_space<vmem_shared>>
      tpu.wait_indirect_dma semaphore(%run_scoped3A : memref<!tpu.dma_semaphore, #tpu.memory_space<semaphore_mem>>) src(%arg9 : memref<1000x32xf32, #tpu.memory_space<vmem>>) dst(%dma_wait3A_58 : memref<10000x32xf32, #tpu.memory_space<vmem_shared>>)
      tpu.yield
    }) : () -> ()
    %mul3A_42 = arith.constant 5000 : i32
    %mul3A_43 = arith.muli %add3A, %mul3A_42 : i32
    %add3A_44 = arith.constant 4000 : i32
    %add3A_45 = arith.addi %mul3A_43, %add3A_44 : i32
    "tpu.region"() ({
      %run_scoped3A = tpu.sem_alloc : memref<!tpu.dma_semaphore, #tpu.memory_space<semaphore_mem>>
      %dma_start3A_53 = tpu.memref_slice %arg3[%add3A_45] : memref<160000xi32, #tpu.memory_space<hbm>> -> memref<1000xi32, #tpu.memory_space<hbm>>
      %dma_start3A_54 = tpu.memref_slice %arg3[%add3A_45] : memref<160000xi32, #tpu.memory_space<hbm>> -> memref<1000xi32, #tpu.memory_space<hbm>>
      tpu.enqueue_dma source(%dma_start3A_54 : memref<1000xi32, #tpu.memory_space<hbm>>) target(%arg7 : memref<1000xi32, #tpu.memory_space<vmem>>) target_semaphore(%run_scoped3A : memref<!tpu.dma_semaphore, #tpu.memory_space<semaphore_mem>>)
      %dma_wait3A_55 = tpu.memref_slice %arg3[%add3A_45] : memref<160000xi32, #tpu.memory_space<hbm>> -> memref<1000xi32, #tpu.memory_space<hbm>>
      %dma_wait3A_56 = tpu.memref_slice %arg3[%add3A_45] : memref<160000xi32, #tpu.memory_space<hbm>> -> memref<1000xi32, #tpu.memory_space<hbm>>
      tpu.wait_dma2 semaphore(%run_scoped3A : memref<!tpu.dma_semaphore, #tpu.memory_space<semaphore_mem>>) src(%dma_wait3A_56 : memref<1000xi32, #tpu.memory_space<hbm>>) dst(%arg7 : memref<1000xi32, #tpu.memory_space<vmem>>)
      tpu.yield
    }) : () -> ()
    "tpu.region"() ({
      %run_scoped3A = tpu.sem_alloc : memref<!tpu.dma_semaphore, #tpu.memory_space<semaphore_mem>>
      %dma_start3A_53 = tpu.memref_slice %arg4[%add3A_45] : memref<160000xi32, #tpu.memory_space<hbm>> -> memref<1000xi32, #tpu.memory_space<hbm>>
      %dma_start3A_54 = tpu.memref_slice %arg4[%add3A_45] : memref<160000xi32, #tpu.memory_space<hbm>> -> memref<1000xi32, #tpu.memory_space<hbm>>
      tpu.enqueue_dma source(%dma_start3A_54 : memref<1000xi32, #tpu.memory_space<hbm>>) target(%arg8 : memref<1000xi32, #tpu.memory_space<vmem>>) target_semaphore(%run_scoped3A : memref<!tpu.dma_semaphore, #tpu.memory_space<semaphore_mem>>)
      %dma_wait3A_55 = tpu.memref_slice %arg4[%add3A_45] : memref<160000xi32, #tpu.memory_space<hbm>> -> memref<1000xi32, #tpu.memory_space<hbm>>
      %dma_wait3A_56 = tpu.memref_slice %arg4[%add3A_45] : memref<160000xi32, #tpu.memory_space<hbm>> -> memref<1000xi32, #tpu.memory_space<hbm>>
      tpu.wait_dma2 semaphore(%run_scoped3A : memref<!tpu.dma_semaphore, #tpu.memory_space<semaphore_mem>>) src(%dma_wait3A_56 : memref<1000xi32, #tpu.memory_space<hbm>>) dst(%arg8 : memref<1000xi32, #tpu.memory_space<vmem>>)
      tpu.yield
    }) : () -> ()
    %dma_start3A_46 = arith.constant 0 : i32
    %dma_start3A_47 = arith.constant 0 : i32
    %dma_start3A_48 = tpu.memref_slice %arg2[%dma_start3A_46, %dma_start3A_47] : memref<10000x32xf32, #tpu.memory_space<hbm>> -> memref<10000x32xf32, #tpu.memory_space<hbm>>
    tpu.enqueue_indirect_dma source(%dma_start3A_48 : memref<10000x32xf32, #tpu.memory_space<hbm>>) target(%arg9 : memref<1000x32xf32, #tpu.memory_space<vmem>>) offsets(%arg7 : memref<1000xi32, #tpu.memory_space<vmem>>) semaphore(%arg11 : memref<!tpu.dma_semaphore, #tpu.memory_space<semaphore_mem>>)
    %dma_wait3A_49 = arith.constant 0 : i32
    %dma_wait3A_50 = arith.constant 0 : i32
    %dma_wait3A_51 = tpu.memref_slice %arg2[%dma_wait3A_49, %dma_wait3A_50] : memref<10000x32xf32, #tpu.memory_space<hbm>> -> memref<10000x32xf32, #tpu.memory_space<hbm>>
    tpu.wait_indirect_dma semaphore(%arg11 : memref<!tpu.dma_semaphore, #tpu.memory_space<semaphore_mem>>) src(%dma_wait3A_51 : memref<10000x32xf32, #tpu.memory_space<hbm>>) dst(%arg9 : memref<1000x32xf32, #tpu.memory_space<vmem>>)
    "tpu.region"() ({
      %run_scoped3A = tpu.sem_alloc : memref<!tpu.dma_semaphore, #tpu.memory_space<semaphore_mem>>
      %dma_start3A_53 = arith.constant 0 : i32
      %dma_start3A_54 = arith.constant 0 : i32
      %dma_start3A_55 = tpu.memref_slice %arg10[%dma_start3A_53, %dma_start3A_54] : memref<10000x32xf32, #tpu.memory_space<vmem_shared>> -> memref<10000x32xf32, #tpu.memory_space<vmem_shared>>
      tpu.enqueue_indirect_dma source(%arg9 : memref<1000x32xf32, #tpu.memory_space<vmem>>) target(%dma_start3A_55 : memref<10000x32xf32, #tpu.memory_space<vmem_shared>>) offsets(%arg8 : memref<1000xi32, #tpu.memory_space<vmem>>) semaphore(%run_scoped3A : memref<!tpu.dma_semaphore, #tpu.memory_space<semaphore_mem>>) {add = true}
      %dma_wait3A_56 = arith.constant 0 : i32
      %dma_wait3A_57 = arith.constant 0 : i32
      %dma_wait3A_58 = tpu.memref_slice %arg10[%dma_wait3A_56, %dma_wait3A_57] : memref<10000x32xf32, #tpu.memory_space<vmem_shared>> -> memref<10000x32xf32, #tpu.memory_space<vmem_shared>>
      tpu.wait_indirect_dma semaphore(%run_scoped3A : memref<!tpu.dma_semaphore, #tpu.memory_space<semaphore_mem>>) src(%arg9 : memref<1000x32xf32, #tpu.memory_space<vmem>>) dst(%dma_wait3A_58 : memref<10000x32xf32, #tpu.memory_space<vmem_shared>>)
      tpu.yield
    }) : () -> ()
    %barrier3A_52 = arith.constant 0 : index
    tpu.barrier barrier_id(%barrier3A_52)
    "tpu.region"() ({
      %run_scoped3A = tpu.sem_alloc : memref<!tpu.dma_semaphore, #tpu.memory_space<semaphore_mem>>
      %dma_start3A_53 = arith.constant 0 : i32
      %dma_start3A_54 = tpu.memref_slice %arg6[%arg0, %min3A_3, %dma_start3A_53] : memref<2x10000x32xf32, #tpu.memory_space<hbm>> -> memref<1x632x32xf32, #tpu.memory_space<hbm>>
      %dma_start3A_55 = tpu.memref_squeeze %dma_start3A_54 : memref<1x632x32xf32, #tpu.memory_space<hbm>> -> memref<632x32xf32, #tpu.memory_space<hbm>>
      %dma_start3A_56 = arith.constant 0 : i32
      %dma_start3A_57 = tpu.memref_slice %arg10[%min3A_3, %dma_start3A_56] : memref<10000x32xf32, #tpu.memory_space<vmem_shared>> -> memref<632x32xf32, #tpu.memory_space<vmem_shared>>
      tpu.enqueue_dma source(%dma_start3A_57 : memref<632x32xf32, #tpu.memory_space<vmem_shared>>) target(%dma_start3A_55 : memref<632x32xf32, #tpu.memory_space<hbm>>) target_semaphore(%run_scoped3A : memref<!tpu.dma_semaphore, #tpu.memory_space<semaphore_mem>>)
      %dma_wait3A_58 = arith.constant 0 : i32
      %dma_wait3A_59 = tpu.memref_slice %arg6[%arg0, %min3A_3, %dma_wait3A_58] : memref<2x10000x32xf32, #tpu.memory_space<hbm>> -> memref<1x632x32xf32, #tpu.memory_space<hbm>>
      %dma_wait3A_60 = tpu.memref_squeeze %dma_wait3A_59 : memref<1x632x32xf32, #tpu.memory_space<hbm>> -> memref<632x32xf32, #tpu.memory_space<hbm>>
      %dma_wait3A_61 = arith.constant 0 : i32
      %dma_wait3A_62 = tpu.memref_slice %arg10[%min3A_3, %dma_wait3A_61] : memref<10000x32xf32, #tpu.memory_space<vmem_shared>> -> memref<632x32xf32, #tpu.memory_space<vmem_shared>>
      tpu.wait_dma2 semaphore(%run_scoped3A : memref<!tpu.dma_semaphore, #tpu.memory_space<semaphore_mem>>) src(%dma_wait3A_62 : memref<632x32xf32, #tpu.memory_space<vmem_shared>>) dst(%dma_wait3A_60 : memref<632x32xf32, #tpu.memory_space<hbm>>)
      tpu.yield
    }) : () -> ()
    return
  }
}

module attributes {stable_mosaic.version = 14 : i64} {
  func.func @_stage0_body(%arg0: i32, %arg1: memref<2048x128xf32, #tpu.memory_space<vmem>>, %arg2: memref<128x32xf32, #tpu.memory_space<vmem>>, %arg3: memref<128x32xf32, #tpu.memory_space<vmem>>, %arg4: memref<2x2048xf32, #tpu.memory_space<vmem>>, %arg5: memref<2048x32xf32, #tpu.memory_space<vmem>>, %arg6: memref<2048x32xf32, #tpu.memory_space<vmem>>) attributes {dimension_semantics = [#tpu.dimension_semantics<arbitrary>], iteration_bounds = array<i64: 5>, scalar_prefetch = 0 : i64, scratch_operands = 0 : i64, tpu.core_type = #tpu.core_type<tc>, window_params = [{transform_indices = @transform_0, window_bounds = array<i64: 2048, 128>}, {pipeline_mode = #tpu.pipeline_mode<synchronous>, transform_indices = @transform_1, window_bounds = array<i64: 128, 32>}, {pipeline_mode = #tpu.pipeline_mode<synchronous>, transform_indices = @transform_2, window_bounds = array<i64: 128, 32>}, {transform_indices = @transform_3, window_bounds = array<i64: 2, 2048>}, {transform_indices = @transform_4, window_bounds = array<i64: 2048, 32>}, {transform_indices = @transform_5, window_bounds = array<i64: 2048, 32>}]} {
    %get3A = arith.constant 0 : index
    %get3A_0 = arith.constant 0 : index
    %get3A_1 = vector.load %arg4[%get3A, %get3A_0] : memref<2x2048xf32, #tpu.memory_space<vmem>>, vector<1x2048xf32>
    %get3A_2 = vector.shape_cast %get3A_1 : vector<1x2048xf32> to vector<2048xf32>
    %get3A_3 = arith.constant 1 : index
    %get3A_4 = arith.constant 0 : index
    %get3A_5 = vector.load %arg4[%get3A_3, %get3A_4] : memref<2x2048xf32, #tpu.memory_space<vmem>>, vector<1x2048xf32>
    %get3A_6 = vector.shape_cast %get3A_5 : vector<1x2048xf32> to vector<2048xf32>
    %add3A = arith.addf %get3A_2, %get3A_6 : vector<2048xf32>
    %max3A = arith.constant 1.000000e+00 : f32
    %max3A_7 = vector.broadcast %max3A : f32 to vector<2048xf32>
    %max3A_8 = arith.maximumf %add3A, %max3A_7 : vector<2048xf32>
    %rsqrt3A = math.rsqrt %max3A_8 : vector<2048xf32>
    %get3A_9 = arith.constant 0 : index
    %get3A_10 = arith.constant 0 : index
    %get3A_11 = vector.load %arg1[%get3A_9, %get3A_10] : memref<2048x128xf32, #tpu.memory_space<vmem>>, vector<2048x128xf32>
    %get3A_12 = arith.constant 0 : index
    %get3A_13 = arith.constant 0 : index
    %get3A_14 = vector.load %arg2[%get3A_12, %get3A_13] : memref<128x32xf32, #tpu.memory_space<vmem>>, vector<128x32xf32>
    %dot_general3A = arith.constant dense<0.000000e+00> : vector<2048x32xf32>
    %dot_general3A_15 = tpu.matmul %get3A_11, %get3A_14, %dot_general3A {dimension_numbers = #tpu.dot_dimension_numbers<[1], [0], [0], [1], [0, 0, 1, 1], [], []>, transpose_lhs_hint = false} : vector<2048x128xf32>, vector<128x32xf32>, vector<2048x32xf32> -> vector<2048x32xf32>
    %broadcast_in_dim3A = vector.shape_cast %rsqrt3A : vector<2048xf32> to vector<2048x1xf32>
    %mul3A = vector.broadcast %broadcast_in_dim3A : vector<2048x1xf32> to vector<2048x32xf32>
    %mul3A_16 = arith.mulf %dot_general3A_15, %mul3A : vector<2048x32xf32>
    %swap3A = arith.constant 0 : index
    %swap3A_17 = arith.constant 0 : index
    %swap3A_18 = vector.load %arg5[%swap3A, %swap3A_17] : memref<2048x32xf32, #tpu.memory_space<vmem>>, vector<2048x32xf32>
    tpu.vector_store %arg5[%swap3A, %swap3A_17], %mul3A_16 {strides = array<i32>} : memref<2048x32xf32, #tpu.memory_space<vmem>>, vector<2048x32xf32>,
    %get3A_19 = arith.constant 0 : index
    %get3A_20 = arith.constant 0 : index
    %get3A_21 = vector.load %arg1[%get3A_19, %get3A_20] : memref<2048x128xf32, #tpu.memory_space<vmem>>, vector<2048x128xf32>
    %get3A_22 = arith.constant 0 : index
    %get3A_23 = arith.constant 0 : index
    %get3A_24 = vector.load %arg3[%get3A_22, %get3A_23] : memref<128x32xf32, #tpu.memory_space<vmem>>, vector<128x32xf32>
    %dot_general3A_25 = arith.constant dense<0.000000e+00> : vector<2048x32xf32>
    %dot_general3A_26 = tpu.matmul %get3A_21, %get3A_24, %dot_general3A_25 {dimension_numbers = #tpu.dot_dimension_numbers<[1], [0], [0], [1], [0, 0, 1, 1], [], []>, transpose_lhs_hint = false} : vector<2048x128xf32>, vector<128x32xf32>, vector<2048x32xf32> -> vector<2048x32xf32>
    %max3A_27 = arith.constant 0.000000e+00 : f32
    %max3A_28 = vector.broadcast %max3A_27 : f32 to vector<2048x32xf32>
    %max3A_29 = arith.maximumf %dot_general3A_26, %max3A_28 : vector<2048x32xf32>
    %swap3A_30 = arith.constant 0 : index
    %swap3A_31 = arith.constant 0 : index
    %swap3A_32 = vector.load %arg6[%swap3A_30, %swap3A_31] : memref<2048x32xf32, #tpu.memory_space<vmem>>, vector<2048x32xf32>
    tpu.vector_store %arg6[%swap3A_30, %swap3A_31], %max3A_29 {strides = array<i32>} : memref<2048x32xf32, #tpu.memory_space<vmem>>, vector<2048x32xf32>,
    return
  }
  func.func @transform_0(%arg0: i32) -> (i32, i32) {
    %c0_i32 = arith.constant 0 : i32
    %c0_i32_0 = arith.constant 0 : i32
    return %arg0, %c0_i32 : i32, i32
  }
  func.func @transform_1(%arg0: i32) -> (i32, i32) {
    %c0_i32 = arith.constant 0 : i32
    %c0_i32_0 = arith.constant 0 : i32
    %c0_i32_1 = arith.constant 0 : i32
    return %c0_i32, %c0_i32_0 : i32, i32
  }
  func.func @transform_2(%arg0: i32) -> (i32, i32) {
    %c0_i32 = arith.constant 0 : i32
    %c0_i32_0 = arith.constant 0 : i32
    %c0_i32_1 = arith.constant 0 : i32
    return %c0_i32, %c0_i32_0 : i32, i32
  }
  func.func @transform_3(%arg0: i32) -> (i32, i32) {
    %c0_i32 = arith.constant 0 : i32
    %c0_i32_0 = arith.constant 0 : i32
    return %c0_i32, %arg0 : i32, i32
  }
  func.func @transform_4(%arg0: i32) -> (i32, i32) {
    %c0_i32 = arith.constant 0 : i32
    %c0_i32_0 = arith.constant 0 : i32
    return %arg0, %c0_i32 : i32, i32
  }
  func.func @transform_5(%arg0: i32) -> (i32, i32) {
    %c0_i32 = arith.constant 0 : i32
    %c0_i32_0 = arith.constant 0 : i32
    return %arg0, %c0_i32 : i32, i32
  }
}

module attributes {stable_mosaic.version = 14 : i64} {
  func.func @_stage_mid_body(%arg0: i32, %arg1: memref<2x2048x32xf32, #tpu.memory_space<vmem>>, %arg2: memref<2x2048xf32, #tpu.memory_space<vmem>>, %arg3: memref<2048x32xf32, #tpu.memory_space<vmem>>, %arg4: memref<32x32xf32, #tpu.memory_space<vmem>>, %arg5: memref<2048x32xf32, #tpu.memory_space<vmem>>) attributes {dimension_semantics = [#tpu.dimension_semantics<arbitrary>], iteration_bounds = array<i64: 5>, scalar_prefetch = 0 : i64, scratch_operands = 0 : i64, tpu.core_type = #tpu.core_type<tc>, window_params = [{transform_indices = @transform_0, window_bounds = array<i64: 2, 2048, 32>}, {transform_indices = @transform_1, window_bounds = array<i64: 2, 2048>}, {transform_indices = @transform_2, window_bounds = array<i64: 2048, 32>}, {pipeline_mode = #tpu.pipeline_mode<synchronous>, transform_indices = @transform_3, window_bounds = array<i64: 32, 32>}, {transform_indices = @transform_4, window_bounds = array<i64: 2048, 32>}]} {
    %get3A = arith.constant 0 : index
    %get3A_0 = arith.constant 0 : index
    %get3A_1 = vector.load %arg2[%get3A, %get3A_0] : memref<2x2048xf32, #tpu.memory_space<vmem>>, vector<1x2048xf32>
    %get3A_2 = vector.shape_cast %get3A_1 : vector<1x2048xf32> to vector<2048xf32>
    %get3A_3 = arith.constant 1 : index
    %get3A_4 = arith.constant 0 : index
    %get3A_5 = vector.load %arg2[%get3A_3, %get3A_4] : memref<2x2048xf32, #tpu.memory_space<vmem>>, vector<1x2048xf32>
    %get3A_6 = vector.shape_cast %get3A_5 : vector<1x2048xf32> to vector<2048xf32>
    %add3A = arith.addf %get3A_2, %get3A_6 : vector<2048xf32>
    %max3A = arith.constant 1.000000e+00 : f32
    %max3A_7 = vector.broadcast %max3A : f32 to vector<2048xf32>
    %max3A_8 = arith.maximumf %add3A, %max3A_7 : vector<2048xf32>
    %rsqrt3A = math.rsqrt %max3A_8 : vector<2048xf32>
    %get3A_9 = arith.constant 0 : index
    %get3A_10 = arith.constant 0 : index
    %get3A_11 = arith.constant 0 : index
    %get3A_12 = vector.load %arg1[%get3A_9, %get3A_10, %get3A_11] : memref<2x2048x32xf32, #tpu.memory_space<vmem>>, vector<1x2048x32xf32>
    %get3A_13 = vector.shape_cast %get3A_12 : vector<1x2048x32xf32> to vector<2048x32xf32>
    %get3A_14 = arith.constant 1 : index
    %get3A_15 = arith.constant 0 : index
    %get3A_16 = arith.constant 0 : index
    %get3A_17 = vector.load %arg1[%get3A_14, %get3A_15, %get3A_16] : memref<2x2048x32xf32, #tpu.memory_space<vmem>>, vector<1x2048x32xf32>
    %get3A_18 = vector.shape_cast %get3A_17 : vector<1x2048x32xf32> to vector<2048x32xf32>
    %add3A_19 = arith.addf %get3A_13, %get3A_18 : vector<2048x32xf32>
    %broadcast_in_dim3A = vector.shape_cast %rsqrt3A : vector<2048xf32> to vector<2048x1xf32>
    %mul3A = vector.broadcast %broadcast_in_dim3A : vector<2048x1xf32> to vector<2048x32xf32>
    %mul3A_20 = arith.mulf %add3A_19, %mul3A : vector<2048x32xf32>
    %max3A_21 = arith.constant 0.000000e+00 : f32
    %max3A_22 = vector.broadcast %max3A_21 : f32 to vector<2048x32xf32>
    %max3A_23 = arith.maximumf %mul3A_20, %max3A_22 : vector<2048x32xf32>
    %get3A_24 = arith.constant 0 : index
    %get3A_25 = arith.constant 0 : index
    %get3A_26 = vector.load %arg3[%get3A_24, %get3A_25] : memref<2048x32xf32, #tpu.memory_space<vmem>>, vector<2048x32xf32>
    %add3A_27 = arith.addf %max3A_23, %get3A_26 : vector<2048x32xf32>
    %get3A_28 = arith.constant 0 : index
    %get3A_29 = arith.constant 0 : index
    %get3A_30 = vector.load %arg4[%get3A_28, %get3A_29] : memref<32x32xf32, #tpu.memory_space<vmem>>, vector<32x32xf32>
    %dot_general3A = arith.constant dense<0.000000e+00> : vector<2048x32xf32>
    %dot_general3A_31 = tpu.matmul %add3A_27, %get3A_30, %dot_general3A {dimension_numbers = #tpu.dot_dimension_numbers<[1], [0], [0], [1], [0, 0, 1, 1], [], []>, transpose_lhs_hint = false} : vector<2048x32xf32>, vector<32x32xf32>, vector<2048x32xf32> -> vector<2048x32xf32>
    %broadcast_in_dim3A_32 = vector.shape_cast %rsqrt3A : vector<2048xf32> to vector<2048x1xf32>
    %mul3A_33 = vector.broadcast %broadcast_in_dim3A_32 : vector<2048x1xf32> to vector<2048x32xf32>
    %mul3A_34 = arith.mulf %dot_general3A_31, %mul3A_33 : vector<2048x32xf32>
    %swap3A = arith.constant 0 : index
    %swap3A_35 = arith.constant 0 : index
    %swap3A_36 = vector.load %arg5[%swap3A, %swap3A_35] : memref<2048x32xf32, #tpu.memory_space<vmem>>, vector<2048x32xf32>
    tpu.vector_store %arg5[%swap3A, %swap3A_35], %mul3A_34 {strides = array<i32>} : memref<2048x32xf32, #tpu.memory_space<vmem>>, vector<2048x32xf32>,
    return
  }
  func.func @transform_0(%arg0: i32) -> (i32, i32, i32) {
    %c0_i32 = arith.constant 0 : i32
    %c0_i32_0 = arith.constant 0 : i32
    %c0_i32_1 = arith.constant 0 : i32
    return %c0_i32, %arg0, %c0_i32_0 : i32, i32, i32
  }
  func.func @transform_1(%arg0: i32) -> (i32, i32) {
    %c0_i32 = arith.constant 0 : i32
    %c0_i32_0 = arith.constant 0 : i32
    return %c0_i32, %arg0 : i32, i32
  }
  func.func @transform_2(%arg0: i32) -> (i32, i32) {
    %c0_i32 = arith.constant 0 : i32
    %c0_i32_0 = arith.constant 0 : i32
    return %arg0, %c0_i32 : i32, i32
  }
  func.func @transform_3(%arg0: i32) -> (i32, i32) {
    %c0_i32 = arith.constant 0 : i32
    %c0_i32_0 = arith.constant 0 : i32
    %c0_i32_1 = arith.constant 0 : i32
    return %c0_i32, %c0_i32_0 : i32, i32
  }
  func.func @transform_4(%arg0: i32) -> (i32, i32) {
    %c0_i32 = arith.constant 0 : i32
    %c0_i32_0 = arith.constant 0 : i32
    return %arg0, %c0_i32 : i32, i32
  }
}

module attributes {stable_mosaic.version = 14 : i64} {
  func.func @_stage_mid_body(%arg0: i32, %arg1: memref<2x2048x32xf32, #tpu.memory_space<vmem>>, %arg2: memref<2x2048xf32, #tpu.memory_space<vmem>>, %arg3: memref<2048x32xf32, #tpu.memory_space<vmem>>, %arg4: memref<32x16xf32, #tpu.memory_space<vmem>>, %arg5: memref<2048x16xf32, #tpu.memory_space<vmem>>) attributes {dimension_semantics = [#tpu.dimension_semantics<arbitrary>], iteration_bounds = array<i64: 5>, scalar_prefetch = 0 : i64, scratch_operands = 0 : i64, tpu.core_type = #tpu.core_type<tc>, window_params = [{transform_indices = @transform_0, window_bounds = array<i64: 2, 2048, 32>}, {transform_indices = @transform_1, window_bounds = array<i64: 2, 2048>}, {transform_indices = @transform_2, window_bounds = array<i64: 2048, 32>}, {pipeline_mode = #tpu.pipeline_mode<synchronous>, transform_indices = @transform_3, window_bounds = array<i64: 32, 16>}, {transform_indices = @transform_4, window_bounds = array<i64: 2048, 16>}]} {
    %get3A = arith.constant 0 : index
    %get3A_0 = arith.constant 0 : index
    %get3A_1 = vector.load %arg2[%get3A, %get3A_0] : memref<2x2048xf32, #tpu.memory_space<vmem>>, vector<1x2048xf32>
    %get3A_2 = vector.shape_cast %get3A_1 : vector<1x2048xf32> to vector<2048xf32>
    %get3A_3 = arith.constant 1 : index
    %get3A_4 = arith.constant 0 : index
    %get3A_5 = vector.load %arg2[%get3A_3, %get3A_4] : memref<2x2048xf32, #tpu.memory_space<vmem>>, vector<1x2048xf32>
    %get3A_6 = vector.shape_cast %get3A_5 : vector<1x2048xf32> to vector<2048xf32>
    %add3A = arith.addf %get3A_2, %get3A_6 : vector<2048xf32>
    %max3A = arith.constant 1.000000e+00 : f32
    %max3A_7 = vector.broadcast %max3A : f32 to vector<2048xf32>
    %max3A_8 = arith.maximumf %add3A, %max3A_7 : vector<2048xf32>
    %rsqrt3A = math.rsqrt %max3A_8 : vector<2048xf32>
    %get3A_9 = arith.constant 0 : index
    %get3A_10 = arith.constant 0 : index
    %get3A_11 = arith.constant 0 : index
    %get3A_12 = vector.load %arg1[%get3A_9, %get3A_10, %get3A_11] : memref<2x2048x32xf32, #tpu.memory_space<vmem>>, vector<1x2048x32xf32>
    %get3A_13 = vector.shape_cast %get3A_12 : vector<1x2048x32xf32> to vector<2048x32xf32>
    %get3A_14 = arith.constant 1 : index
    %get3A_15 = arith.constant 0 : index
    %get3A_16 = arith.constant 0 : index
    %get3A_17 = vector.load %arg1[%get3A_14, %get3A_15, %get3A_16] : memref<2x2048x32xf32, #tpu.memory_space<vmem>>, vector<1x2048x32xf32>
    %get3A_18 = vector.shape_cast %get3A_17 : vector<1x2048x32xf32> to vector<2048x32xf32>
    %add3A_19 = arith.addf %get3A_13, %get3A_18 : vector<2048x32xf32>
    %broadcast_in_dim3A = vector.shape_cast %rsqrt3A : vector<2048xf32> to vector<2048x1xf32>
    %mul3A = vector.broadcast %broadcast_in_dim3A : vector<2048x1xf32> to vector<2048x32xf32>
    %mul3A_20 = arith.mulf %add3A_19, %mul3A : vector<2048x32xf32>
    %max3A_21 = arith.constant 0.000000e+00 : f32
    %max3A_22 = vector.broadcast %max3A_21 : f32 to vector<2048x32xf32>
    %max3A_23 = arith.maximumf %mul3A_20, %max3A_22 : vector<2048x32xf32>
    %get3A_24 = arith.constant 0 : index
    %get3A_25 = arith.constant 0 : index
    %get3A_26 = vector.load %arg3[%get3A_24, %get3A_25] : memref<2048x32xf32, #tpu.memory_space<vmem>>, vector<2048x32xf32>
    %add3A_27 = arith.addf %max3A_23, %get3A_26 : vector<2048x32xf32>
    %get3A_28 = arith.constant 0 : index
    %get3A_29 = arith.constant 0 : index
    %get3A_30 = vector.load %arg4[%get3A_28, %get3A_29] : memref<32x16xf32, #tpu.memory_space<vmem>>, vector<32x16xf32>
    %dot_general3A = arith.constant dense<0.000000e+00> : vector<2048x16xf32>
    %dot_general3A_31 = tpu.matmul %add3A_27, %get3A_30, %dot_general3A {dimension_numbers = #tpu.dot_dimension_numbers<[1], [0], [0], [1], [0, 0, 1, 1], [], []>, transpose_lhs_hint = false} : vector<2048x32xf32>, vector<32x16xf32>, vector<2048x16xf32> -> vector<2048x16xf32>
    %broadcast_in_dim3A_32 = vector.shape_cast %rsqrt3A : vector<2048xf32> to vector<2048x1xf32>
    %mul3A_33 = vector.broadcast %broadcast_in_dim3A_32 : vector<2048x1xf32> to vector<2048x16xf32>
    %mul3A_34 = arith.mulf %dot_general3A_31, %mul3A_33 : vector<2048x16xf32>
    %swap3A = arith.constant 0 : index
    %swap3A_35 = arith.constant 0 : index
    %swap3A_36 = vector.load %arg5[%swap3A, %swap3A_35] : memref<2048x16xf32, #tpu.memory_space<vmem>>, vector<2048x16xf32>
    tpu.vector_store %arg5[%swap3A, %swap3A_35], %mul3A_34 {strides = array<i32>} : memref<2048x16xf32, #tpu.memory_space<vmem>>, vector<2048x16xf32>,
    return
  }
  func.func @transform_0(%arg0: i32) -> (i32, i32, i32) {
    %c0_i32 = arith.constant 0 : i32
    %c0_i32_0 = arith.constant 0 : i32
    %c0_i32_1 = arith.constant 0 : i32
    return %c0_i32, %arg0, %c0_i32_0 : i32, i32, i32
  }
  func.func @transform_1(%arg0: i32) -> (i32, i32) {
    %c0_i32 = arith.constant 0 : i32
    %c0_i32_0 = arith.constant 0 : i32
    return %c0_i32, %arg0 : i32, i32
  }
  func.func @transform_2(%arg0: i32) -> (i32, i32) {
    %c0_i32 = arith.constant 0 : i32
    %c0_i32_0 = arith.constant 0 : i32
    return %arg0, %c0_i32 : i32, i32
  }
  func.func @transform_3(%arg0: i32) -> (i32, i32) {
    %c0_i32 = arith.constant 0 : i32
    %c0_i32_0 = arith.constant 0 : i32
    %c0_i32_1 = arith.constant 0 : i32
    return %c0_i32, %c0_i32_0 : i32, i32
  }
  func.func @transform_4(%arg0: i32) -> (i32, i32) {
    %c0_i32 = arith.constant 0 : i32
    %c0_i32_0 = arith.constant 0 : i32
    return %arg0, %c0_i32 : i32, i32
  }
}

module attributes {stable_mosaic.version = 14 : i64} {
  func.func @_rec_body(%arg0: i32, %arg1: i32, %arg2: memref<2x1024x16xf32, #tpu.memory_space<vmem>>, %arg3: memref<2x1024xf32, #tpu.memory_space<vmem>>, %arg4: memref<2x512x16xf32, #tpu.memory_space<vmem>>, %arg5: memref<2x512xf32, #tpu.memory_space<vmem>>, %arg6: memref<1024x512xf32, #tpu.memory_space<vmem>>) attributes {dimension_semantics = [#tpu.dimension_semantics<arbitrary>, #tpu.dimension_semantics<arbitrary>], iteration_bounds = array<i64: 10, 20>, scalar_prefetch = 0 : i64, scratch_operands = 0 : i64, tpu.core_type = #tpu.core_type<tc>, window_params = [{transform_indices = @transform_0, window_bounds = array<i64: 2, 1024, 16>}, {transform_indices = @transform_1, window_bounds = array<i64: 2, 1024>}, {transform_indices = @transform_2, window_bounds = array<i64: 2, 512, 16>}, {transform_indices = @transform_3, window_bounds = array<i64: 2, 512>}, {transform_indices = @transform_4, window_bounds = array<i64: 1024, 512>}]} {
    %get3A = arith.constant 0 : index
    %get3A_0 = arith.constant 0 : index
    %get3A_1 = vector.load %arg3[%get3A, %get3A_0] : memref<2x1024xf32, #tpu.memory_space<vmem>>, vector<1x1024xf32>
    %get3A_2 = vector.shape_cast %get3A_1 : vector<1x1024xf32> to vector<1024xf32>
    %get3A_3 = arith.constant 1 : index
    %get3A_4 = arith.constant 0 : index
    %get3A_5 = vector.load %arg3[%get3A_3, %get3A_4] : memref<2x1024xf32, #tpu.memory_space<vmem>>, vector<1x1024xf32>
    %get3A_6 = vector.shape_cast %get3A_5 : vector<1x1024xf32> to vector<1024xf32>
    %add3A = arith.addf %get3A_2, %get3A_6 : vector<1024xf32>
    %max3A = arith.constant 1.000000e+00 : f32
    %max3A_7 = vector.broadcast %max3A : f32 to vector<1024xf32>
    %max3A_8 = arith.maximumf %add3A, %max3A_7 : vector<1024xf32>
    %rsqrt3A = math.rsqrt %max3A_8 : vector<1024xf32>
    %get3A_9 = arith.constant 0 : index
    %get3A_10 = arith.constant 0 : index
    %get3A_11 = arith.constant 0 : index
    %get3A_12 = vector.load %arg2[%get3A_9, %get3A_10, %get3A_11] : memref<2x1024x16xf32, #tpu.memory_space<vmem>>, vector<1x1024x16xf32>
    %get3A_13 = vector.shape_cast %get3A_12 : vector<1x1024x16xf32> to vector<1024x16xf32>
    %get3A_14 = arith.constant 1 : index
    %get3A_15 = arith.constant 0 : index
    %get3A_16 = arith.constant 0 : index
    %get3A_17 = vector.load %arg2[%get3A_14, %get3A_15, %get3A_16] : memref<2x1024x16xf32, #tpu.memory_space<vmem>>, vector<1x1024x16xf32>
    %get3A_18 = vector.shape_cast %get3A_17 : vector<1x1024x16xf32> to vector<1024x16xf32>
    %add3A_19 = arith.addf %get3A_13, %get3A_18 : vector<1024x16xf32>
    %broadcast_in_dim3A = vector.shape_cast %rsqrt3A : vector<1024xf32> to vector<1024x1xf32>
    %mul3A = vector.broadcast %broadcast_in_dim3A : vector<1024x1xf32> to vector<1024x16xf32>
    %mul3A_20 = arith.mulf %add3A_19, %mul3A : vector<1024x16xf32>
    %get3A_21 = arith.constant 0 : index
    %get3A_22 = arith.constant 0 : index
    %get3A_23 = vector.load %arg5[%get3A_21, %get3A_22] : memref<2x512xf32, #tpu.memory_space<vmem>>, vector<1x512xf32>
    %get3A_24 = vector.shape_cast %get3A_23 : vector<1x512xf32> to vector<512xf32>
    %get3A_25 = arith.constant 1 : index
    %get3A_26 = arith.constant 0 : index
    %get3A_27 = vector.load %arg5[%get3A_25, %get3A_26] : memref<2x512xf32, #tpu.memory_space<vmem>>, vector<1x512xf32>
    %get3A_28 = vector.shape_cast %get3A_27 : vector<1x512xf32> to vector<512xf32>
    %add3A_29 = arith.addf %get3A_24, %get3A_28 : vector<512xf32>
    %max3A_30 = arith.constant 1.000000e+00 : f32
    %max3A_31 = vector.broadcast %max3A_30 : f32 to vector<512xf32>
    %max3A_32 = arith.maximumf %add3A_29, %max3A_31 : vector<512xf32>
    %rsqrt3A_33 = math.rsqrt %max3A_32 : vector<512xf32>
    %get3A_34 = arith.constant 0 : index
    %get3A_35 = arith.constant 0 : index
    %get3A_36 = arith.constant 0 : index
    %get3A_37 = vector.load %arg4[%get3A_34, %get3A_35, %get3A_36] : memref<2x512x16xf32, #tpu.memory_space<vmem>>, vector<1x512x16xf32>
    %get3A_38 = vector.shape_cast %get3A_37 : vector<1x512x16xf32> to vector<512x16xf32>
    %get3A_39 = arith.constant 1 : index
    %get3A_40 = arith.constant 0 : index
    %get3A_41 = arith.constant 0 : index
    %get3A_42 = vector.load %arg4[%get3A_39, %get3A_40, %get3A_41] : memref<2x512x16xf32, #tpu.memory_space<vmem>>, vector<1x512x16xf32>
    %get3A_43 = vector.shape_cast %get3A_42 : vector<1x512x16xf32> to vector<512x16xf32>
    %add3A_44 = arith.addf %get3A_38, %get3A_43 : vector<512x16xf32>
    %broadcast_in_dim3A_45 = vector.shape_cast %rsqrt3A_33 : vector<512xf32> to vector<512x1xf32>
    %mul3A_46 = vector.broadcast %broadcast_in_dim3A_45 : vector<512x1xf32> to vector<512x16xf32>
    %mul3A_47 = arith.mulf %add3A_44, %mul3A_46 : vector<512x16xf32>
    %dot_general3A = arith.constant dense<0.000000e+00> : vector<1024x512xf32>
    %dot_general3A_48 = tpu.matmul %mul3A_20, %mul3A_47, %dot_general3A {dimension_numbers = #tpu.dot_dimension_numbers<[1], [1], [0], [0], [0, 0, 1, 0], [], []>, transpose_lhs_hint = false} : vector<1024x16xf32>, vector<512x16xf32>, vector<1024x512xf32> -> vector<1024x512xf32>
    %swap3A = arith.constant 0 : index
    %swap3A_49 = arith.constant 0 : index
    %swap3A_50 = vector.load %arg6[%swap3A, %swap3A_49] : memref<1024x512xf32, #tpu.memory_space<vmem>>, vector<1024x512xf32>
    tpu.vector_store %arg6[%swap3A, %swap3A_49], %dot_general3A_48 {strides = array<i32>} : memref<1024x512xf32, #tpu.memory_space<vmem>>, vector<1024x512xf32>,
    return
  }
  func.func @transform_0(%arg0: i32, %arg1: i32) -> (i32, i32, i32) {
    %c0_i32 = arith.constant 0 : i32
    %c0_i32_0 = arith.constant 0 : i32
    %c0_i32_1 = arith.constant 0 : i32
    return %c0_i32, %arg0, %c0_i32_0 : i32, i32, i32
  }
  func.func @transform_1(%arg0: i32, %arg1: i32) -> (i32, i32) {
    %c0_i32 = arith.constant 0 : i32
    %c0_i32_0 = arith.constant 0 : i32
    return %c0_i32, %arg0 : i32, i32
  }
  func.func @transform_2(%arg0: i32, %arg1: i32) -> (i32, i32, i32) {
    %c0_i32 = arith.constant 0 : i32
    %c0_i32_0 = arith.constant 0 : i32
    %c0_i32_1 = arith.constant 0 : i32
    return %c0_i32, %arg1, %c0_i32_0 : i32, i32, i32
  }
  func.func @transform_3(%arg0: i32, %arg1: i32) -> (i32, i32) {
    %c0_i32 = arith.constant 0 : i32
    %c0_i32_0 = arith.constant 0 : i32
    return %c0_i32, %arg1 : i32, i32
  }
  func.func @transform_4(%arg0: i32, %arg1: i32) -> (i32, i32) {
    %c0_i32 = arith.constant 0 : i32
    return %arg0, %arg1 : i32, i32
  }
}

</mosaic_0001>

<sc_bundles>
// kernel: sc_degree.3.cloned.1.call-start
scs
__scs_entry_jumppad:
0x0: {  	(pc) =	sbr.rel $0x88, $3  }
0x1: {  	(tag) =	ssettag $0x0;
	lr =	simm.s32 $0x1  }
0x2: {  	[smem:$0x3F9B] =	sst lr;
	_ =	strace $0xD0000000  }
0x3: {  	_ = 	snop  }
0x4: {  	_ = 	snop  }
0x5: {  	_ = 	snop  }
0x6: {  	_ = 	snop  }
0x7: {  	_ = 	snop  }
__scs_overlays_trampoline_lowered:
0x8: {  	[smem:$0x3FAA] =	sst s0  }
0x9: {  	[smem:$0x3FAB] =	sst s1  }
0xa: {  	[smem:$0x3FAC] =	sst s2  }
0xb: {  	[smem:$0x3FAD] =	sst s3  }
0xc: {  	[smem:$0x3FAE] =	sst s4  }
0xd: {  	[smem:$0x3FAF] =	sst s5  }
0xe: {  	[smem:$0x3FB0] =	sst s6  }
0xf: {  	[smem:$0x3FB1] =	sst s7  }
0x10: {  	[smem:$0x3FB2] =	sst s8  }
0x11: {  	[smem:$0x3FB3] =	sst s9;
	s0 =	simm.s32 @!p0 $0x0  }
0x12: {  	s1 =	sld [smem:$0x3F99];
	s0 =	simm.s32 @p0 $0x1  }
0x13: {  	[smem:$0x3FB4] =	sst s0;
	s0 =	simm.s32 @!p1 $0x0  }
0x14: {  	s2 =	sld [smem:$0x3F98];
	s0 =	simm.s32 @p1 $0x1  }
0x15: {  	[smem:$0x3FB5] =	sst s0;
	s0 =	simm.s32 @!p2 $0x0  }
0x16: {  	s3 =	sld [smem:$0x3FDB];
	s0 =	simm.s32 @p2 $0x1  }
0x17: {  	s4 =	simm.s32 $0x1BF5;
	[smem:$0x3FB7] =	sst s0  }
0x18: {  	s0 =	sld [smem:$0x3F9A];
	_ =	swait.ge [sflag:s4], $0x0  }
0x19: {  	s7 =	sld [smem:$0x3F9B]  }
0x1a: {  	s8 =	sadd.s32 $0xFFFFE003, lr  }
0x1b: {  	s9 =	sadd.s32 $0xFFFFFEF7, lr;
	s5 =	simm.s32 $0xFFFFFFFF;
	p2 =	slt.u32 s8, $0xFFFFF086  }
0x1c: {  	p1 =	slt.u32 s9, $0xF7A;
	s5 =	simm.s32 @!p2 $0x0  }
0x1d: {  	s5 =	simm.s32 @p1 $0x1;
	p0 =	seq.s32 s7, s2  }
0x1e: {  	s7 =	smul.u32 @!p0 $0xF7A, s2;
	p2 =	seq.s32 @!p0 s5, $0x0  }
0x1f: {  	s9 =	smul.u32 $0xF7A, s1;
	s8 =	simm.s32 @!p0 $0x1BF5;
	p2 =	por !p2, p0  }
0x20: {  	[sflag:s8] =	ssyncset.s32 @!p0 $0xFFFFF086;
	s6 =	sadd.s32 @!p0 s3, s7;
	s7 =	simm.s32 @!p0 $0x108  }
0x21: {  	s3 =	sadd.s32 s3, s9;
	s6 =	sadd.s32 @!p0 $0x88, s6;
	s7 =	simm.s32 @p2 $0x1082  }
0x22: {  	[simem:s7], [sflag:s8] =	dma.local @!p0 [hbm:s6], $0xF7A  }
0x23: {  	s9 =	sor.u32 $0xD0000000, s2;
	s6 =	simm.s32 $0x108;
	_ =	swait.ge @!p0 [sflag:s8], $0x0  }
0x24: {  	s3 =	sadd.s32 $0x88, s3;
	s6 =	simm.s32 @!p1 $0x1082;
	[sflag:s4] =	ssyncset.s32 $0xFFFFF086  }
0x25: {  	[simem:s6], [sflag:s4] =	dma.local [hbm:s3], $0xF7A  }
0x26: {  	[smem:$0x3F9B] =	sst s1;
	(tag) =	ssettag s2;
	_ =	strace s9  }
0x27: {  	s1 =	sld [smem:$0x3FAB]  }
0x28: {  	s2 =	sld [smem:$0x3FAC]  }
0x29: {  	s4 =	sld [smem:$0x3FAE]  }
0x2a: {  	p0 =	seq.s32 s5, $0x0;
	s5 =	sld [smem:$0x3FAF]  }
0x2b: {  	s6 =	sld [smem:$0x3FB0]  }
0x2c: {  	s7 =	sld [smem:$0x3FB1]  }
0x2d: {  	s3 =	simm.s32 $0x108;
	s8 =	sld [smem:$0x3FB2]  }
0x2e: {  	s3 =	simm.s32 @!p0 $0x1082;
	s9 =	sld [smem:$0x3FB3]  }
0x2f: {  	lr =	sadd.s32 s0, s3;
	s0 =	sld [smem:$0x3FAA]  }
0x30: {  	s3 =	sld [smem:$0x3FAD]  }
0x31: {  	[smem:$0x3FB6] =	sst s10  }
0x32: {  	s10 =	sld [smem:$0x3FB4];
	_ =	sdelay $0x3  }
0x33: {  	p0 =	seq.s32 s10, $0x1;
	s10 =	sld [smem:$0x3FB6];
	_ =	sdelay $0x3  }
0x34: {  	[smem:$0x3FB6] =	sst s10  }
0x35: {  	s10 =	sld [smem:$0x3FB5];
	_ =	sdelay $0x3  }
0x36: {  	p1 =	seq.s32 s10, $0x1;
	s10 =	sld [smem:$0x3FB6];
	_ =	sdelay $0x3  }
0x37: {  	[smem:$0x3FB6] =	sst s10  }
0x38: {  	s10 =	sld [smem:$0x3FB7]  }
0x39: {  	_ = 	snop;
	(pc) =	sbr.ind lr, $3  }
0x3a: {  	_ = 	snop  }
0x3b: {  	_ = 	snop  }
0x3c: {  	p2 =	seq.s32 s10, $0x1;
	s10 =	sld [smem:$0x3FB6]  }
0x3d: {  	_ =	shalt  }
0x3e: {  	_ =	shalt  }
0x3f: {  	_ =	shalt  }
0x40: {  	_ =	shalt  }
0x41: {  	_ =	shalt  }
0x42: {  	_ =	shalt  }
0x43: {  	_ =	shalt  }
0x44: {  	_ =	shalt  }
0x45: {  	_ =	shalt  }
0x46: {  	_ =	shalt  }
0x47: {  	_ =	shalt  }
0x48: {  	_ =	shalt  }
0x49: {  	_ =	shalt  }
0x4a: {  	_ =	shalt  }
0x4b: {  	_ =	shalt  }
0x4c: {  	_ =	shalt  }
0x4d: {  	_ =	shalt  }
0x4e: {  	_ =	shalt  }
0x4f: {  	_ =	shalt  }
0x50: {  	_ =	shalt  }
0x51: {  	_ =	shalt  }
0x52: {  	_ =	shalt  }
0x53: {  	_ =	shalt  }
0x54: {  	_ =	shalt  }
0x55: {  	_ =	shalt  }
0x56: {  	_ =	shalt  }
0x57: {  	_ =	shalt  }
0x58: {  	_ =	shalt  }
0x59: {  	_ =	shalt  }
0x5a: {  	_ =	shalt  }
0x5b: {  	_ =	shalt  }
0x5c: {  	_ =	shalt  }
0x5d: {  	_ =	shalt  }
0x5e: {  	_ =	shalt  }
0x5f: {  	_ =	shalt  }
0x60: {  	_ =	shalt  }
0x61: {  	_ =	shalt  }
0x62: {  	_ =	shalt  }
0x63: {  	_ =	shalt  }
0x64: {  	_ =	shalt  }
0x65: {  	_ =	shalt  }
0x66: {  	_ =	shalt  }
0x67: {  	_ =	shalt  }
0x68: {  	_ =	shalt  }
0x69: {  	_ =	shalt  }
0x6a: {  	_ =	shalt  }
0x6b: {  	_ =	shalt  }
0x6c: {  	_ =	shalt  }
0x6d: {  	_ =	shalt  }
0x6e: {  	_ =	shalt  }
0x6f: {  	_ =	shalt  }
0x70: {  	_ =	shalt  }
0x71: {  	_ =	shalt  }
0x72: {  	_ =	shalt  }
0x73: {  	_ =	shalt  }
0x74: {  	_ =	shalt  }
0x75: {  	_ =	shalt  }
0x76: {  	_ =	shalt  }
0x77: {  	_ =	shalt  }
0x78: {  	_ =	shalt  }
0x79: {  	_ =	shalt  }
0x7a: {  	_ =	shalt  }
0x7b: {  	_ =	shalt  }
0x7c: {  	_ =	shalt  }
0x7d: {  	_ =	shalt  }
0x7e: {  	_ =	shalt  }
0x7f: {  	_ =	shalt  }
0x80: {  	_ =	shalt  }
0x81: {  	_ =	shalt  }
0x82: {  	_ =	shalt  }
0x83: {  	_ =	shalt  }
0x84: {  	_ =	shalt  }
0x85: {  	_ =	shalt  }
0x86: {  	_ =	shalt  }
0x87: {  	_ =	shalt  }
.Lfunc_end0:
.L_simem_size_0:
called_computation_lowered:
.L_overlay_start_0:
0x88: {  	s2 =	sld [smem:$0x3FD9]  }
0x89: {  	s3 =	sld [smem:$0x3FFE];
	_ =	sdelay $0x1  }
0x8a: {  	s1 =	srdreg.scid  }
0x8b: {  	s0 =	sand.u32 $0x1, s1  }
0x8c: {  	s17 =	sshll.u32 s0, $0xA;
	s2 =	sadd.s32 s3, s2  }
0x8d: {  	s2 =	sadd.s32 s2, s17  }
0x8e: {  	[smem:$0x3FC2] =	sst s2  }
0x8f: {  	_ = 	snop  }
0x90: {  	s2 =	sld [smem:$0x3FD0];
	(tm) =	ssettm $0x1  }
0x91: {  	s18 =	sld [smem:$0x3FFB];
	_ =	sdelay $0x3  }
0x92: {  	_ =	strace s18  }
0x93: {  	s3 =	sld [smem:$0x3FFC];
	_ =	sdelay $0x3  }
0x94: {  	_ =	strace s3  }
0x95: {  	s3 =	sld [smem:$0x3FFD];
	_ =	sdelay $0x3  }
0x96: {  	_ =	strace s3  }
0x97: {  	_ =	strace $0x8FFFFFFF  }
0x98: {  	s19 =	sld [smem:$0x3FDB];
	_ =	sdelay $0x1  }
0x99: {  	s4 =	simm.s32 $_scs_section_size  }
0x9a: {  	s5 =	simm.s32 $_size__tile_overlayer_lowered;
	s6 =	simm.s32 $_tile_overlayer_lowered  }
0x9b: {  	s22 =	simm.s32 $0x1BFF;
	s21 =	sshll.u32 s6, $0x1;
	s3 =	sadd.s32 s4, s19  }
0x9c: {  	s7 =	simm.s32 $0x0;
	s20 =	sshll.u32 s5, $0x1;
	s5 =	sadd.s32 s21, s3  }
0x9d: {  	[timem:s7], [sflag:s22] =	dma.local [hbm:s5], s20  }
0x9e: {  	_ =	swait.ge [sflag:s22], s20  }
0x9f: {  	s4 =	ssub.s32 $0x0, s20;
	[sflag:s22] =	ssyncset.done $0x0  }
0xa0: {  	[sflag:s22] =	ssyncadd.s32 s4;
	_ =	sdelay $0x1  }
0xa1: {  	s23 =	simm.s32 $0x1B8B  }
0xa2: {  	_ =	swait.ge [sflag:s23], $0x1  }
0xa3: {  	[sflag:s23] =	ssyncset.done $0x0  }
0xa4: {  	s25 =	simm.s32 $0x1B8E;
	s24 =	sld [smem:$0x3FFE];
	[sflag:s23] =	ssyncadd.s32 $0xFFFFFFFF  }
0xa5: {  	s26 =	simm.s32 $execute0_lowered;
	[smem:$0x3FD2] =	sst s25  }
0xa6: {  	s5 =	sshll.u32 s26, $0x1;
	_ =	strace $0x80000046;
	[dreg:$0x1] =	wrdreg $0xFFFFFFFF  }
0xa7: {  	s28 =	simm.s32 $_size_execute0_lowered;
	s3 =	sadd.s32 s3, s5;
	[dreg:$0x0] =	wrdreg $0x0  }
0xa8: {  	s5 =	sshll.u32 s28, $0x1;
	[dreg:$0x2] =	wrdreg s3  }
0xa9: {  	[dreg:$0x3] =	wrdreg s5  }
0xaa: {  	[dreg:$0x4] =	wrdreg $0xC0  }
0xab: {  	_ =	task [dreg:s7], $0x5FFFF  }
0xac: {  	[dreg:$0x1] =	wrdreg $0xFFFFFFFF  }
0xad: {  	[dreg:$0x0] =	wrdreg $0x60  }
0xae: {  	[dreg:$0x2] =	wrdreg s24  }
0xaf: {  	[dreg:$0x3] =	wrdreg s2  }
0xb0: {  	[dreg:$0x4] =	wrdreg $0x7D00  }
0xb1: {  	[dreg:$0x5] =	wrdreg $0x9  }
0xb2: {  	_ =	task.clear_ibuf [dreg:s7], $0x6FFFF;
	_ =	strace $0x90000046  }
0xb3: {  	s29 =	simm.s32 $0x9;
	_ =	strace $0x80000048  }
0xb4: {  	_ =	swait.ge [sflag:s29], $0x1  }
0xb5: {  	[sflag:s29] =	ssyncadd.s32 $0xFFFFFFFF  }
0xb6: {  	_ =	strace $0x90000048  }
0xb7: {  	_ =	sfence  }
0xb8: {  	s30 =	sld [smem:$0x0];
	_ =	sdelay $0x2  }
0xb9: {  	s31 =	sshll.u32 s1, $0xD;
	s1 =	sshrl.u32 s1, $0x2  }
0xba: {  	s3 =	sand.u32 $0x4000, s31;
	s1 =	sadd.s32 s1, s30  }
0xbb: {  	s0 =	sor.u32 s3, s0;
	s1 =	sshll.u32 s1, $0x11  }
0xbc: {  	s0 =	sor.u32 s1, s0  }
0xbd: {  	s0 =	sadd.s32 $0x8F2B, s0  }
0xbe: {  	[sflag:s0] =	ssyncadd.remote.s32 $0x1  }
0xbf: {  	_ =	sfence.sel $0xFFFF  }
0xc0: {  	[dreg:$0x0] =	wrdreg $0xFFFFFFFF;
	(pc) =	sbr.abs _section_cstart, $3  }
0xc1: {  	[dreg:$0x1] =	wrdreg $0xFFFFFFFF  }
0xc2: {  	_ =	task.clear_ibuf [dreg:s7], $0x2FFFF;
	_ =	strace $0x9FFFFFFF  }
0xc3: {  	(tm) =	ssettm $0x7FFFFFFF  }
tec
execute0_lowered:
.L_overlay_start_1:
0x0: {  	(tag) =	ssettag $0x1  }
0x1: {  	s3 =	rddreg [dreg:$0x0]  }
0x2: {  	s4 =	rddreg [dreg:$0x1]  }
0x3: {  	s1 =	rddreg [dreg:$0x2];
	s5 =	srdreg.scid  }
0x4: {  	s0 =	rddreg [dreg:$0x3];
	s2 =	simm.s32 $0x0;
	s5 =	sand.u32 $0x1, s5  }
0x5: {  	s6 =	stileid.u32;
	p1 =	por $0x0, $0x0;
	s9 =	ssub.s32 $0x2, s5  }
0x6: {  	s8 =	sadd.s32 $0x6000, s3;
	s11 =	sadd.s32 $0xB000, s3;
	s28 =	sshrl.u32 s9, $0x1  }
0x7: {  	s13 =	sadd.s32 $0xB200, s3;
	s7 =	sshll.u32 s5, $0x4;
	s3 =	ssub.s32 s9, s28  }
0x8: {  	[smem:$0x7FF] =	sst s2;
	s7 =	sor.u32 s6, s7;
	s3 =	smax.u32 s3, $0x1  }
0x9: {  	p0 =	sne.s32 s6, $0x0;
	s7 =	smul.u32 $0x1388, s7;
	s16 =	sadd.s32 $0xFFFFFFFF, s3  }
0xa: {  	_ =	strace $0x80000047;
	s31 =	smul.u32 $0x4E2, s5;
	p2 =	sne.s32 s16, $0x0  }
.Ltmp0:
0xb: {  	s6 =	simm.s32 $0x1;
	s29 =	sshrl.u32 s7, $0x3;
	(pc) =	sbr.rel @!p2 .LBB2_3-.Ltmp0, $4  }
0xc: {  	s10 =	sadd.s32 $0x3E8, s7;
	s7 =	sadd.s32 $0xBB8, s7;
	s3 =	sadd.s32 s4, s31  }
0xd: {  	s4 =	sshrl.u32 @!p0 s1, $0x3;
	s12 =	sadd.s32 s8, s29;
	s30 =	sshrl.u32 s10, $0x3  }
0xe: {  	s7 =	sshrl.u32 s7, $0x3;
	s10 =	sadd.s32 s8, s30;
	s9 =	sadd.s32 $0xFA, s12  }
0xf: {  	s8 =	sadd.s32 s8, s7;
	s5 =	sadd.s32 $0x1F4, s12;
	s7 =	simm.s32 $0x3E8  }
0x10: {  	s15 =	simm.s32 @!p0 $0x1C01;
	s14 =	simm.s32 @!p0 $0x1  }
0x11: {  	[spmem:s4], [sflag:s15] =	dma.local @!p0 [hbm:s13], $0x4E2  }
0x12: {  	_ =	swait.ge @!p0 [sflag:s14], $0x4E2  }
0x13: {  	[sflag:s14] =	ssyncset.done @!p0 $0x0  }
0x14: {  	[sflag:s14] =	ssyncadd.s32 @!p0 $0xFFFFFB1E  }
0x15: {  	[tilespmem:s7], [sflag:$0x1] =	stream.linear.gather [hbm4b:s11+s2], $0x3E8, $0x38;
	[tilespmem:$0xA48] =	vst v63  }
0x16: {  	_ =	swait.ge [sflag:s6], $0x3E8  }
0x17: {  	[sflag:s6] =	ssyncset.done $0x0  }
0x18: {  	[sflag:s6] =	ssyncadd.s32 $0xFFFFFC18  }
0x19: {  	[bflag:$0x0] =	sbarrier.arrive $0xFFFF  }
0x1a: {  	[tilespmem:s2], [sflag:$0x1] =	stream.linear.gather [hbm4b:s12+s2], $0x3E8, $0x38;
	[tilespmem:$0xA48] =	vst v63  }
0x1b: {  	_ =	swait.ge [sflag:s6], $0x3E8  }
0x1c: {  	[sflag:s6] =	ssyncset.done $0x0  }
0x1d: {  	[sflag:s6] =	ssyncadd.s32 $0xFFFFFC18  }
0x1e: {  	[spmem:s1] =	stream.indirect.scatter.add.f32 [tilespmem:s7], [sflag:$0x1], $0x1, s2, s7, $0xb8;
	[tilespmem:$0xA48] =	vst v63  }
0x1f: {  	_ =	swait.ge [sflag:s6], $0x3E8  }
0x20: {  	[sflag:s6] =	ssyncset.done $0x0  }
0x21: {  	[sflag:s6] =	ssyncadd.s32 $0xFFFFFC18  }
0x22: {  	[tilespmem:s2], [sflag:$0x1] =	stream.linear.gather [hbm4b:s10+s2], $0x3E8, $0x38;
	[tilespmem:$0xA48] =	vst v63  }
0x23: {  	_ =	swait.ge [sflag:s6], $0x3E8  }
0x24: {  	[sflag:s6] =	ssyncset.done $0x0  }
0x25: {  	[sflag:s6] =	ssyncadd.s32 $0xFFFFFC18  }
0x26: {  	[spmem:s1] =	stream.indirect.scatter.add.f32 [tilespmem:s7], [sflag:$0x1], $0x1, s2, s7, $0xb8;
	[tilespmem:$0xA48] =	vst v63  }
0x27: {  	_ =	swait.ge [sflag:s6], $0x3E8  }
0x28: {  	[sflag:s6] =	ssyncset.done $0x0  }
0x29: {  	[sflag:s6] =	ssyncadd.s32 $0xFFFFFC18  }
0x2a: {  	[tilespmem:s2], [sflag:$0x1] =	stream.linear.gather [hbm4b:s9+s2], $0x3E8, $0x38;
	[tilespmem:$0xA48] =	vst v63  }
0x2b: {  	_ =	swait.ge [sflag:s6], $0x3E8  }
0x2c: {  	[sflag:s6] =	ssyncset.done $0x0  }
0x2d: {  	[sflag:s6] =	ssyncadd.s32 $0xFFFFFC18  }
0x2e: {  	[spmem:s1] =	stream.indirect.scatter.add.f32 [tilespmem:s7], [sflag:$0x1], $0x1, s2, s7, $0xb8;
	[tilespmem:$0xA48] =	vst v63  }
0x2f: {  	_ =	swait.ge [sflag:s6], $0x3E8  }
0x30: {  	[sflag:s6] =	ssyncset.done $0x0  }
0x31: {  	[sflag:s6] =	ssyncadd.s32 $0xFFFFFC18  }
0x32: {  	[tilespmem:s2], [sflag:$0x1] =	stream.linear.gather [hbm4b:s8+s2], $0x3E8, $0x38;
	[tilespmem:$0xA48] =	vst v63  }
0x33: {  	_ =	swait.ge [sflag:s6], $0x3E8  }
0x34: {  	[sflag:s6] =	ssyncset.done $0x0  }
0x35: {  	[sflag:s6] =	ssyncadd.s32 $0xFFFFFC18  }
0x36: {  	[spmem:s1] =	stream.indirect.scatter.add.f32 [tilespmem:s7], [sflag:$0x1], $0x1, s2, s7, $0xb8;
	[tilespmem:$0xA48] =	vst v63  }
0x37: {  	_ =	swait.ge [sflag:s6], $0x3E8  }
0x38: {  	[sflag:s6] =	ssyncset.done $0x0  }
0x39: {  	[sflag:s6] =	ssyncadd.s32 $0xFFFFFC18  }
0x3a: {  	[tilespmem:s2], [sflag:$0x1] =	stream.linear.gather [hbm4b:s5+s2], $0x3E8, $0x38;
	[tilespmem:$0xA48] =	vst v63  }
0x3b: {  	_ =	swait.ge [sflag:s6], $0x3E8  }
0x3c: {  	[sflag:s6] =	ssyncset.done $0x0  }
0x3d: {  	[sflag:s6] =	ssyncadd.s32 $0xFFFFFC18  }
0x3e: {  	[spmem:s1] =	stream.indirect.scatter.add.f32 [tilespmem:s7], [sflag:$0x1], $0x1, s2, s7, $0xb8;
	[tilespmem:$0xA48] =	vst v63  }
0x3f: {  	s16 =	sadd.s32 $0xFFFFFFFF, s16;
	_ =	swait.ge [sflag:s6], $0x3E8  }
0x40: {  	p2 =	sne.s32 s16, $0x0;
	[sflag:s6] =	ssyncset.done $0x0  }
.Ltmp1:
0x41: {  	[sflag:s6] =	ssyncadd.s32 $0xFFFFFC18;
	(pc) =	sbr.rel @!p2 .LBB2_3-.Ltmp1, $4  }
0x42: {  	[bflag:$0x0] =	sbarrier.arrive $0xFFFF  }
0x43: {  	[hbm:s3], [sflag:s15] =	dma.local @!p0 [spmem:s4], $0x4E2  }
0x44: {  	_ =	swait.ge @!p0 [sflag:s14], $0x4E2  }
0x45: {  	p1 =	por $0x1, $0x1;
	[sflag:s14] =	ssyncset.done @!p0 $0x0  }
.LBB2_2:
0x46: {  	[sflag:s14] =	ssyncadd.s32 @!p0 $0xFFFFFB1E  }
0x47: {  	[spmem:s4], [sflag:s15] =	dma.local @!p0 [hbm:s13], $0x4E2  }
0x48: {  	s16 =	sadd.s32 $0xFFFFFFFF, s16;
	_ =	swait.ge @!p0 [sflag:s14], $0x4E2  }
0x49: {  	p2 =	sne.s32 s16, $0x0;
	[sflag:s14] =	ssyncset.done @!p0 $0x0  }
0x4a: {  	[sflag:s14] =	ssyncadd.s32 @!p0 $0xFFFFFB1E  }
0x4b: {  	[tilespmem:s7], [sflag:$0x1] =	stream.linear.gather [hbm4b:s11+s2], $0x3E8, $0x38;
	[tilespmem:$0xA48] =	vst v63  }
0x4c: {  	_ =	swait.ge [sflag:s6], $0x3E8  }
0x4d: {  	[sflag:s6] =	ssyncset.done $0x0  }
0x4e: {  	[sflag:s6] =	ssyncadd.s32 $0xFFFFFC18  }
0x4f: {  	[bflag:$0x0] =	sbarrier.arrive $0xFFFF  }
0x50: {  	[tilespmem:s2], [sflag:$0x1] =	stream.linear.gather [hbm4b:s12+s2], $0x3E8, $0x38;
	[tilespmem:$0xA48] =	vst v63  }
0x51: {  	_ =	swait.ge [sflag:s6], $0x3E8  }
0x52: {  	[sflag:s6] =	ssyncset.done $0x0  }
0x53: {  	[sflag:s6] =	ssyncadd.s32 $0xFFFFFC18  }
0x54: {  	[spmem:s1] =	stream.indirect.scatter.add.f32 [tilespmem:s7], [sflag:$0x1], $0x1, s2, s7, $0xb8;
	[tilespmem:$0xA48] =	vst v63  }
0x55: {  	_ =	swait.ge [sflag:s6], $0x3E8  }
0x56: {  	[sflag:s6] =	ssyncset.done $0x0  }
0x57: {  	[sflag:s6] =	ssyncadd.s32 $0xFFFFFC18  }
0x58: {  	[tilespmem:s2], [sflag:$0x1] =	stream.linear.gather [hbm4b:s10+s2], $0x3E8, $0x38;
	[tilespmem:$0xA48] =	vst v63  }
0x59: {  	_ =	swait.ge [sflag:s6], $0x3E8  }
0x5a: {  	[sflag:s6] =	ssyncset.done $0x0  }
0x5b: {  	[sflag:s6] =	ssyncadd.s32 $0xFFFFFC18  }
0x5c: {  	[spmem:s1] =	stream.indirect.scatter.add.f32 [tilespmem:s7], [sflag:$0x1], $0x1, s2, s7, $0xb8;
	[tilespmem:$0xA48] =	vst v63  }
0x5d: {  	_ =	swait.ge [sflag:s6], $0x3E8  }
0x5e: {  	[sflag:s6] =	ssyncset.done $0x0  }
0x5f: {  	[sflag:s6] =	ssyncadd.s32 $0xFFFFFC18  }
0x60: {  	[tilespmem:s2], [sflag:$0x1] =	stream.linear.gather [hbm4b:s9+s2], $0x3E8, $0x38;
	[tilespmem:$0xA48] =	vst v63  }
0x61: {  	_ =	swait.ge [sflag:s6], $0x3E8  }
0x62: {  	[sflag:s6] =	ssyncset.done $0x0  }
0x63: {  	[sflag:s6] =	ssyncadd.s32 $0xFFFFFC18  }
0x64: {  	[spmem:s1] =	stream.indirect.scatter.add.f32 [tilespmem:s7], [sflag:$0x1], $0x1, s2, s7, $0xb8;
	[tilespmem:$0xA48] =	vst v63  }
0x65: {  	_ =	swait.ge [sflag:s6], $0x3E8  }
0x66: {  	[sflag:s6] =	ssyncset.done $0x0  }
0x67: {  	[sflag:s6] =	ssyncadd.s32 $0xFFFFFC18  }
0x68: {  	[tilespmem:s2], [sflag:$0x1] =	stream.linear.gather [hbm4b:s8+s2], $0x3E8, $0x38;
	[tilespmem:$0xA48] =	vst v63  }
0x69: {  	_ =	swait.ge [sflag:s6], $0x3E8  }
0x6a: {  	[sflag:s6] =	ssyncset.done $0x0  }
0x6b: {  	[sflag:s6] =	ssyncadd.s32 $0xFFFFFC18  }
0x6c: {  	[spmem:s1] =	stream.indirect.scatter.add.f32 [tilespmem:s7], [sflag:$0x1], $0x1, s2, s7, $0xb8;
	[tilespmem:$0xA48] =	vst v63  }
0x6d: {  	_ =	swait.ge [sflag:s6], $0x3E8  }
0x6e: {  	[sflag:s6] =	ssyncset.done $0x0  }
0x6f: {  	[sflag:s6] =	ssyncadd.s32 $0xFFFFFC18  }
0x70: {  	[tilespmem:s2], [sflag:$0x1] =	stream.linear.gather [hbm4b:s5+s2], $0x3E8, $0x38;
	[tilespmem:$0xA48] =	vst v63  }
0x71: {  	_ =	swait.ge [sflag:s6], $0x3E8  }
0x72: {  	[sflag:s6] =	ssyncset.done $0x0  }
0x73: {  	[sflag:s6] =	ssyncadd.s32 $0xFFFFFC18  }
0x74: {  	[spmem:s1] =	stream.indirect.scatter.add.f32 [tilespmem:s7], [sflag:$0x1], $0x1, s2, s7, $0xb8;
	[tilespmem:$0xA48] =	vst v63  }
0x75: {  	_ =	swait.ge [sflag:s6], $0x3E8  }
0x76: {  	[sflag:s6] =	ssyncset.done $0x0  }
.Ltmp2:
0x77: {  	[sflag:s6] =	ssyncadd.s32 $0xFFFFFC18;
	(pc) =	sbr.rel @p2 .LBB2_2-.Ltmp2, $4  }
0x78: {  	[bflag:$0x0] =	sbarrier.arrive $0xFFFF  }
0x79: {  	[hbm:s3], [sflag:s15] =	dma.local @!p0 [spmem:s4], $0x4E2  }
0x7a: {  	_ =	swait.ge @!p0 [sflag:s14], $0x4E2  }
0x7b: {  	[sflag:s14] =	ssyncset.done @!p0 $0x0  }
.LBB2_3:
0x7c: {  	p1 =	por p0, !p1  }
0x7d: {  	s15 =	simm.s32 @!p0 $0x1C01;
	s16 =	simm.s32 @!p0 $0x1;
	[sflag:s14] =	ssyncadd.s32 @!p1 $0xFFFFFB1E  }
0x7e: {  	[spmem:s4], [sflag:s15] =	dma.local @!p0 [hbm:s13], $0x4E2  }
0x7f: {  	_ =	swait.ge @!p0 [sflag:s16], $0x4E2  }
0x80: {  	[sflag:s16] =	ssyncset.done @!p0 $0x0  }
0x81: {  	[sflag:s16] =	ssyncadd.s32 @!p0 $0xFFFFFB1E  }
0x82: {  	[tilespmem:s7], [sflag:$0x1] =	stream.linear.gather [hbm4b:s11+s2], $0x3E8, $0x38;
	[tilespmem:$0xA48] =	vst v63  }
0x83: {  	_ =	swait.ge [sflag:s6], $0x3E8  }
0x84: {  	[sflag:s6] =	ssyncset.done $0x0  }
0x85: {  	[sflag:s6] =	ssyncadd.s32 $0xFFFFFC18  }
0x86: {  	[bflag:$0x0] =	sbarrier.arrive $0xFFFF  }
0x87: {  	[tilespmem:s2], [sflag:$0x1] =	stream.linear.gather [hbm4b:s12+s2], $0x3E8, $0x38;
	[tilespmem:$0xA48] =	vst v63  }
0x88: {  	_ =	swait.ge [sflag:s6], $0x3E8  }
0x89: {  	[sflag:s6] =	ssyncset.done $0x0  }
0x8a: {  	[sflag:s6] =	ssyncadd.s32 $0xFFFFFC18  }
0x8b: {  	[spmem:s1] =	stream.indirect.scatter.add.f32 [tilespmem:s7], [sflag:$0x1], $0x1, s2, s7, $0xb8;
	[tilespmem:$0xA48] =	vst v63  }
0x8c: {  	_ =	swait.ge [sflag:s6], $0x3E8  }
0x8d: {  	[sflag:s6] =	ssyncset.done $0x0  }
0x8e: {  	[sflag:s6] =	ssyncadd.s32 $0xFFFFFC18  }
0x8f: {  	[tilespmem:s2], [sflag:$0x1] =	stream.linear.gather [hbm4b:s10+s2], $0x3E8, $0x38;
	[tilespmem:$0xA48] =	vst v63  }
0x90: {  	_ =	swait.ge [sflag:s6], $0x3E8  }
0x91: {  	[sflag:s6] =	ssyncset.done $0x0  }
0x92: {  	[sflag:s6] =	ssyncadd.s32 $0xFFFFFC18  }
0x93: {  	[spmem:s1] =	stream.indirect.scatter.add.f32 [tilespmem:s7], [sflag:$0x1], $0x1, s2, s7, $0xb8;
	[tilespmem:$0xA48] =	vst v63  }
0x94: {  	_ =	swait.ge [sflag:s6], $0x3E8  }
0x95: {  	[sflag:s6] =	ssyncset.done $0x0  }
0x96: {  	[sflag:s6] =	ssyncadd.s32 $0xFFFFFC18  }
0x97: {  	[tilespmem:s2], [sflag:$0x1] =	stream.linear.gather [hbm4b:s9+s2], $0x3E8, $0x38;
	[tilespmem:$0xA48] =	vst v63  }
0x98: {  	_ =	swait.ge [sflag:s6], $0x3E8  }
0x99: {  	[sflag:s6] =	ssyncset.done $0x0  }
0x9a: {  	[sflag:s6] =	ssyncadd.s32 $0xFFFFFC18  }
0x9b: {  	[spmem:s1] =	stream.indirect.scatter.add.f32 [tilespmem:s7], [sflag:$0x1], $0x1, s2, s7, $0xb8;
	[tilespmem:$0xA48] =	vst v63  }
0x9c: {  	_ =	swait.ge [sflag:s6], $0x3E8  }
0x9d: {  	[sflag:s6] =	ssyncset.done $0x0  }
0x9e: {  	[sflag:s6] =	ssyncadd.s32 $0xFFFFFC18  }
0x9f: {  	[tilespmem:s2], [sflag:$0x1] =	stream.linear.gather [hbm4b:s8+s2], $0x3E8, $0x38;
	[tilespmem:$0xA48] =	vst v63  }
0xa0: {  	_ =	swait.ge [sflag:s6], $0x3E8  }
0xa1: {  	[sflag:s6] =	ssyncset.done $0x0  }
0xa2: {  	[sflag:s6] =	ssyncadd.s32 $0xFFFFFC18  }
0xa3: {  	[spmem:s1] =	stream.indirect.scatter.add.f32 [tilespmem:s7], [sflag:$0x1], $0x1, s2, s7, $0xb8;
	[tilespmem:$0xA48] =	vst v63  }
0xa4: {  	_ =	swait.ge [sflag:s6], $0x3E8  }
0xa5: {  	[sflag:s6] =	ssyncset.done $0x0  }
0xa6: {  	[sflag:s6] =	ssyncadd.s32 $0xFFFFFC18  }
0xa7: {  	[tilespmem:s2], [sflag:$0x1] =	stream.linear.gather [hbm4b:s5+s2], $0x3E8, $0x38;
	[tilespmem:$0xA48] =	vst v63  }
0xa8: {  	_ =	swait.ge [sflag:s6], $0x3E8  }
0xa9: {  	[sflag:s6] =	ssyncset.done $0x0  }
0xaa: {  	[sflag:s6] =	ssyncadd.s32 $0xFFFFFC18  }
0xab: {  	[spmem:s1] =	stream.indirect.scatter.add.f32 [tilespmem:s7], [sflag:$0x1], $0x1, s2, s7, $0xb8;
	[tilespmem:$0xA48] =	vst v63  }
0xac: {  	_ =	swait.ge [sflag:s6], $0x3E8  }
0xad: {  	[sflag:s6] =	ssyncset.done $0x0  }
0xae: {  	[sflag:s6] =	ssyncadd.s32 $0xFFFFFC18  }
0xaf: {  	[bflag:$0x0] =	sbarrier.arrive $0xFFFF  }
0xb0: {  	[hbm:s3], [sflag:s15] =	dma.local @!p0 [spmem:s4], $0x4E2  }
0xb1: {  	_ =	swait.ge @!p0 [sflag:s16], $0x4E2  }
0xb2: {  	[sflag:s16] =	ssyncset.done @!p0 $0x0  }
0xb3: {  	[sflag:s16] =	ssyncadd.s32 @!p0 $0xFFFFFB1E  }
0xb4: {  	_ =	sfence.sel $0x180000  }
0xb5: {  	[bflag:$0x0] =	sbarrier.arrive $0xFFFF  }
0xb6: {  	_ =	strace $0x90000047  }
0xb7: {  	s0 =	sadd.s32 @!p0 $0x100000, s0;
	[bflag:$0x2] =	sbarrier.arrive $0xFFFF  }
0xb8: {  	[sflag:s0] =	ssyncadd.tile.s32 @!p0 $0x1;
	_ =	shalt  }
.Lfunc_end2:
_tile_overlayer_lowered:
.L_overlay_start_2:
0xb9: {  	(tag) =	ssettag $0x2  }
0xba: {  	s0 =	rddreg [dreg:$0x0];
	s2 =	stileid.u32  }
0xbb: {  	s1 =	rddreg [dreg:$0x1];
	p0 =	sne.s32 s2, $0x0  }
0xbc: {  	s3 =	rddreg [dreg:$0x2];
	[bflag:$0x3] =	sbarrier.arrive $0xFFFF;
	s2 =	simm.s32 @!p0 $0x1C01  }
0xbd: {  	[timem:s3], [sflag:s2] =	dma.local @!p0 [hbm:s0], s1  }
0xbe: {  	s0 =	simm.s32 @!p0 $0x1  }
0xbf: {  	_ =	swait.ge @!p0 [sflag:s0], s1  }
0xc0: {  	s1 =	ssub.s32 @!p0 $0x0, s1;
	[sflag:s0] =	ssyncset.done @!p0 $0x0  }
0xc1: {  	[sflag:s0] =	ssyncadd.s32 @!p0 s1  }
0xc2: {  	[bflag:$0x3] =	sbarrier.arrive $0xFFFF  }
0xc3: {  	_ =	shalt  }

// kernel: sc_edge_pass_f16.3.cloned.1.call-start
scs
__scs_entry_jumppad:
0x0: {  	(pc) =	sbr.rel $0x88, $3  }
0x1: {  	(tag) =	ssettag $0x0;
	lr =	simm.s32 $0x1  }
0x2: {  	[smem:$0x3F9B] =	sst lr;
	_ =	strace $0xD0000000  }
0x3: {  	_ = 	snop  }
0x4: {  	_ = 	snop  }
0x5: {  	_ = 	snop  }
0x6: {  	_ = 	snop  }
0x7: {  	_ = 	snop  }
__scs_overlays_trampoline_lowered:
0x8: {  	[smem:$0x3FAA] =	sst s0  }
0x9: {  	[smem:$0x3FAB] =	sst s1  }
0xa: {  	[smem:$0x3FAC] =	sst s2  }
0xb: {  	[smem:$0x3FAD] =	sst s3  }
0xc: {  	[smem:$0x3FAE] =	sst s4  }
0xd: {  	[smem:$0x3FAF] =	sst s5  }
0xe: {  	[smem:$0x3FB0] =	sst s6  }
0xf: {  	[smem:$0x3FB1] =	sst s7  }
0x10: {  	[smem:$0x3FB2] =	sst s8  }
0x11: {  	[smem:$0x3FB3] =	sst s9;
	s0 =	simm.s32 @!p0 $0x0  }
0x12: {  	s1 =	sld [smem:$0x3F99];
	s0 =	simm.s32 @p0 $0x1  }
0x13: {  	[smem:$0x3FB4] =	sst s0;
	s0 =	simm.s32 @!p1 $0x0  }
0x14: {  	s2 =	sld [smem:$0x3F98];
	s0 =	simm.s32 @p1 $0x1  }
0x15: {  	[smem:$0x3FB5] =	sst s0;
	s0 =	simm.s32 @!p2 $0x0  }
0x16: {  	s3 =	sld [smem:$0x3FDB];
	s0 =	simm.s32 @p2 $0x1  }
0x17: {  	s4 =	simm.s32 $0x1BF5;
	[smem:$0x3FB7] =	sst s0  }
0x18: {  	s0 =	sld [smem:$0x3F9A];
	_ =	swait.ge [sflag:s4], $0x0  }
0x19: {  	s7 =	sld [smem:$0x3F9B]  }
0x1a: {  	s8 =	sadd.s32 $0xFFFFE003, lr  }
0x1b: {  	s9 =	sadd.s32 $0xFFFFFEF7, lr;
	s5 =	simm.s32 $0xFFFFFFFF;
	p2 =	slt.u32 s8, $0xFFFFF086  }
0x1c: {  	p1 =	slt.u32 s9, $0xF7A;
	s5 =	simm.s32 @!p2 $0x0  }
0x1d: {  	s5 =	simm.s32 @p1 $0x1;
	p0 =	seq.s32 s7, s2  }
0x1e: {  	s7 =	smul.u32 @!p0 $0xF7A, s2;
	p2 =	seq.s32 @!p0 s5, $0x0  }
0x1f: {  	s9 =	smul.u32 $0xF7A, s1;
	s8 =	simm.s32 @!p0 $0x1BF5;
	p2 =	por !p2, p0  }
0x20: {  	[sflag:s8] =	ssyncset.s32 @!p0 $0xFFFFF086;
	s6 =	sadd.s32 @!p0 s3, s7;
	s7 =	simm.s32 @!p0 $0x108  }
0x21: {  	s3 =	sadd.s32 s3, s9;
	s6 =	sadd.s32 @!p0 $0x88, s6;
	s7 =	simm.s32 @p2 $0x1082  }
0x22: {  	[simem:s7], [sflag:s8] =	dma.local @!p0 [hbm:s6], $0xF7A  }
0x23: {  	s9 =	sor.u32 $0xD0000000, s2;
	s6 =	simm.s32 $0x108;
	_ =	swait.ge @!p0 [sflag:s8], $0x0  }
0x24: {  	s3 =	sadd.s32 $0x88, s3;
	s6 =	simm.s32 @!p1 $0x1082;
	[sflag:s4] =	ssyncset.s32 $0xFFFFF086  }
0x25: {  	[simem:s6], [sflag:s4] =	dma.local [hbm:s3], $0xF7A  }
0x26: {  	[smem:$0x3F9B] =	sst s1;
	(tag) =	ssettag s2;
	_ =	strace s9  }
0x27: {  	s1 =	sld [smem:$0x3FAB]  }
0x28: {  	s2 =	sld [smem:$0x3FAC]  }
0x29: {  	s4 =	sld [smem:$0x3FAE]  }
0x2a: {  	p0 =	seq.s32 s5, $0x0;
	s5 =	sld [smem:$0x3FAF]  }
0x2b: {  	s6 =	sld [smem:$0x3FB0]  }
0x2c: {  	s7 =	sld [smem:$0x3FB1]  }
0x2d: {  	s3 =	simm.s32 $0x108;
	s8 =	sld [smem:$0x3FB2]  }
0x2e: {  	s3 =	simm.s32 @!p0 $0x1082;
	s9 =	sld [smem:$0x3FB3]  }
0x2f: {  	lr =	sadd.s32 s0, s3;
	s0 =	sld [smem:$0x3FAA]  }
0x30: {  	s3 =	sld [smem:$0x3FAD]  }
0x31: {  	[smem:$0x3FB6] =	sst s10  }
0x32: {  	s10 =	sld [smem:$0x3FB4];
	_ =	sdelay $0x3  }
0x33: {  	p0 =	seq.s32 s10, $0x1;
	s10 =	sld [smem:$0x3FB6];
	_ =	sdelay $0x3  }
0x34: {  	[smem:$0x3FB6] =	sst s10  }
0x35: {  	s10 =	sld [smem:$0x3FB5];
	_ =	sdelay $0x3  }
0x36: {  	p1 =	seq.s32 s10, $0x1;
	s10 =	sld [smem:$0x3FB6];
	_ =	sdelay $0x3  }
0x37: {  	[smem:$0x3FB6] =	sst s10  }
0x38: {  	s10 =	sld [smem:$0x3FB7]  }
0x39: {  	_ = 	snop;
	(pc) =	sbr.ind lr, $3  }
0x3a: {  	_ = 	snop  }
0x3b: {  	_ = 	snop  }
0x3c: {  	p2 =	seq.s32 s10, $0x1;
	s10 =	sld [smem:$0x3FB6]  }
0x3d: {  	_ =	shalt  }
0x3e: {  	_ =	shalt  }
0x3f: {  	_ =	shalt  }
0x40: {  	_ =	shalt  }
0x41: {  	_ =	shalt  }
0x42: {  	_ =	shalt  }
0x43: {  	_ =	shalt  }
0x44: {  	_ =	shalt  }
0x45: {  	_ =	shalt  }
0x46: {  	_ =	shalt  }
0x47: {  	_ =	shalt  }
0x48: {  	_ =	shalt  }
0x49: {  	_ =	shalt  }
0x4a: {  	_ =	shalt  }
0x4b: {  	_ =	shalt  }
0x4c: {  	_ =	shalt  }
0x4d: {  	_ =	shalt  }
0x4e: {  	_ =	shalt  }
0x4f: {  	_ =	shalt  }
0x50: {  	_ =	shalt  }
0x51: {  	_ =	shalt  }
0x52: {  	_ =	shalt  }
0x53: {  	_ =	shalt  }
0x54: {  	_ =	shalt  }
0x55: {  	_ =	shalt  }
0x56: {  	_ =	shalt  }
0x57: {  	_ =	shalt  }
0x58: {  	_ =	shalt  }
0x59: {  	_ =	shalt  }
0x5a: {  	_ =	shalt  }
0x5b: {  	_ =	shalt  }
0x5c: {  	_ =	shalt  }
0x5d: {  	_ =	shalt  }
0x5e: {  	_ =	shalt  }
0x5f: {  	_ =	shalt  }
0x60: {  	_ =	shalt  }
0x61: {  	_ =	shalt  }
0x62: {  	_ =	shalt  }
0x63: {  	_ =	shalt  }
0x64: {  	_ =	shalt  }
0x65: {  	_ =	shalt  }
0x66: {  	_ =	shalt  }
0x67: {  	_ =	shalt  }
0x68: {  	_ =	shalt  }
0x69: {  	_ =	shalt  }
0x6a: {  	_ =	shalt  }
0x6b: {  	_ =	shalt  }
0x6c: {  	_ =	shalt  }
0x6d: {  	_ =	shalt  }
0x6e: {  	_ =	shalt  }
0x6f: {  	_ =	shalt  }
0x70: {  	_ =	shalt  }
0x71: {  	_ =	shalt  }
0x72: {  	_ =	shalt  }
0x73: {  	_ =	shalt  }
0x74: {  	_ =	shalt  }
0x75: {  	_ =	shalt  }
0x76: {  	_ =	shalt  }
0x77: {  	_ =	shalt  }
0x78: {  	_ =	shalt  }
0x79: {  	_ =	shalt  }
0x7a: {  	_ =	shalt  }
0x7b: {  	_ =	shalt  }
0x7c: {  	_ =	shalt  }
0x7d: {  	_ =	shalt  }
0x7e: {  	_ =	shalt  }
0x7f: {  	_ =	shalt  }
0x80: {  	_ =	shalt  }
0x81: {  	_ =	shalt  }
0x82: {  	_ =	shalt  }
0x83: {  	_ =	shalt  }
0x84: {  	_ =	shalt  }
0x85: {  	_ =	shalt  }
0x86: {  	_ =	shalt  }
0x87: {  	_ =	shalt  }
.Lfunc_end0:
.L_simem_size_0:
called_computation.3_lowered:
.L_overlay_start_0:
0x88: {  	s2 =	sld [smem:$0x3FD9]  }
0x89: {  	s3 =	sld [smem:$0x3FFE];
	_ =	sdelay $0x1  }
0x8a: {  	s1 =	srdreg.scid  }
0x8b: {  	s0 =	sand.u32 $0x1, s1  }
0x8c: {  	s17 =	sshll.u32 s0, $0xA;
	s2 =	sadd.s32 s3, s2  }
0x8d: {  	s2 =	sadd.s32 s2, s17  }
0x8e: {  	[smem:$0x3FC2] =	sst s2  }
0x8f: {  	_ = 	snop  }
0x90: {  	s2 =	sld [smem:$0x3FD0];
	(tm) =	ssettm $0x1  }
0x91: {  	s18 =	sld [smem:$0x3FFB];
	_ =	sdelay $0x3  }
0x92: {  	_ =	strace s18  }
0x93: {  	s3 =	sld [smem:$0x3FFC];
	_ =	sdelay $0x3  }
0x94: {  	_ =	strace s3  }
0x95: {  	s3 =	sld [smem:$0x3FFD];
	_ =	sdelay $0x3  }
0x96: {  	_ =	strace s3  }
0x97: {  	_ =	strace $0x8FFFFFFF  }
0x98: {  	s19 =	sld [smem:$0x3FDB];
	_ =	sdelay $0x1  }
0x99: {  	s4 =	simm.s32 $_scs_section_size  }
0x9a: {  	s5 =	simm.s32 $_size__tile_overlayer_lowered;
	s6 =	simm.s32 $_tile_overlayer_lowered  }
0x9b: {  	s22 =	simm.s32 $0x1BFF;
	s21 =	sshll.u32 s6, $0x1;
	s3 =	sadd.s32 s4, s19  }
0x9c: {  	s7 =	simm.s32 $0x0;
	s20 =	sshll.u32 s5, $0x1;
	s5 =	sadd.s32 s21, s3  }
0x9d: {  	[timem:s7], [sflag:s22] =	dma.local [hbm:s5], s20  }
0x9e: {  	_ =	swait.ge [sflag:s22], s20  }
0x9f: {  	s4 =	ssub.s32 $0x0, s20;
	[sflag:s22] =	ssyncset.done $0x0  }
0xa0: {  	[sflag:s22] =	ssyncadd.s32 s4;
	_ =	sdelay $0x1  }
0xa1: {  	s23 =	simm.s32 $0x1B8B  }
0xa2: {  	_ =	swait.ge [sflag:s23], $0x1  }
0xa3: {  	[sflag:s23] =	ssyncset.done $0x0  }
0xa4: {  	s25 =	simm.s32 $0x1B8E;
	s24 =	sld [smem:$0x3FFE];
	[sflag:s23] =	ssyncadd.s32 $0xFFFFFFFF  }
0xa5: {  	s26 =	simm.s32 $execute0_lowered;
	[smem:$0x3FD2] =	sst s25  }
0xa6: {  	s5 =	sshll.u32 s26, $0x1;
	_ =	strace $0x8000004F;
	[dreg:$0x1] =	wrdreg $0xFFFFFFFF  }
0xa7: {  	s28 =	simm.s32 $_size_execute0_lowered;
	s3 =	sadd.s32 s3, s5;
	[dreg:$0x0] =	wrdreg $0x0  }
0xa8: {  	s5 =	sshll.u32 s28, $0x1;
	[dreg:$0x2] =	wrdreg s3  }
0xa9: {  	[dreg:$0x3] =	wrdreg s5  }
0xaa: {  	[dreg:$0x4] =	wrdreg $0xC0  }
0xab: {  	_ =	task [dreg:s7], $0x5FFFF  }
0xac: {  	[dreg:$0x1] =	wrdreg $0xFFFFFFFF  }
0xad: {  	[dreg:$0x0] =	wrdreg $0x60  }
0xae: {  	[dreg:$0x2] =	wrdreg s24  }
0xaf: {  	[dreg:$0x3] =	wrdreg s2  }
0xb0: {  	[dreg:$0x4] =	wrdreg $0x46500  }
0xb1: {  	[dreg:$0x5] =	wrdreg $0x9  }
0xb2: {  	_ =	task.clear_ibuf [dreg:s7], $0x6FFFF;
	_ =	strace $0x9000004F  }
0xb3: {  	s29 =	simm.s32 $0x9;
	_ =	strace $0x80000051  }
0xb4: {  	_ =	swait.ge [sflag:s29], $0x1  }
0xb5: {  	[sflag:s29] =	ssyncadd.s32 $0xFFFFFFFF  }
0xb6: {  	_ =	strace $0x90000051  }
0xb7: {  	_ =	sfence  }
0xb8: {  	s30 =	sld [smem:$0x0];
	_ =	sdelay $0x2  }
0xb9: {  	s31 =	sshll.u32 s1, $0xD;
	s1 =	sshrl.u32 s1, $0x2  }
0xba: {  	s3 =	sand.u32 $0x4000, s31;
	s1 =	sadd.s32 s1, s30  }
0xbb: {  	s0 =	sor.u32 s3, s0;
	s1 =	sshll.u32 s1, $0x11  }
0xbc: {  	s0 =	sor.u32 s1, s0  }
0xbd: {  	s0 =	sadd.s32 $0x8F2B, s0  }
0xbe: {  	[sflag:s0] =	ssyncadd.remote.s32 $0x1  }
0xbf: {  	_ =	sfence.sel $0xFFFF  }
0xc0: {  	[dreg:$0x0] =	wrdreg $0xFFFFFFFF;
	(pc) =	sbr.abs _section_cstart, $3  }
0xc1: {  	[dreg:$0x1] =	wrdreg $0xFFFFFFFF  }
0xc2: {  	_ =	task.clear_ibuf [dreg:s7], $0x2FFFF;
	_ =	strace $0x9FFFFFFF  }
0xc3: {  	(tm) =	ssettm $0x7FFFFFFF  }
tec
execute0_lowered:
.L_overlay_start_1:
0x0: {  	(tag) =	ssettag $0x1  }
0x1: {  	s11 =	rddreg [dreg:$0x0]  }
0x2: {  	s22 =	rddreg [dreg:$0x1]  }
0x3: {  	s2 =	rddreg [dreg:$0x2]  }
0x4: {  	s1 =	stileid.u32;
	s0 =	rddreg [dreg:$0x3]  }
0x5: {  	s3 =	simm.s32 $0x0;
	s5 =	srdreg.scid;
	s4 =	smul.u32 $0x278, s1  }
0x6: {  	[smem:$0x7FF] =	sst s3;
	s24 =	sand.u32 $0x1, s5;
	s28 =	sshll.u32 s1, $0x6  }
0x7: {  	_ =	strace $0x80000050;
	s5 =	sshll.u32 s24, $0x4;
	s4 =	smin.u32 s4, $0x2498  }
0x8: {  	s8 =	sor.u32 s1, s5;
	s6 =	sshll.u32 s4, $0x1;
	s23 =	sshll.u32 s4, $0x4  }
0x9: {  	s5 =	sor.u32 $0x1C02, s28;
	s25 =	sadd.s32 s6, s11;
	s26 =	sadd.s32 s23, s2  }
0xa: {  	s6 =	simm.s32 $0x2;
	s4 =	sadd.s32 $0x10000, s25;
	s7 =	sshrl.u32 s26, $0x3  }
0xb: {  	[spmem:s7], [sflag:s5] =	dma.local [hbm:s4], $0x4F0  }
0xc: {  	s18 =	smul.u32 $0x1388, s8;
	_ =	swait.ge [sflag:s6], $0x4F0  }
0xd: {  	[sflag:s6] =	ssyncset.done $0x0  }
0xe: {  	s20 =	sadd.s32 $0x1000, s11;
	s25 =	sshrl.u32 s18, $0x3;
	[sflag:s6] =	ssyncadd.s32 $0xFFFFFB10  }
0xf: {  	s8 =	sadd.s32 s20, s25;
	[bflag:$0x0] =	sbarrier.arrive $0xFFFF  }
0x10: {  	[tilespmem:s3], [sflag:$0x2] =	stream.linear.gather [hbm4b:s8+s3], $0x3E8, $0x38;
	[tilespmem:$0x6D60] =	vst v63  }
0x11: {  	_ =	swait.ge [sflag:s6], $0x3E8  }
0x12: {  	s21 =	sadd.s32 $0x6000, s11;
	[sflag:s6] =	ssyncset.done $0x0  }
0x13: {  	s10 =	simm.s32 $0x3E8;
	s9 =	sadd.s32 s21, s25;
	[sflag:s6] =	ssyncadd.s32 $0xFFFFFC18  }
0x14: {  	[tilespmem:s10], [sflag:$0x2] =	stream.linear.gather [hbm4b:s9+s3], $0x3E8, $0x38;
	[tilespmem:$0x6D60] =	vst v63  }
0x15: {  	_ =	swait.ge [sflag:s6], $0x3E8  }
0x16: {  	s12 =	simm.s32 $0x7D0;
	[sflag:s6] =	ssyncset.done $0x0  }
0x17: {  	s13 =	simm.s32 $0x1;
	s11 =	sadd.s32 $0xB000, s11;
	[sflag:s6] =	ssyncadd.s32 $0xFFFFFC18  }
0x18: {  	[tilespmem:s12], [sflag:$0x1] =	stream.indirect.gather [hbm4b:s11+s10], $0x10, s3, s10, $0xb8;
	[tilespmem:$0x6D60] =	vst v63  }
0x19: {  	_ =	swait.ge [sflag:s13], $0x3E80  }
0x1a: {  	[sflag:s13] =	ssyncset.done $0x0  }
0x1b: {  	[sflag:s13] =	ssyncadd.s32 $0xFFFFC180  }
0x1c: {  	[spmem:s2] =	stream.indirect.scatter.add.f32 [tilespmem:s12], [sflag:$0x2], $0x10, s10, s10, $0xb8;
	[tilespmem:$0x6D60] =	vst v63  }
0x1d: {  	s14 =	sadd.s32 $0x3E8, s18;
	_ =	swait.ge [sflag:s6], $0x3E80  }
0x1e: {  	s15 =	sshrl.u32 s14, $0x3;
	[sflag:s6] =	ssyncset.done $0x0  }
0x1f: {  	s14 =	sadd.s32 s20, s15;
	[sflag:s6] =	ssyncadd.s32 $0xFFFFC180  }
0x20: {  	[tilespmem:s3], [sflag:$0x2] =	stream.linear.gather [hbm4b:s14+s3], $0x3E8, $0x38;
	[tilespmem:$0x6D60] =	vst v63  }
0x21: {  	_ =	swait.ge [sflag:s6], $0x3E8  }
0x22: {  	[sflag:s6] =	ssyncset.done $0x0  }
0x23: {  	s15 =	sadd.s32 s21, s15;
	[sflag:s6] =	ssyncadd.s32 $0xFFFFFC18  }
0x24: {  	[tilespmem:s10], [sflag:$0x2] =	stream.linear.gather [hbm4b:s15+s3], $0x3E8, $0x38;
	[tilespmem:$0x6D60] =	vst v63  }
0x25: {  	_ =	swait.ge [sflag:s6], $0x3E8  }
0x26: {  	[sflag:s6] =	ssyncset.done $0x0  }
0x27: {  	[sflag:s6] =	ssyncadd.s32 $0xFFFFFC18  }
0x28: {  	[tilespmem:s12], [sflag:$0x1] =	stream.indirect.gather [hbm4b:s11+s10], $0x10, s3, s10, $0xb8;
	[tilespmem:$0x6D60] =	vst v63  }
0x29: {  	_ =	swait.ge [sflag:s13], $0x3E80  }
0x2a: {  	[sflag:s13] =	ssyncset.done $0x0  }
0x2b: {  	[sflag:s13] =	ssyncadd.s32 $0xFFFFC180  }
0x2c: {  	[spmem:s2] =	stream.indirect.scatter.add.f32 [tilespmem:s12], [sflag:$0x2], $0x10, s10, s10, $0xb8;
	[tilespmem:$0x6D60] =	vst v63  }
0x2d: {  	_ =	swait.ge [sflag:s6], $0x3E80  }
0x2e: {  	s17 =	sadd.s32 $0xFA, s25;
	[sflag:s6] =	ssyncset.done $0x0  }
0x2f: {  	s16 =	sadd.s32 s20, s17;
	[sflag:s6] =	ssyncadd.s32 $0xFFFFC180  }
0x30: {  	[tilespmem:s3], [sflag:$0x2] =	stream.linear.gather [hbm4b:s16+s3], $0x3E8, $0x38;
	[tilespmem:$0x6D60] =	vst v63  }
0x31: {  	_ =	swait.ge [sflag:s6], $0x3E8  }
0x32: {  	[sflag:s6] =	ssyncset.done $0x0  }
0x33: {  	s17 =	sadd.s32 s21, s17;
	[sflag:s6] =	ssyncadd.s32 $0xFFFFFC18  }
0x34: {  	[tilespmem:s10], [sflag:$0x2] =	stream.linear.gather [hbm4b:s17+s3], $0x3E8, $0x38;
	[tilespmem:$0x6D60] =	vst v63  }
0x35: {  	_ =	swait.ge [sflag:s6], $0x3E8  }
0x36: {  	[sflag:s6] =	ssyncset.done $0x0  }
0x37: {  	[sflag:s6] =	ssyncadd.s32 $0xFFFFFC18  }
0x38: {  	[tilespmem:s12], [sflag:$0x1] =	stream.indirect.gather [hbm4b:s11+s10], $0x10, s3, s10, $0xb8;
	[tilespmem:$0x6D60] =	vst v63  }
0x39: {  	_ =	swait.ge [sflag:s13], $0x3E80  }
0x3a: {  	[sflag:s13] =	ssyncset.done $0x0  }
0x3b: {  	[sflag:s13] =	ssyncadd.s32 $0xFFFFC180  }
0x3c: {  	[spmem:s2] =	stream.indirect.scatter.add.f32 [tilespmem:s12], [sflag:$0x2], $0x10, s10, s10, $0xb8;
	[tilespmem:$0x6D60] =	vst v63  }
0x3d: {  	s18 =	sadd.s32 $0xBB8, s18;
	_ =	swait.ge [sflag:s6], $0x3E80  }
0x3e: {  	s19 =	sshrl.u32 s18, $0x3;
	[sflag:s6] =	ssyncset.done $0x0  }
0x3f: {  	s18 =	sadd.s32 s20, s19;
	[sflag:s6] =	ssyncadd.s32 $0xFFFFC180  }
0x40: {  	[tilespmem:s3], [sflag:$0x2] =	stream.linear.gather [hbm4b:s18+s3], $0x3E8, $0x38;
	[tilespmem:$0x6D60] =	vst v63  }
0x41: {  	_ =	swait.ge [sflag:s6], $0x3E8  }
0x42: {  	[sflag:s6] =	ssyncset.done $0x0  }
0x43: {  	s19 =	sadd.s32 s21, s19;
	[sflag:s6] =	ssyncadd.s32 $0xFFFFFC18  }
0x44: {  	[tilespmem:s10], [sflag:$0x2] =	stream.linear.gather [hbm4b:s19+s3], $0x3E8, $0x38;
	[tilespmem:$0x6D60] =	vst v63  }
0x45: {  	_ =	swait.ge [sflag:s6], $0x3E8  }
0x46: {  	[sflag:s6] =	ssyncset.done $0x0  }
0x47: {  	[sflag:s6] =	ssyncadd.s32 $0xFFFFFC18  }
0x48: {  	[tilespmem:s12], [sflag:$0x1] =	stream.indirect.gather [hbm4b:s11+s10], $0x10, s3, s10, $0xb8;
	[tilespmem:$0x6D60] =	vst v63  }
0x49: {  	_ =	swait.ge [sflag:s13], $0x3E80  }
0x4a: {  	[sflag:s13] =	ssyncset.done $0x0  }
0x4b: {  	[sflag:s13] =	ssyncadd.s32 $0xFFFFC180  }
0x4c: {  	[spmem:s2] =	stream.indirect.scatter.add.f32 [tilespmem:s12], [sflag:$0x2], $0x10, s10, s10, $0xb8;
	[tilespmem:$0x6D60] =	vst v63  }
0x4d: {  	_ =	swait.ge [sflag:s6], $0x3E80  }
0x4e: {  	s25 =	sadd.s32 $0x1F4, s25;
	[sflag:s6] =	ssyncset.done $0x0  }
0x4f: {  	s20 =	sadd.s32 s20, s25;
	[sflag:s6] =	ssyncadd.s32 $0xFFFFC180  }
0x50: {  	[tilespmem:s3], [sflag:$0x2] =	stream.linear.gather [hbm4b:s20+s3], $0x3E8, $0x38;
	[tilespmem:$0x6D60] =	vst v63  }
0x51: {  	_ =	swait.ge [sflag:s6], $0x3E8  }
0x52: {  	[sflag:s6] =	ssyncset.done $0x0  }
0x53: {  	s21 =	sadd.s32 s21, s25;
	[sflag:s6] =	ssyncadd.s32 $0xFFFFFC18  }
0x54: {  	[tilespmem:s10], [sflag:$0x2] =	stream.linear.gather [hbm4b:s21+s3], $0x3E8, $0x38;
	[tilespmem:$0x6D60] =	vst v63  }
0x55: {  	_ =	swait.ge [sflag:s6], $0x3E8  }
0x56: {  	[sflag:s6] =	ssyncset.done $0x0  }
0x57: {  	[sflag:s6] =	ssyncadd.s32 $0xFFFFFC18  }
0x58: {  	[tilespmem:s12], [sflag:$0x1] =	stream.indirect.gather [hbm4b:s11+s10], $0x10, s3, s10, $0xb8;
	[tilespmem:$0x6D60] =	vst v63  }
0x59: {  	s29 =	smul.u32 $0x27100, s24;
	s24 =	ssub.s32 $0x2, s24;
	_ =	swait.ge [sflag:s13], $0x3E80  }
0x5a: {  	s30 =	sshrl.u32 s24, $0x1;
	[sflag:s13] =	ssyncset.done $0x0  }
0x5b: {  	s24 =	ssub.s32 s24, s30;
	[sflag:s13] =	ssyncadd.s32 $0xFFFFC180  }
0x5c: {  	[spmem:s2] =	stream.indirect.scatter.add.f32 [tilespmem:s12], [sflag:$0x2], $0x10, s10, s10, $0xb8;
	[tilespmem:$0x6D60] =	vst v63  }
0x5d: {  	s31 =	smax.u32 s24, $0x1;
	_ =	swait.ge [sflag:s6], $0x3E80  }
0x5e: {  	s23 =	sadd.s32 s29, s23;
	p0 =	sne.s32 s31, $0x1;
	[sflag:s6] =	ssyncset.done $0x0  }
.Ltmp0:
0x5f: {  	s23 =	sshrl.u32 s23, $0x3;
	[sflag:s6] =	ssyncadd.s32 $0xFFFFC180;
	(pc) =	sbr.rel @!p0 .LBB2_2-.Ltmp0, $4  }
0x60: {  	s22 =	sadd.s32 s22, s23;
	[bflag:$0x0] =	sbarrier.arrive $0xFFFF  }
0x61: {  	[hbm:s22], [sflag:s5] =	dma.local [spmem:s7], $0x4F0  }
0x62: {  	_ =	swait.ge [sflag:s6], $0x4F0  }
0x63: {  	s23 =	sadd.s32 $0xFFFFFFFF, s31;
	[sflag:s6] =	ssyncset.done $0x0  }
.LBB2_1:
0x64: {  	p0 =	sne.s32 s23, $0x1;
	s23 =	sadd.s32 $0xFFFFFFFF, s23;
	[sflag:s6] =	ssyncadd.s32 $0xFFFFFB10  }
0x65: {  	[spmem:s7], [sflag:s5] =	dma.local [hbm:s4], $0x4F0  }
0x66: {  	_ =	swait.ge [sflag:s6], $0x4F0  }
0x67: {  	[sflag:s6] =	ssyncset.done $0x0  }
0x68: {  	[sflag:s6] =	ssyncadd.s32 $0xFFFFFB10  }
0x69: {  	[bflag:$0x0] =	sbarrier.arrive $0xFFFF  }
0x6a: {  	[tilespmem:s3], [sflag:$0x2] =	stream.linear.gather [hbm4b:s8+s3], $0x3E8, $0x38;
	[tilespmem:$0x6D60] =	vst v63  }
0x6b: {  	_ =	swait.ge [sflag:s6], $0x3E8  }
0x6c: {  	[sflag:s6] =	ssyncset.done $0x0  }
0x6d: {  	[sflag:s6] =	ssyncadd.s32 $0xFFFFFC18  }
0x6e: {  	[tilespmem:s10], [sflag:$0x2] =	stream.linear.gather [hbm4b:s9+s3], $0x3E8, $0x38;
	[tilespmem:$0x6D60] =	vst v63  }
0x6f: {  	_ =	swait.ge [sflag:s6], $0x3E8  }
0x70: {  	[sflag:s6] =	ssyncset.done $0x0  }
0x71: {  	[sflag:s6] =	ssyncadd.s32 $0xFFFFFC18  }
0x72: {  	[tilespmem:s12], [sflag:$0x1] =	stream.indirect.gather [hbm4b:s11+s10], $0x10, s3, s10, $0xb8;
	[tilespmem:$0x6D60] =	vst v63  }
0x73: {  	_ =	swait.ge [sflag:s13], $0x3E80  }
0x74: {  	[sflag:s13] =	ssyncset.done $0x0  }
0x75: {  	[sflag:s13] =	ssyncadd.s32 $0xFFFFC180  }
0x76: {  	[spmem:s2] =	stream.indirect.scatter.add.f32 [tilespmem:s12], [sflag:$0x2], $0x10, s10, s10, $0xb8;
	[tilespmem:$0x6D60] =	vst v63  }
0x77: {  	_ =	swait.ge [sflag:s6], $0x3E80  }
0x78: {  	[sflag:s6] =	ssyncset.done $0x0  }
0x79: {  	[sflag:s6] =	ssyncadd.s32 $0xFFFFC180  }
0x7a: {  	[tilespmem:s3], [sflag:$0x2] =	stream.linear.gather [hbm4b:s14+s3], $0x3E8, $0x38;
	[tilespmem:$0x6D60] =	vst v63  }
0x7b: {  	_ =	swait.ge [sflag:s6], $0x3E8  }
0x7c: {  	[sflag:s6] =	ssyncset.done $0x0  }
0x7d: {  	[sflag:s6] =	ssyncadd.s32 $0xFFFFFC18  }
0x7e: {  	[tilespmem:s10], [sflag:$0x2] =	stream.linear.gather [hbm4b:s15+s3], $0x3E8, $0x38;
	[tilespmem:$0x6D60] =	vst v63  }
0x7f: {  	_ =	swait.ge [sflag:s6], $0x3E8  }
0x80: {  	[sflag:s6] =	ssyncset.done $0x0  }
0x81: {  	[sflag:s6] =	ssyncadd.s32 $0xFFFFFC18  }
0x82: {  	[tilespmem:s12], [sflag:$0x1] =	stream.indirect.gather [hbm4b:s11+s10], $0x10, s3, s10, $0xb8;
	[tilespmem:$0x6D60] =	vst v63  }
0x83: {  	_ =	swait.ge [sflag:s13], $0x3E80  }
0x84: {  	[sflag:s13] =	ssyncset.done $0x0  }
0x85: {  	[sflag:s13] =	ssyncadd.s32 $0xFFFFC180  }
0x86: {  	[spmem:s2] =	stream.indirect.scatter.add.f32 [tilespmem:s12], [sflag:$0x2], $0x10, s10, s10, $0xb8;
	[tilespmem:$0x6D60] =	vst v63  }
0x87: {  	_ =	swait.ge [sflag:s6], $0x3E80  }
0x88: {  	[sflag:s6] =	ssyncset.done $0x0  }
0x89: {  	[sflag:s6] =	ssyncadd.s32 $0xFFFFC180  }
0x8a: {  	[tilespmem:s3], [sflag:$0x2] =	stream.linear.gather [hbm4b:s16+s3], $0x3E8, $0x38;
	[tilespmem:$0x6D60] =	vst v63  }
0x8b: {  	_ =	swait.ge [sflag:s6], $0x3E8  }
0x8c: {  	[sflag:s6] =	ssyncset.done $0x0  }
0x8d: {  	[sflag:s6] =	ssyncadd.s32 $0xFFFFFC18  }
0x8e: {  	[tilespmem:s10], [sflag:$0x2] =	stream.linear.gather [hbm4b:s17+s3], $0x3E8, $0x38;
	[tilespmem:$0x6D60] =	vst v63  }
0x8f: {  	_ =	swait.ge [sflag:s6], $0x3E8  }
0x90: {  	[sflag:s6] =	ssyncset.done $0x0  }
0x91: {  	[sflag:s6] =	ssyncadd.s32 $0xFFFFFC18  }
0x92: {  	[tilespmem:s12], [sflag:$0x1] =	stream.indirect.gather [hbm4b:s11+s10], $0x10, s3, s10, $0xb8;
	[tilespmem:$0x6D60] =	vst v63  }
0x93: {  	_ =	swait.ge [sflag:s13], $0x3E80  }
0x94: {  	[sflag:s13] =	ssyncset.done $0x0  }
0x95: {  	[sflag:s13] =	ssyncadd.s32 $0xFFFFC180  }
0x96: {  	[spmem:s2] =	stream.indirect.scatter.add.f32 [tilespmem:s12], [sflag:$0x2], $0x10, s10, s10, $0xb8;
	[tilespmem:$0x6D60] =	vst v63  }
0x97: {  	_ =	swait.ge [sflag:s6], $0x3E80  }
0x98: {  	[sflag:s6] =	ssyncset.done $0x0  }
0x99: {  	[sflag:s6] =	ssyncadd.s32 $0xFFFFC180  }
0x9a: {  	[tilespmem:s3], [sflag:$0x2] =	stream.linear.gather [hbm4b:s18+s3], $0x3E8, $0x38;
	[tilespmem:$0x6D60] =	vst v63  }
0x9b: {  	_ =	swait.ge [sflag:s6], $0x3E8  }
0x9c: {  	[sflag:s6] =	ssyncset.done $0x0  }
0x9d: {  	[sflag:s6] =	ssyncadd.s32 $0xFFFFFC18  }
0x9e: {  	[tilespmem:s10], [sflag:$0x2] =	stream.linear.gather [hbm4b:s19+s3], $0x3E8, $0x38;
	[tilespmem:$0x6D60] =	vst v63  }
0x9f: {  	_ =	swait.ge [sflag:s6], $0x3E8  }
0xa0: {  	[sflag:s6] =	ssyncset.done $0x0  }
0xa1: {  	[sflag:s6] =	ssyncadd.s32 $0xFFFFFC18  }
0xa2: {  	[tilespmem:s12], [sflag:$0x1] =	stream.indirect.gather [hbm4b:s11+s10], $0x10, s3, s10, $0xb8;
	[tilespmem:$0x6D60] =	vst v63  }
0xa3: {  	_ =	swait.ge [sflag:s13], $0x3E80  }
0xa4: {  	[sflag:s13] =	ssyncset.done $0x0  }
0xa5: {  	[sflag:s13] =	ssyncadd.s32 $0xFFFFC180  }
0xa6: {  	[spmem:s2] =	stream.indirect.scatter.add.f32 [tilespmem:s12], [sflag:$0x2], $0x10, s10, s10, $0xb8;
	[tilespmem:$0x6D60] =	vst v63  }
0xa7: {  	_ =	swait.ge [sflag:s6], $0x3E80  }
0xa8: {  	[sflag:s6] =	ssyncset.done $0x0  }
0xa9: {  	[sflag:s6] =	ssyncadd.s32 $0xFFFFC180  }
0xaa: {  	[tilespmem:s3], [sflag:$0x2] =	stream.linear.gather [hbm4b:s20+s3], $0x3E8, $0x38;
	[tilespmem:$0x6D60] =	vst v63  }
0xab: {  	_ =	swait.ge [sflag:s6], $0x3E8  }
0xac: {  	[sflag:s6] =	ssyncset.done $0x0  }
0xad: {  	[sflag:s6] =	ssyncadd.s32 $0xFFFFFC18  }
0xae: {  	[tilespmem:s10], [sflag:$0x2] =	stream.linear.gather [hbm4b:s21+s3], $0x3E8, $0x38;
	[tilespmem:$0x6D60] =	vst v63  }
0xaf: {  	_ =	swait.ge [sflag:s6], $0x3E8  }
0xb0: {  	[sflag:s6] =	ssyncset.done $0x0  }
0xb1: {  	[sflag:s6] =	ssyncadd.s32 $0xFFFFFC18  }
0xb2: {  	[tilespmem:s12], [sflag:$0x1] =	stream.indirect.gather [hbm4b:s11+s10], $0x10, s3, s10, $0xb8;
	[tilespmem:$0x6D60] =	vst v63  }
0xb3: {  	_ =	swait.ge [sflag:s13], $0x3E80  }
0xb4: {  	[sflag:s13] =	ssyncset.done $0x0  }
0xb5: {  	[sflag:s13] =	ssyncadd.s32 $0xFFFFC180  }
0xb6: {  	[spmem:s2] =	stream.indirect.scatter.add.f32 [tilespmem:s12], [sflag:$0x2], $0x10, s10, s10, $0xb8;
	[tilespmem:$0x6D60] =	vst v63  }
0xb7: {  	_ =	swait.ge [sflag:s6], $0x3E80  }
0xb8: {  	[sflag:s6] =	ssyncset.done $0x0  }
.Ltmp1:
0xb9: {  	[sflag:s6] =	ssyncadd.s32 $0xFFFFC180;
	(pc) =	sbr.rel @p0 .LBB2_1-.Ltmp1, $4  }
0xba: {  	[bflag:$0x0] =	sbarrier.arrive $0xFFFF  }
0xbb: {  	[hbm:s22], [sflag:s5] =	dma.local [spmem:s7], $0x4F0  }
0xbc: {  	_ =	swait.ge [sflag:s6], $0x4F0  }
0xbd: {  	[sflag:s6] =	ssyncset.done $0x0  }
.LBB2_2:
0xbe: {  	[sflag:s6] =	ssyncadd.s32 $0xFFFFFB10  }
0xbf: {  	_ =	sfence.sel $0x180000  }
0xc0: {  	[bflag:$0x0] =	sbarrier.arrive $0xFFFF  }
0xc1: {  	p0 =	sne.s32 s1, $0x0;
	_ =	strace $0x90000050  }
0xc2: {  	s0 =	sadd.s32 @!p0 $0x100000, s0;
	[bflag:$0x2] =	sbarrier.arrive $0xFFFF  }
0xc3: {  	[sflag:s0] =	ssyncadd.tile.s32 @!p0 $0x1;
	_ =	shalt  }
.Lfunc_end2:
_tile_overlayer_lowered:
.L_overlay_start_2:
0xc4: {  	(tag) =	ssettag $0x2  }
0xc5: {  	s0 =	rddreg [dreg:$0x0];
	s2 =	stileid.u32  }
0xc6: {  	s1 =	rddreg [dreg:$0x1];
	p0 =	sne.s32 s2, $0x0  }
0xc7: {  	s3 =	rddreg [dreg:$0x2];
	[bflag:$0x3] =	sbarrier.arrive $0xFFFF;
	s2 =	simm.s32 @!p0 $0x1C02  }
0xc8: {  	[timem:s3], [sflag:s2] =	dma.local @!p0 [hbm:s0], s1  }
0xc9: {  	s0 =	simm.s32 @!p0 $0x2  }
0xca: {  	_ =	swait.ge @!p0 [sflag:s0], s1  }
0xcb: {  	s1 =	ssub.s32 @!p0 $0x0, s1;
	[sflag:s0] =	ssyncset.done @!p0 $0x0  }
0xcc: {  	[sflag:s0] =	ssyncadd.s32 @!p0 s1  }
0xcd: {  	[bflag:$0x3] =	sbarrier.arrive $0xFFFF  }
0xce: {  	_ =	shalt  }

// kernel: sc_edge_pass_f32.4.cloned.1.call-start
scs
__scs_entry_jumppad:
0x0: {  	(pc) =	sbr.rel $0x88, $3  }
0x1: {  	(tag) =	ssettag $0x0;
	lr =	simm.s32 $0x1  }
0x2: {  	[smem:$0x3F9B] =	sst lr;
	_ =	strace $0xD0000000  }
0x3: {  	_ = 	snop  }
0x4: {  	_ = 	snop  }
0x5: {  	_ = 	snop  }
0x6: {  	_ = 	snop  }
0x7: {  	_ = 	snop  }
__scs_overlays_trampoline_lowered:
0x8: {  	[smem:$0x3FAA] =	sst s0  }
0x9: {  	[smem:$0x3FAB] =	sst s1  }
0xa: {  	[smem:$0x3FAC] =	sst s2  }
0xb: {  	[smem:$0x3FAD] =	sst s3  }
0xc: {  	[smem:$0x3FAE] =	sst s4  }
0xd: {  	[smem:$0x3FAF] =	sst s5  }
0xe: {  	[smem:$0x3FB0] =	sst s6  }
0xf: {  	[smem:$0x3FB1] =	sst s7  }
0x10: {  	[smem:$0x3FB2] =	sst s8  }
0x11: {  	[smem:$0x3FB3] =	sst s9;
	s0 =	simm.s32 @!p0 $0x0  }
0x12: {  	s1 =	sld [smem:$0x3F99];
	s0 =	simm.s32 @p0 $0x1  }
0x13: {  	[smem:$0x3FB4] =	sst s0;
	s0 =	simm.s32 @!p1 $0x0  }
0x14: {  	s2 =	sld [smem:$0x3F98];
	s0 =	simm.s32 @p1 $0x1  }
0x15: {  	[smem:$0x3FB5] =	sst s0;
	s0 =	simm.s32 @!p2 $0x0  }
0x16: {  	s3 =	sld [smem:$0x3FDB];
	s0 =	simm.s32 @p2 $0x1  }
0x17: {  	s4 =	simm.s32 $0x1BF5;
	[smem:$0x3FB7] =	sst s0  }
0x18: {  	s0 =	sld [smem:$0x3F9A];
	_ =	swait.ge [sflag:s4], $0x0  }
0x19: {  	s7 =	sld [smem:$0x3F9B]  }
0x1a: {  	s8 =	sadd.s32 $0xFFFFE003, lr  }
0x1b: {  	s9 =	sadd.s32 $0xFFFFFEF7, lr;
	s5 =	simm.s32 $0xFFFFFFFF;
	p2 =	slt.u32 s8, $0xFFFFF086  }
0x1c: {  	p1 =	slt.u32 s9, $0xF7A;
	s5 =	simm.s32 @!p2 $0x0  }
0x1d: {  	s5 =	simm.s32 @p1 $0x1;
	p0 =	seq.s32 s7, s2  }
0x1e: {  	s7 =	smul.u32 @!p0 $0xF7A, s2;
	p2 =	seq.s32 @!p0 s5, $0x0  }
0x1f: {  	s9 =	smul.u32 $0xF7A, s1;
	s8 =	simm.s32 @!p0 $0x1BF5;
	p2 =	por !p2, p0  }
0x20: {  	[sflag:s8] =	ssyncset.s32 @!p0 $0xFFFFF086;
	s6 =	sadd.s32 @!p0 s3, s7;
	s7 =	simm.s32 @!p0 $0x108  }
0x21: {  	s3 =	sadd.s32 s3, s9;
	s6 =	sadd.s32 @!p0 $0x88, s6;
	s7 =	simm.s32 @p2 $0x1082  }
0x22: {  	[simem:s7], [sflag:s8] =	dma.local @!p0 [hbm:s6], $0xF7A  }
0x23: {  	s9 =	sor.u32 $0xD0000000, s2;
	s6 =	simm.s32 $0x108;
	_ =	swait.ge @!p0 [sflag:s8], $0x0  }
0x24: {  	s3 =	sadd.s32 $0x88, s3;
	s6 =	simm.s32 @!p1 $0x1082;
	[sflag:s4] =	ssyncset.s32 $0xFFFFF086  }
0x25: {  	[simem:s6], [sflag:s4] =	dma.local [hbm:s3], $0xF7A  }
0x26: {  	[smem:$0x3F9B] =	sst s1;
	(tag) =	ssettag s2;
	_ =	strace s9  }
0x27: {  	s1 =	sld [smem:$0x3FAB]  }
0x28: {  	s2 =	sld [smem:$0x3FAC]  }
0x29: {  	s4 =	sld [smem:$0x3FAE]  }
0x2a: {  	p0 =	seq.s32 s5, $0x0;
	s5 =	sld [smem:$0x3FAF]  }
0x2b: {  	s6 =	sld [smem:$0x3FB0]  }
0x2c: {  	s7 =	sld [smem:$0x3FB1]  }
0x2d: {  	s3 =	simm.s32 $0x108;
	s8 =	sld [smem:$0x3FB2]  }
0x2e: {  	s3 =	simm.s32 @!p0 $0x1082;
	s9 =	sld [smem:$0x3FB3]  }
0x2f: {  	lr =	sadd.s32 s0, s3;
	s0 =	sld [smem:$0x3FAA]  }
0x30: {  	s3 =	sld [smem:$0x3FAD]  }
0x31: {  	[smem:$0x3FB6] =	sst s10  }
0x32: {  	s10 =	sld [smem:$0x3FB4];
	_ =	sdelay $0x3  }
0x33: {  	p0 =	seq.s32 s10, $0x1;
	s10 =	sld [smem:$0x3FB6];
	_ =	sdelay $0x3  }
0x34: {  	[smem:$0x3FB6] =	sst s10  }
0x35: {  	s10 =	sld [smem:$0x3FB5];
	_ =	sdelay $0x3  }
0x36: {  	p1 =	seq.s32 s10, $0x1;
	s10 =	sld [smem:$0x3FB6];
	_ =	sdelay $0x3  }
0x37: {  	[smem:$0x3FB6] =	sst s10  }
0x38: {  	s10 =	sld [smem:$0x3FB7]  }
0x39: {  	_ = 	snop;
	(pc) =	sbr.ind lr, $3  }
0x3a: {  	_ = 	snop  }
0x3b: {  	_ = 	snop  }
0x3c: {  	p2 =	seq.s32 s10, $0x1;
	s10 =	sld [smem:$0x3FB6]  }
0x3d: {  	_ =	shalt  }
0x3e: {  	_ =	shalt  }
0x3f: {  	_ =	shalt  }
0x40: {  	_ =	shalt  }
0x41: {  	_ =	shalt  }
0x42: {  	_ =	shalt  }
0x43: {  	_ =	shalt  }
0x44: {  	_ =	shalt  }
0x45: {  	_ =	shalt  }
0x46: {  	_ =	shalt  }
0x47: {  	_ =	shalt  }
0x48: {  	_ =	shalt  }
0x49: {  	_ =	shalt  }
0x4a: {  	_ =	shalt  }
0x4b: {  	_ =	shalt  }
0x4c: {  	_ =	shalt  }
0x4d: {  	_ =	shalt  }
0x4e: {  	_ =	shalt  }
0x4f: {  	_ =	shalt  }
0x50: {  	_ =	shalt  }
0x51: {  	_ =	shalt  }
0x52: {  	_ =	shalt  }
0x53: {  	_ =	shalt  }
0x54: {  	_ =	shalt  }
0x55: {  	_ =	shalt  }
0x56: {  	_ =	shalt  }
0x57: {  	_ =	shalt  }
0x58: {  	_ =	shalt  }
0x59: {  	_ =	shalt  }
0x5a: {  	_ =	shalt  }
0x5b: {  	_ =	shalt  }
0x5c: {  	_ =	shalt  }
0x5d: {  	_ =	shalt  }
0x5e: {  	_ =	shalt  }
0x5f: {  	_ =	shalt  }
0x60: {  	_ =	shalt  }
0x61: {  	_ =	shalt  }
0x62: {  	_ =	shalt  }
0x63: {  	_ =	shalt  }
0x64: {  	_ =	shalt  }
0x65: {  	_ =	shalt  }
0x66: {  	_ =	shalt  }
0x67: {  	_ =	shalt  }
0x68: {  	_ =	shalt  }
0x69: {  	_ =	shalt  }
0x6a: {  	_ =	shalt  }
0x6b: {  	_ =	shalt  }
0x6c: {  	_ =	shalt  }
0x6d: {  	_ =	shalt  }
0x6e: {  	_ =	shalt  }
0x6f: {  	_ =	shalt  }
0x70: {  	_ =	shalt  }
0x71: {  	_ =	shalt  }
0x72: {  	_ =	shalt  }
0x73: {  	_ =	shalt  }
0x74: {  	_ =	shalt  }
0x75: {  	_ =	shalt  }
0x76: {  	_ =	shalt  }
0x77: {  	_ =	shalt  }
0x78: {  	_ =	shalt  }
0x79: {  	_ =	shalt  }
0x7a: {  	_ =	shalt  }
0x7b: {  	_ =	shalt  }
0x7c: {  	_ =	shalt  }
0x7d: {  	_ =	shalt  }
0x7e: {  	_ =	shalt  }
0x7f: {  	_ =	shalt  }
0x80: {  	_ =	shalt  }
0x81: {  	_ =	shalt  }
0x82: {  	_ =	shalt  }
0x83: {  	_ =	shalt  }
0x84: {  	_ =	shalt  }
0x85: {  	_ =	shalt  }
0x86: {  	_ =	shalt  }
0x87: {  	_ =	shalt  }
.Lfunc_end0:
.L_simem_size_0:
called_computation.1_lowered:
.L_overlay_start_0:
0x88: {  	s2 =	sld [smem:$0x3FD9]  }
0x89: {  	s3 =	sld [smem:$0x3FFE];
	_ =	sdelay $0x1  }
0x8a: {  	s1 =	srdreg.scid  }
0x8b: {  	s0 =	sand.u32 $0x1, s1  }
0x8c: {  	s17 =	sshll.u32 s0, $0xA;
	s2 =	sadd.s32 s3, s2  }
0x8d: {  	s2 =	sadd.s32 s2, s17  }
0x8e: {  	[smem:$0x3FC2] =	sst s2  }
0x8f: {  	_ = 	snop  }
0x90: {  	s2 =	sld [smem:$0x3FD0];
	(tm) =	ssettm $0x1  }
0x91: {  	s18 =	sld [smem:$0x3FFB];
	_ =	sdelay $0x3  }
0x92: {  	_ =	strace s18  }
0x93: {  	s3 =	sld [smem:$0x3FFC];
	_ =	sdelay $0x3  }
0x94: {  	_ =	strace s3  }
0x95: {  	s3 =	sld [smem:$0x3FFD];
	_ =	sdelay $0x3  }
0x96: {  	_ =	strace s3  }
0x97: {  	_ =	strace $0x8FFFFFFF  }
0x98: {  	s19 =	sld [smem:$0x3FDB];
	_ =	sdelay $0x1  }
0x99: {  	s4 =	simm.s32 $_scs_section_size  }
0x9a: {  	s5 =	simm.s32 $_size__tile_overlayer_lowered;
	s6 =	simm.s32 $_tile_overlayer_lowered  }
0x9b: {  	s22 =	simm.s32 $0x1BFF;
	s21 =	sshll.u32 s6, $0x1;
	s3 =	sadd.s32 s4, s19  }
0x9c: {  	s7 =	simm.s32 $0x0;
	s20 =	sshll.u32 s5, $0x1;
	s5 =	sadd.s32 s21, s3  }
0x9d: {  	[timem:s7], [sflag:s22] =	dma.local [hbm:s5], s20  }
0x9e: {  	_ =	swait.ge [sflag:s22], s20  }
0x9f: {  	s4 =	ssub.s32 $0x0, s20;
	[sflag:s22] =	ssyncset.done $0x0  }
0xa0: {  	[sflag:s22] =	ssyncadd.s32 s4;
	_ =	sdelay $0x1  }
0xa1: {  	s23 =	simm.s32 $0x1B8B  }
0xa2: {  	_ =	swait.ge [sflag:s23], $0x1  }
0xa3: {  	[sflag:s23] =	ssyncset.done $0x0  }
0xa4: {  	s25 =	simm.s32 $0x1B8E;
	s24 =	sld [smem:$0x3FFE];
	[sflag:s23] =	ssyncadd.s32 $0xFFFFFFFF  }
0xa5: {  	s26 =	simm.s32 $execute0_lowered;
	[smem:$0x3FD2] =	sst s25  }
0xa6: {  	s5 =	sshll.u32 s26, $0x1;
	_ =	strace $0x80000049;
	[dreg:$0x1] =	wrdreg $0xFFFFFFFF  }
0xa7: {  	s28 =	simm.s32 $_size_execute0_lowered;
	s3 =	sadd.s32 s3, s5;
	[dreg:$0x0] =	wrdreg $0x0  }
0xa8: {  	s5 =	sshll.u32 s28, $0x1;
	[dreg:$0x2] =	wrdreg s3  }
0xa9: {  	[dreg:$0x3] =	wrdreg s5  }
0xaa: {  	[dreg:$0x4] =	wrdreg $0xC0  }
0xab: {  	_ =	task [dreg:s7], $0x5FFFF  }
0xac: {  	[dreg:$0x1] =	wrdreg $0xFFFFFFFF  }
0xad: {  	[dreg:$0x0] =	wrdreg $0x60  }
0xae: {  	[dreg:$0x2] =	wrdreg s24  }
0xaf: {  	[dreg:$0x3] =	wrdreg s2  }
0xb0: {  	[dreg:$0x4] =	wrdreg $0x84D00  }
0xb1: {  	[dreg:$0x5] =	wrdreg $0x9  }
0xb2: {  	_ =	task.clear_ibuf [dreg:s7], $0x6FFFF;
	_ =	strace $0x90000049  }
0xb3: {  	s29 =	simm.s32 $0x9;
	_ =	strace $0x8000004B  }
0xb4: {  	_ =	swait.ge [sflag:s29], $0x1  }
0xb5: {  	[sflag:s29] =	ssyncadd.s32 $0xFFFFFFFF  }
0xb6: {  	_ =	strace $0x9000004B  }
0xb7: {  	_ =	sfence  }
0xb8: {  	s30 =	sld [smem:$0x0];
	_ =	sdelay $0x2  }
0xb9: {  	s31 =	sshll.u32 s1, $0xD;
	s1 =	sshrl.u32 s1, $0x2  }
0xba: {  	s3 =	sand.u32 $0x4000, s31;
	s1 =	sadd.s32 s1, s30  }
0xbb: {  	s0 =	sor.u32 s3, s0;
	s1 =	sshll.u32 s1, $0x11  }
0xbc: {  	s0 =	sor.u32 s1, s0  }
0xbd: {  	s0 =	sadd.s32 $0x8F2B, s0  }
0xbe: {  	[sflag:s0] =	ssyncadd.remote.s32 $0x1  }
0xbf: {  	_ =	sfence.sel $0xFFFF  }
0xc0: {  	[dreg:$0x0] =	wrdreg $0xFFFFFFFF;
	(pc) =	sbr.abs _section_cstart, $3  }
0xc1: {  	[dreg:$0x1] =	wrdreg $0xFFFFFFFF  }
0xc2: {  	_ =	task.clear_ibuf [dreg:s7], $0x2FFFF;
	_ =	strace $0x9FFFFFFF  }
0xc3: {  	(tm) =	ssettm $0x7FFFFFFF  }
tec
execute0_lowered:
.L_overlay_start_1:
0x0: {  	(tag) =	ssettag $0x1  }
0x1: {  	s11 =	rddreg [dreg:$0x0]  }
0x2: {  	s22 =	rddreg [dreg:$0x1]  }
0x3: {  	s2 =	rddreg [dreg:$0x2]  }
0x4: {  	s1 =	stileid.u32;
	s0 =	rddreg [dreg:$0x3]  }
0x5: {  	s3 =	simm.s32 $0x0;
	s5 =	srdreg.scid;
	s4 =	smul.u32 $0x278, s1  }
0x6: {  	[smem:$0x7FF] =	sst s3;
	s24 =	sand.u32 $0x1, s5;
	s28 =	sshll.u32 s1, $0x6  }
0x7: {  	_ =	strace $0x8000004A;
	s5 =	sshll.u32 s24, $0x4;
	s4 =	smin.u32 s4, $0x2498  }
0x8: {  	s8 =	sor.u32 s1, s5;
	s6 =	sshll.u32 s4, $0x2;
	s23 =	sshll.u32 s4, $0x5  }
0x9: {  	s5 =	sor.u32 $0x1C02, s28;
	s25 =	sadd.s32 s6, s11;
	s26 =	sadd.s32 s23, s2  }
0xa: {  	s6 =	simm.s32 $0x2;
	s4 =	sadd.s32 $0x14E00, s25;
	s7 =	sshrl.u32 s26, $0x3  }
0xb: {  	[spmem:s7], [sflag:s5] =	dma.local [hbm:s4], $0x9E0  }
0xc: {  	s18 =	smul.u32 $0x1388, s8;
	_ =	swait.ge [sflag:s6], $0x9E0  }
0xd: {  	[sflag:s6] =	ssyncset.done $0x0  }
0xe: {  	s20 =	sadd.s32 $0x1000, s11;
	s25 =	sshrl.u32 s18, $0x3;
	[sflag:s6] =	ssyncadd.s32 $0xFFFFF620  }
0xf: {  	s8 =	sadd.s32 s20, s25;
	[bflag:$0x0] =	sbarrier.arrive $0xFFFF  }
0x10: {  	[tilespmem:s3], [sflag:$0x2] =	stream.linear.gather [hbm4b:s8+s3], $0x3E8, $0x38;
	[tilespmem:$0xD2F0] =	vst v63  }
0x11: {  	_ =	swait.ge [sflag:s6], $0x3E8  }
0x12: {  	s21 =	sadd.s32 $0x6000, s11;
	[sflag:s6] =	ssyncset.done $0x0  }
0x13: {  	s10 =	simm.s32 $0x3E8;
	s9 =	sadd.s32 s21, s25;
	[sflag:s6] =	ssyncadd.s32 $0xFFFFFC18  }
0x14: {  	[tilespmem:s10], [sflag:$0x2] =	stream.linear.gather [hbm4b:s9+s3], $0x3E8, $0x38;
	[tilespmem:$0xD2F0] =	vst v63  }
0x15: {  	_ =	swait.ge [sflag:s6], $0x3E8  }
0x16: {  	s12 =	simm.s32 $0x7D0;
	[sflag:s6] =	ssyncset.done $0x0  }
0x17: {  	s13 =	simm.s32 $0x1;
	s11 =	sadd.s32 $0xB000, s11;
	[sflag:s6] =	ssyncadd.s32 $0xFFFFFC18  }
0x18: {  	[tilespmem:s12], [sflag:$0x1] =	stream.indirect.gather [hbm4b:s11+s10], $0x20, s3, s10, $0xb8;
	[tilespmem:$0xD2F0] =	vst v63  }
0x19: {  	_ =	swait.ge [sflag:s13], $0x7D00  }
0x1a: {  	[sflag:s13] =	ssyncset.done $0x0  }
0x1b: {  	[sflag:s13] =	ssyncadd.s32 $0xFFFF8300  }
0x1c: {  	[spmem:s2] =	stream.indirect.scatter.add.f32 [tilespmem:s12], [sflag:$0x2], $0x20, s10, s10, $0xb8;
	[tilespmem:$0xD2F0] =	vst v63  }
0x1d: {  	s14 =	sadd.s32 $0x3E8, s18;
	_ =	swait.ge [sflag:s6], $0x7D00  }
0x1e: {  	s15 =	sshrl.u32 s14, $0x3;
	[sflag:s6] =	ssyncset.done $0x0  }
0x1f: {  	s14 =	sadd.s32 s20, s15;
	[sflag:s6] =	ssyncadd.s32 $0xFFFF8300  }
0x20: {  	[tilespmem:s3], [sflag:$0x2] =	stream.linear.gather [hbm4b:s14+s3], $0x3E8, $0x38;
	[tilespmem:$0xD2F0] =	vst v63  }
0x21: {  	_ =	swait.ge [sflag:s6], $0x3E8  }
0x22: {  	[sflag:s6] =	ssyncset.done $0x0  }
0x23: {  	s15 =	sadd.s32 s21, s15;
	[sflag:s6] =	ssyncadd.s32 $0xFFFFFC18  }
0x24: {  	[tilespmem:s10], [sflag:$0x2] =	stream.linear.gather [hbm4b:s15+s3], $0x3E8, $0x38;
	[tilespmem:$0xD2F0] =	vst v63  }
0x25: {  	_ =	swait.ge [sflag:s6], $0x3E8  }
0x26: {  	[sflag:s6] =	ssyncset.done $0x0  }
0x27: {  	[sflag:s6] =	ssyncadd.s32 $0xFFFFFC18  }
0x28: {  	[tilespmem:s12], [sflag:$0x1] =	stream.indirect.gather [hbm4b:s11+s10], $0x20, s3, s10, $0xb8;
	[tilespmem:$0xD2F0] =	vst v63  }
0x29: {  	_ =	swait.ge [sflag:s13], $0x7D00  }
0x2a: {  	[sflag:s13] =	ssyncset.done $0x0  }
0x2b: {  	[sflag:s13] =	ssyncadd.s32 $0xFFFF8300  }
0x2c: {  	[spmem:s2] =	stream.indirect.scatter.add.f32 [tilespmem:s12], [sflag:$0x2], $0x20, s10, s10, $0xb8;
	[tilespmem:$0xD2F0] =	vst v63  }
0x2d: {  	_ =	swait.ge [sflag:s6], $0x7D00  }
0x2e: {  	s17 =	sadd.s32 $0xFA, s25;
	[sflag:s6] =	ssyncset.done $0x0  }
0x2f: {  	s16 =	sadd.s32 s20, s17;
	[sflag:s6] =	ssyncadd.s32 $0xFFFF8300  }
0x30: {  	[tilespmem:s3], [sflag:$0x2] =	stream.linear.gather [hbm4b:s16+s3], $0x3E8, $0x38;
	[tilespmem:$0xD2F0] =	vst v63  }
0x31: {  	_ =	swait.ge [sflag:s6], $0x3E8  }
0x32: {  	[sflag:s6] =	ssyncset.done $0x0  }
0x33: {  	s17 =	sadd.s32 s21, s17;
	[sflag:s6] =	ssyncadd.s32 $0xFFFFFC18  }
0x34: {  	[tilespmem:s10], [sflag:$0x2] =	stream.linear.gather [hbm4b:s17+s3], $0x3E8, $0x38;
	[tilespmem:$0xD2F0] =	vst v63  }
0x35: {  	_ =	swait.ge [sflag:s6], $0x3E8  }
0x36: {  	[sflag:s6] =	ssyncset.done $0x0  }
0x37: {  	[sflag:s6] =	ssyncadd.s32 $0xFFFFFC18  }
0x38: {  	[tilespmem:s12], [sflag:$0x1] =	stream.indirect.gather [hbm4b:s11+s10], $0x20, s3, s10, $0xb8;
	[tilespmem:$0xD2F0] =	vst v63  }
0x39: {  	_ =	swait.ge [sflag:s13], $0x7D00  }
0x3a: {  	[sflag:s13] =	ssyncset.done $0x0  }
0x3b: {  	[sflag:s13] =	ssyncadd.s32 $0xFFFF8300  }
0x3c: {  	[spmem:s2] =	stream.indirect.scatter.add.f32 [tilespmem:s12], [sflag:$0x2], $0x20, s10, s10, $0xb8;
	[tilespmem:$0xD2F0] =	vst v63  }
0x3d: {  	s18 =	sadd.s32 $0xBB8, s18;
	_ =	swait.ge [sflag:s6], $0x7D00  }
0x3e: {  	s19 =	sshrl.u32 s18, $0x3;
	[sflag:s6] =	ssyncset.done $0x0  }
0x3f: {  	s18 =	sadd.s32 s20, s19;
	[sflag:s6] =	ssyncadd.s32 $0xFFFF8300  }
0x40: {  	[tilespmem:s3], [sflag:$0x2] =	stream.linear.gather [hbm4b:s18+s3], $0x3E8, $0x38;
	[tilespmem:$0xD2F0] =	vst v63  }
0x41: {  	_ =	swait.ge [sflag:s6], $0x3E8  }
0x42: {  	[sflag:s6] =	ssyncset.done $0x0  }
0x43: {  	s19 =	sadd.s32 s21, s19;
	[sflag:s6] =	ssyncadd.s32 $0xFFFFFC18  }
0x44: {  	[tilespmem:s10], [sflag:$0x2] =	stream.linear.gather [hbm4b:s19+s3], $0x3E8, $0x38;
	[tilespmem:$0xD2F0] =	vst v63  }
0x45: {  	_ =	swait.ge [sflag:s6], $0x3E8  }
0x46: {  	[sflag:s6] =	ssyncset.done $0x0  }
0x47: {  	[sflag:s6] =	ssyncadd.s32 $0xFFFFFC18  }
0x48: {  	[tilespmem:s12], [sflag:$0x1] =	stream.indirect.gather [hbm4b:s11+s10], $0x20, s3, s10, $0xb8;
	[tilespmem:$0xD2F0] =	vst v63  }
0x49: {  	_ =	swait.ge [sflag:s13], $0x7D00  }
0x4a: {  	[sflag:s13] =	ssyncset.done $0x0  }
0x4b: {  	[sflag:s13] =	ssyncadd.s32 $0xFFFF8300  }
0x4c: {  	[spmem:s2] =	stream.indirect.scatter.add.f32 [tilespmem:s12], [sflag:$0x2], $0x20, s10, s10, $0xb8;
	[tilespmem:$0xD2F0] =	vst v63  }
0x4d: {  	_ =	swait.ge [sflag:s6], $0x7D00  }
0x4e: {  	s25 =	sadd.s32 $0x1F4, s25;
	[sflag:s6] =	ssyncset.done $0x0  }
0x4f: {  	s20 =	sadd.s32 s20, s25;
	[sflag:s6] =	ssyncadd.s32 $0xFFFF8300  }
0x50: {  	[tilespmem:s3], [sflag:$0x2] =	stream.linear.gather [hbm4b:s20+s3], $0x3E8, $0x38;
	[tilespmem:$0xD2F0] =	vst v63  }
0x51: {  	_ =	swait.ge [sflag:s6], $0x3E8  }
0x52: {  	[sflag:s6] =	ssyncset.done $0x0  }
0x53: {  	s21 =	sadd.s32 s21, s25;
	[sflag:s6] =	ssyncadd.s32 $0xFFFFFC18  }
0x54: {  	[tilespmem:s10], [sflag:$0x2] =	stream.linear.gather [hbm4b:s21+s3], $0x3E8, $0x38;
	[tilespmem:$0xD2F0] =	vst v63  }
0x55: {  	_ =	swait.ge [sflag:s6], $0x3E8  }
0x56: {  	[sflag:s6] =	ssyncset.done $0x0  }
0x57: {  	[sflag:s6] =	ssyncadd.s32 $0xFFFFFC18  }
0x58: {  	[tilespmem:s12], [sflag:$0x1] =	stream.indirect.gather [hbm4b:s11+s10], $0x20, s3, s10, $0xb8;
	[tilespmem:$0xD2F0] =	vst v63  }
0x59: {  	s29 =	smul.u32 $0x4E200, s24;
	s24 =	ssub.s32 $0x2, s24;
	_ =	swait.ge [sflag:s13], $0x7D00  }
0x5a: {  	s30 =	sshrl.u32 s24, $0x1;
	[sflag:s13] =	ssyncset.done $0x0  }
0x5b: {  	s24 =	ssub.s32 s24, s30;
	[sflag:s13] =	ssyncadd.s32 $0xFFFF8300  }
0x5c: {  	[spmem:s2] =	stream.indirect.scatter.add.f32 [tilespmem:s12], [sflag:$0x2], $0x20, s10, s10, $0xb8;
	[tilespmem:$0xD2F0] =	vst v63  }
0x5d: {  	s31 =	smax.u32 s24, $0x1;
	_ =	swait.ge [sflag:s6], $0x7D00  }
0x5e: {  	s23 =	sadd.s32 s29, s23;
	p0 =	sne.s32 s31, $0x1;
	[sflag:s6] =	ssyncset.done $0x0  }
.Ltmp0:
0x5f: {  	s23 =	sshrl.u32 s23, $0x3;
	[sflag:s6] =	ssyncadd.s32 $0xFFFF8300;
	(pc) =	sbr.rel @!p0 .LBB2_2-.Ltmp0, $4  }
0x60: {  	s22 =	sadd.s32 s22, s23;
	[bflag:$0x0] =	sbarrier.arrive $0xFFFF  }
0x61: {  	[hbm:s22], [sflag:s5] =	dma.local [spmem:s7], $0x9E0  }
0x62: {  	_ =	swait.ge [sflag:s6], $0x9E0  }
0x63: {  	s23 =	sadd.s32 $0xFFFFFFFF, s31;
	[sflag:s6] =	ssyncset.done $0x0  }
.LBB2_1:
0x64: {  	p0 =	sne.s32 s23, $0x1;
	s23 =	sadd.s32 $0xFFFFFFFF, s23;
	[sflag:s6] =	ssyncadd.s32 $0xFFFFF620  }
0x65: {  	[spmem:s7], [sflag:s5] =	dma.local [hbm:s4], $0x9E0  }
0x66: {  	_ =	swait.ge [sflag:s6], $0x9E0  }
0x67: {  	[sflag:s6] =	ssyncset.done $0x0  }
0x68: {  	[sflag:s6] =	ssyncadd.s32 $0xFFFFF620  }
0x69: {  	[bflag:$0x0] =	sbarrier.arrive $0xFFFF  }
0x6a: {  	[tilespmem:s3], [sflag:$0x2] =	stream.linear.gather [hbm4b:s8+s3], $0x3E8, $0x38;
	[tilespmem:$0xD2F0] =	vst v63  }
0x6b: {  	_ =	swait.ge [sflag:s6], $0x3E8  }
0x6c: {  	[sflag:s6] =	ssyncset.done $0x0  }
0x6d: {  	[sflag:s6] =	ssyncadd.s32 $0xFFFFFC18  }
0x6e: {  	[tilespmem:s10], [sflag:$0x2] =	stream.linear.gather [hbm4b:s9+s3], $0x3E8, $0x38;
	[tilespmem:$0xD2F0] =	vst v63  }
0x6f: {  	_ =	swait.ge [sflag:s6], $0x3E8  }
0x70: {  	[sflag:s6] =	ssyncset.done $0x0  }
0x71: {  	[sflag:s6] =	ssyncadd.s32 $0xFFFFFC18  }
0x72: {  	[tilespmem:s12], [sflag:$0x1] =	stream.indirect.gather [hbm4b:s11+s10], $0x20, s3, s10, $0xb8;
	[tilespmem:$0xD2F0] =	vst v63  }
0x73: {  	_ =	swait.ge [sflag:s13], $0x7D00  }
0x74: {  	[sflag:s13] =	ssyncset.done $0x0  }
0x75: {  	[sflag:s13] =	ssyncadd.s32 $0xFFFF8300  }
0x76: {  	[spmem:s2] =	stream.indirect.scatter.add.f32 [tilespmem:s12], [sflag:$0x2], $0x20, s10, s10, $0xb8;
	[tilespmem:$0xD2F0] =	vst v63  }
0x77: {  	_ =	swait.ge [sflag:s6], $0x7D00  }
0x78: {  	[sflag:s6] =	ssyncset.done $0x0  }
0x79: {  	[sflag:s6] =	ssyncadd.s32 $0xFFFF8300  }
0x7a: {  	[tilespmem:s3], [sflag:$0x2] =	stream.linear.gather [hbm4b:s14+s3], $0x3E8, $0x38;
	[tilespmem:$0xD2F0] =	vst v63  }
0x7b: {  	_ =	swait.ge [sflag:s6], $0x3E8  }
0x7c: {  	[sflag:s6] =	ssyncset.done $0x0  }
0x7d: {  	[sflag:s6] =	ssyncadd.s32 $0xFFFFFC18  }
0x7e: {  	[tilespmem:s10], [sflag:$0x2] =	stream.linear.gather [hbm4b:s15+s3], $0x3E8, $0x38;
	[tilespmem:$0xD2F0] =	vst v63  }
0x7f: {  	_ =	swait.ge [sflag:s6], $0x3E8  }
0x80: {  	[sflag:s6] =	ssyncset.done $0x0  }
0x81: {  	[sflag:s6] =	ssyncadd.s32 $0xFFFFFC18  }
0x82: {  	[tilespmem:s12], [sflag:$0x1] =	stream.indirect.gather [hbm4b:s11+s10], $0x20, s3, s10, $0xb8;
	[tilespmem:$0xD2F0] =	vst v63  }
0x83: {  	_ =	swait.ge [sflag:s13], $0x7D00  }
0x84: {  	[sflag:s13] =	ssyncset.done $0x0  }
0x85: {  	[sflag:s13] =	ssyncadd.s32 $0xFFFF8300  }
0x86: {  	[spmem:s2] =	stream.indirect.scatter.add.f32 [tilespmem:s12], [sflag:$0x2], $0x20, s10, s10, $0xb8;
	[tilespmem:$0xD2F0] =	vst v63  }
0x87: {  	_ =	swait.ge [sflag:s6], $0x7D00  }
0x88: {  	[sflag:s6] =	ssyncset.done $0x0  }
0x89: {  	[sflag:s6] =	ssyncadd.s32 $0xFFFF8300  }
0x8a: {  	[tilespmem:s3], [sflag:$0x2] =	stream.linear.gather [hbm4b:s16+s3], $0x3E8, $0x38;
	[tilespmem:$0xD2F0] =	vst v63  }
0x8b: {  	_ =	swait.ge [sflag:s6], $0x3E8  }
0x8c: {  	[sflag:s6] =	ssyncset.done $0x0  }
0x8d: {  	[sflag:s6] =	ssyncadd.s32 $0xFFFFFC18  }
0x8e: {  	[tilespmem:s10], [sflag:$0x2] =	stream.linear.gather [hbm4b:s17+s3], $0x3E8, $0x38;
	[tilespmem:$0xD2F0] =	vst v63  }
0x8f: {  	_ =	swait.ge [sflag:s6], $0x3E8  }
0x90: {  	[sflag:s6] =	ssyncset.done $0x0  }
0x91: {  	[sflag:s6] =	ssyncadd.s32 $0xFFFFFC18  }
0x92: {  	[tilespmem:s12], [sflag:$0x1] =	stream.indirect.gather [hbm4b:s11+s10], $0x20, s3, s10, $0xb8;
	[tilespmem:$0xD2F0] =	vst v63  }
0x93: {  	_ =	swait.ge [sflag:s13], $0x7D00  }
0x94: {  	[sflag:s13] =	ssyncset.done $0x0  }
0x95: {  	[sflag:s13] =	ssyncadd.s32 $0xFFFF8300  }
0x96: {  	[spmem:s2] =	stream.indirect.scatter.add.f32 [tilespmem:s12], [sflag:$0x2], $0x20, s10, s10, $0xb8;
	[tilespmem:$0xD2F0] =	vst v63  }
0x97: {  	_ =	swait.ge [sflag:s6], $0x7D00  }
0x98: {  	[sflag:s6] =	ssyncset.done $0x0  }
0x99: {  	[sflag:s6] =	ssyncadd.s32 $0xFFFF8300  }
0x9a: {  	[tilespmem:s3], [sflag:$0x2] =	stream.linear.gather [hbm4b:s18+s3], $0x3E8, $0x38;
	[tilespmem:$0xD2F0] =	vst v63  }
0x9b: {  	_ =	swait.ge [sflag:s6], $0x3E8  }
0x9c: {  	[sflag:s6] =	ssyncset.done $0x0  }
0x9d: {  	[sflag:s6] =	ssyncadd.s32 $0xFFFFFC18  }
0x9e: {  	[tilespmem:s10], [sflag:$0x2] =	stream.linear.gather [hbm4b:s19+s3], $0x3E8, $0x38;
	[tilespmem:$0xD2F0] =	vst v63  }
0x9f: {  	_ =	swait.ge [sflag:s6], $0x3E8  }
0xa0: {  	[sflag:s6] =	ssyncset.done $0x0  }
0xa1: {  	[sflag:s6] =	ssyncadd.s32 $0xFFFFFC18  }
0xa2: {  	[tilespmem:s12], [sflag:$0x1] =	stream.indirect.gather [hbm4b:s11+s10], $0x20, s3, s10, $0xb8;
	[tilespmem:$0xD2F0] =	vst v63  }
0xa3: {  	_ =	swait.ge [sflag:s13], $0x7D00  }
0xa4: {  	[sflag:s13] =	ssyncset.done $0x0  }
0xa5: {  	[sflag:s13] =	ssyncadd.s32 $0xFFFF8300  }
0xa6: {  	[spmem:s2] =	stream.indirect.scatter.add.f32 [tilespmem:s12], [sflag:$0x2], $0x20, s10, s10, $0xb8;
	[tilespmem:$0xD2F0] =	vst v63  }
0xa7: {  	_ =	swait.ge [sflag:s6], $0x7D00  }
0xa8: {  	[sflag:s6] =	ssyncset.done $0x0  }
0xa9: {  	[sflag:s6] =	ssyncadd.s32 $0xFFFF8300  }
0xaa: {  	[tilespmem:s3], [sflag:$0x2] =	stream.linear.gather [hbm4b:s20+s3], $0x3E8, $0x38;
	[tilespmem:$0xD2F0] =	vst v63  }
0xab: {  	_ =	swait.ge [sflag:s6], $0x3E8  }
0xac: {  	[sflag:s6] =	ssyncset.done $0x0  }
0xad: {  	[sflag:s6] =	ssyncadd.s32 $0xFFFFFC18  }
0xae: {  	[tilespmem:s10], [sflag:$0x2] =	stream.linear.gather [hbm4b:s21+s3], $0x3E8, $0x38;
	[tilespmem:$0xD2F0] =	vst v63  }
0xaf: {  	_ =	swait.ge [sflag:s6], $0x3E8  }
0xb0: {  	[sflag:s6] =	ssyncset.done $0x0  }
0xb1: {  	[sflag:s6] =	ssyncadd.s32 $0xFFFFFC18  }
0xb2: {  	[tilespmem:s12], [sflag:$0x1] =	stream.indirect.gather [hbm4b:s11+s10], $0x20, s3, s10, $0xb8;
	[tilespmem:$0xD2F0] =	vst v63  }
0xb3: {  	_ =	swait.ge [sflag:s13], $0x7D00  }
0xb4: {  	[sflag:s13] =	ssyncset.done $0x0  }
0xb5: {  	[sflag:s13] =	ssyncadd.s32 $0xFFFF8300  }
0xb6: {  	[spmem:s2] =	stream.indirect.scatter.add.f32 [tilespmem:s12], [sflag:$0x2], $0x20, s10, s10, $0xb8;
	[tilespmem:$0xD2F0] =	vst v63  }
0xb7: {  	_ =	swait.ge [sflag:s6], $0x7D00  }
0xb8: {  	[sflag:s6] =	ssyncset.done $0x0  }
.Ltmp1:
0xb9: {  	[sflag:s6] =	ssyncadd.s32 $0xFFFF8300;
	(pc) =	sbr.rel @p0 .LBB2_1-.Ltmp1, $4  }
0xba: {  	[bflag:$0x0] =	sbarrier.arrive $0xFFFF  }
0xbb: {  	[hbm:s22], [sflag:s5] =	dma.local [spmem:s7], $0x9E0  }
0xbc: {  	_ =	swait.ge [sflag:s6], $0x9E0  }
0xbd: {  	[sflag:s6] =	ssyncset.done $0x0  }
.LBB2_2:
0xbe: {  	[sflag:s6] =	ssyncadd.s32 $0xFFFFF620  }
0xbf: {  	_ =	sfence.sel $0x180000  }
0xc0: {  	[bflag:$0x0] =	sbarrier.arrive $0xFFFF  }
0xc1: {  	p0 =	sne.s32 s1, $0x0;
	_ =	strace $0x9000004A  }
0xc2: {  	s0 =	sadd.s32 @!p0 $0x100000, s0;
	[bflag:$0x2] =	sbarrier.arrive $0xFFFF  }
0xc3: {  	[sflag:s0] =	ssyncadd.tile.s32 @!p0 $0x1;
	_ =	shalt  }
.Lfunc_end2:
_tile_overlayer_lowered:
.L_overlay_start_2:
0xc4: {  	(tag) =	ssettag $0x2  }
0xc5: {  	s0 =	rddreg [dreg:$0x0];
	s2 =	stileid.u32  }
0xc6: {  	s1 =	rddreg [dreg:$0x1];
	p0 =	sne.s32 s2, $0x0  }
0xc7: {  	s3 =	rddreg [dreg:$0x2];
	[bflag:$0x3] =	sbarrier.arrive $0xFFFF;
	s2 =	simm.s32 @!p0 $0x1C02  }
0xc8: {  	[timem:s3], [sflag:s2] =	dma.local @!p0 [hbm:s0], s1  }
0xc9: {  	s0 =	simm.s32 @!p0 $0x2  }
0xca: {  	_ =	swait.ge @!p0 [sflag:s0], s1  }
0xcb: {  	s1 =	ssub.s32 @!p0 $0x0, s1;
	[sflag:s0] =	ssyncset.done @!p0 $0x0  }
0xcc: {  	[sflag:s0] =	ssyncadd.s32 @!p0 s1  }
0xcd: {  	[bflag:$0x3] =	sbarrier.arrive $0xFFFF  }
0xce: {  	_ =	shalt  }

// kernel: sc_edge_pass_f32.7.cloned.1.call-start
scs
__scs_entry_jumppad:
0x0: {  	(pc) =	sbr.rel $0x88, $3  }
0x1: {  	(tag) =	ssettag $0x0;
	lr =	simm.s32 $0x1  }
0x2: {  	[smem:$0x3F9B] =	sst lr;
	_ =	strace $0xD0000000  }
0x3: {  	_ = 	snop  }
0x4: {  	_ = 	snop  }
0x5: {  	_ = 	snop  }
0x6: {  	_ = 	snop  }
0x7: {  	_ = 	snop  }
__scs_overlays_trampoline_lowered:
0x8: {  	[smem:$0x3FAA] =	sst s0  }
0x9: {  	[smem:$0x3FAB] =	sst s1  }
0xa: {  	[smem:$0x3FAC] =	sst s2  }
0xb: {  	[smem:$0x3FAD] =	sst s3  }
0xc: {  	[smem:$0x3FAE] =	sst s4  }
0xd: {  	[smem:$0x3FAF] =	sst s5  }
0xe: {  	[smem:$0x3FB0] =	sst s6  }
0xf: {  	[smem:$0x3FB1] =	sst s7  }
0x10: {  	[smem:$0x3FB2] =	sst s8  }
0x11: {  	[smem:$0x3FB3] =	sst s9;
	s0 =	simm.s32 @!p0 $0x0  }
0x12: {  	s1 =	sld [smem:$0x3F99];
	s0 =	simm.s32 @p0 $0x1  }
0x13: {  	[smem:$0x3FB4] =	sst s0;
	s0 =	simm.s32 @!p1 $0x0  }
0x14: {  	s2 =	sld [smem:$0x3F98];
	s0 =	simm.s32 @p1 $0x1  }
0x15: {  	[smem:$0x3FB5] =	sst s0;
	s0 =	simm.s32 @!p2 $0x0  }
0x16: {  	s3 =	sld [smem:$0x3FDB];
	s0 =	simm.s32 @p2 $0x1  }
0x17: {  	s4 =	simm.s32 $0x1BF5;
	[smem:$0x3FB7] =	sst s0  }
0x18: {  	s0 =	sld [smem:$0x3F9A];
	_ =	swait.ge [sflag:s4], $0x0  }
0x19: {  	s7 =	sld [smem:$0x3F9B]  }
0x1a: {  	s8 =	sadd.s32 $0xFFFFE003, lr  }
0x1b: {  	s9 =	sadd.s32 $0xFFFFFEF7, lr;
	s5 =	simm.s32 $0xFFFFFFFF;
	p2 =	slt.u32 s8, $0xFFFFF086  }
0x1c: {  	p1 =	slt.u32 s9, $0xF7A;
	s5 =	simm.s32 @!p2 $0x0  }
0x1d: {  	s5 =	simm.s32 @p1 $0x1;
	p0 =	seq.s32 s7, s2  }
0x1e: {  	s7 =	smul.u32 @!p0 $0xF7A, s2;
	p2 =	seq.s32 @!p0 s5, $0x0  }
0x1f: {  	s9 =	smul.u32 $0xF7A, s1;
	s8 =	simm.s32 @!p0 $0x1BF5;
	p2 =	por !p2, p0  }
0x20: {  	[sflag:s8] =	ssyncset.s32 @!p0 $0xFFFFF086;
	s6 =	sadd.s32 @!p0 s3, s7;
	s7 =	simm.s32 @!p0 $0x108  }
0x21: {  	s3 =	sadd.s32 s3, s9;
	s6 =	sadd.s32 @!p0 $0x88, s6;
	s7 =	simm.s32 @p2 $0x1082  }
0x22: {  	[simem:s7], [sflag:s8] =	dma.local @!p0 [hbm:s6], $0xF7A  }
0x23: {  	s9 =	sor.u32 $0xD0000000, s2;
	s6 =	simm.s32 $0x108;
	_ =	swait.ge @!p0 [sflag:s8], $0x0  }
0x24: {  	s3 =	sadd.s32 $0x88, s3;
	s6 =	simm.s32 @!p1 $0x1082;
	[sflag:s4] =	ssyncset.s32 $0xFFFFF086  }
0x25: {  	[simem:s6], [sflag:s4] =	dma.local [hbm:s3], $0xF7A  }
0x26: {  	[smem:$0x3F9B] =	sst s1;
	(tag) =	ssettag s2;
	_ =	strace s9  }
0x27: {  	s1 =	sld [smem:$0x3FAB]  }
0x28: {  	s2 =	sld [smem:$0x3FAC]  }
0x29: {  	s4 =	sld [smem:$0x3FAE]  }
0x2a: {  	p0 =	seq.s32 s5, $0x0;
	s5 =	sld [smem:$0x3FAF]  }
0x2b: {  	s6 =	sld [smem:$0x3FB0]  }
0x2c: {  	s7 =	sld [smem:$0x3FB1]  }
0x2d: {  	s3 =	simm.s32 $0x108;
	s8 =	sld [smem:$0x3FB2]  }
0x2e: {  	s3 =	simm.s32 @!p0 $0x1082;
	s9 =	sld [smem:$0x3FB3]  }
0x2f: {  	lr =	sadd.s32 s0, s3;
	s0 =	sld [smem:$0x3FAA]  }
0x30: {  	s3 =	sld [smem:$0x3FAD]  }
0x31: {  	[smem:$0x3FB6] =	sst s10  }
0x32: {  	s10 =	sld [smem:$0x3FB4];
	_ =	sdelay $0x3  }
0x33: {  	p0 =	seq.s32 s10, $0x1;
	s10 =	sld [smem:$0x3FB6];
	_ =	sdelay $0x3  }
0x34: {  	[smem:$0x3FB6] =	sst s10  }
0x35: {  	s10 =	sld [smem:$0x3FB5];
	_ =	sdelay $0x3  }
0x36: {  	p1 =	seq.s32 s10, $0x1;
	s10 =	sld [smem:$0x3FB6];
	_ =	sdelay $0x3  }
0x37: {  	[smem:$0x3FB6] =	sst s10  }
0x38: {  	s10 =	sld [smem:$0x3FB7]  }
0x39: {  	_ = 	snop;
	(pc) =	sbr.ind lr, $3  }
0x3a: {  	_ = 	snop  }
0x3b: {  	_ = 	snop  }
0x3c: {  	p2 =	seq.s32 s10, $0x1;
	s10 =	sld [smem:$0x3FB6]  }
0x3d: {  	_ =	shalt  }
0x3e: {  	_ =	shalt  }
0x3f: {  	_ =	shalt  }
0x40: {  	_ =	shalt  }
0x41: {  	_ =	shalt  }
0x42: {  	_ =	shalt  }
0x43: {  	_ =	shalt  }
0x44: {  	_ =	shalt  }
0x45: {  	_ =	shalt  }
0x46: {  	_ =	shalt  }
0x47: {  	_ =	shalt  }
0x48: {  	_ =	shalt  }
0x49: {  	_ =	shalt  }
0x4a: {  	_ =	shalt  }
0x4b: {  	_ =	shalt  }
0x4c: {  	_ =	shalt  }
0x4d: {  	_ =	shalt  }
0x4e: {  	_ =	shalt  }
0x4f: {  	_ =	shalt  }
0x50: {  	_ =	shalt  }
0x51: {  	_ =	shalt  }
0x52: {  	_ =	shalt  }
0x53: {  	_ =	shalt  }
0x54: {  	_ =	shalt  }
0x55: {  	_ =	shalt  }
0x56: {  	_ =	shalt  }
0x57: {  	_ =	shalt  }
0x58: {  	_ =	shalt  }
0x59: {  	_ =	shalt  }
0x5a: {  	_ =	shalt  }
0x5b: {  	_ =	shalt  }
0x5c: {  	_ =	shalt  }
0x5d: {  	_ =	shalt  }
0x5e: {  	_ =	shalt  }
0x5f: {  	_ =	shalt  }
0x60: {  	_ =	shalt  }
0x61: {  	_ =	shalt  }
0x62: {  	_ =	shalt  }
0x63: {  	_ =	shalt  }
0x64: {  	_ =	shalt  }
0x65: {  	_ =	shalt  }
0x66: {  	_ =	shalt  }
0x67: {  	_ =	shalt  }
0x68: {  	_ =	shalt  }
0x69: {  	_ =	shalt  }
0x6a: {  	_ =	shalt  }
0x6b: {  	_ =	shalt  }
0x6c: {  	_ =	shalt  }
0x6d: {  	_ =	shalt  }
0x6e: {  	_ =	shalt  }
0x6f: {  	_ =	shalt  }
0x70: {  	_ =	shalt  }
0x71: {  	_ =	shalt  }
0x72: {  	_ =	shalt  }
0x73: {  	_ =	shalt  }
0x74: {  	_ =	shalt  }
0x75: {  	_ =	shalt  }
0x76: {  	_ =	shalt  }
0x77: {  	_ =	shalt  }
0x78: {  	_ =	shalt  }
0x79: {  	_ =	shalt  }
0x7a: {  	_ =	shalt  }
0x7b: {  	_ =	shalt  }
0x7c: {  	_ =	shalt  }
0x7d: {  	_ =	shalt  }
0x7e: {  	_ =	shalt  }
0x7f: {  	_ =	shalt  }
0x80: {  	_ =	shalt  }
0x81: {  	_ =	shalt  }
0x82: {  	_ =	shalt  }
0x83: {  	_ =	shalt  }
0x84: {  	_ =	shalt  }
0x85: {  	_ =	shalt  }
0x86: {  	_ =	shalt  }
0x87: {  	_ =	shalt  }
.Lfunc_end0:
.L_simem_size_0:
called_computation.2_lowered:
.L_overlay_start_0:
0x88: {  	s2 =	sld [smem:$0x3FD9]  }
0x89: {  	s3 =	sld [smem:$0x3FFE];
	_ =	sdelay $0x1  }
0x8a: {  	s1 =	srdreg.scid  }
0x8b: {  	s0 =	sand.u32 $0x1, s1  }
0x8c: {  	s17 =	sshll.u32 s0, $0xA;
	s2 =	sadd.s32 s3, s2  }
0x8d: {  	s2 =	sadd.s32 s2, s17  }
0x8e: {  	[smem:$0x3FC2] =	sst s2  }
0x8f: {  	_ = 	snop  }
0x90: {  	s2 =	sld [smem:$0x3FD0];
	(tm) =	ssettm $0x1  }
0x91: {  	s18 =	sld [smem:$0x3FFB];
	_ =	sdelay $0x3  }
0x92: {  	_ =	strace s18  }
0x93: {  	s3 =	sld [smem:$0x3FFC];
	_ =	sdelay $0x3  }
0x94: {  	_ =	strace s3  }
0x95: {  	s3 =	sld [smem:$0x3FFD];
	_ =	sdelay $0x3  }
0x96: {  	_ =	strace s3  }
0x97: {  	_ =	strace $0x8FFFFFFF  }
0x98: {  	s19 =	sld [smem:$0x3FDB];
	_ =	sdelay $0x1  }
0x99: {  	s4 =	simm.s32 $_scs_section_size  }
0x9a: {  	s5 =	simm.s32 $_size__tile_overlayer_lowered;
	s6 =	simm.s32 $_tile_overlayer_lowered  }
0x9b: {  	s22 =	simm.s32 $0x1BFF;
	s21 =	sshll.u32 s6, $0x1;
	s3 =	sadd.s32 s4, s19  }
0x9c: {  	s7 =	simm.s32 $0x0;
	s20 =	sshll.u32 s5, $0x1;
	s5 =	sadd.s32 s21, s3  }
0x9d: {  	[timem:s7], [sflag:s22] =	dma.local [hbm:s5], s20  }
0x9e: {  	_ =	swait.ge [sflag:s22], s20  }
0x9f: {  	s4 =	ssub.s32 $0x0, s20;
	[sflag:s22] =	ssyncset.done $0x0  }
0xa0: {  	[sflag:s22] =	ssyncadd.s32 s4;
	_ =	sdelay $0x1  }
0xa1: {  	s23 =	simm.s32 $0x1B8B  }
0xa2: {  	_ =	swait.ge [sflag:s23], $0x1  }
0xa3: {  	[sflag:s23] =	ssyncset.done $0x0  }
0xa4: {  	s25 =	simm.s32 $0x1B8E;
	s24 =	sld [smem:$0x3FFE];
	[sflag:s23] =	ssyncadd.s32 $0xFFFFFFFF  }
0xa5: {  	s26 =	simm.s32 $execute0_lowered;
	[smem:$0x3FD2] =	sst s25  }
0xa6: {  	s5 =	sshll.u32 s26, $0x1;
	_ =	strace $0x8000004C;
	[dreg:$0x1] =	wrdreg $0xFFFFFFFF  }
0xa7: {  	s28 =	simm.s32 $_size_execute0_lowered;
	s3 =	sadd.s32 s3, s5;
	[dreg:$0x0] =	wrdreg $0x0  }
0xa8: {  	s5 =	sshll.u32 s28, $0x1;
	[dreg:$0x2] =	wrdreg s3  }
0xa9: {  	[dreg:$0x3] =	wrdreg s5  }
0xaa: {  	[dreg:$0x4] =	wrdreg $0xC0  }
0xab: {  	_ =	task [dreg:s7], $0x5FFFF  }
0xac: {  	[dreg:$0x1] =	wrdreg $0xFFFFFFFF  }
0xad: {  	[dreg:$0x0] =	wrdreg $0x60  }
0xae: {  	[dreg:$0x2] =	wrdreg s24  }
0xaf: {  	[dreg:$0x3] =	wrdreg s2  }
0xb0: {  	[dreg:$0x4] =	wrdreg $0x84D00  }
0xb1: {  	[dreg:$0x5] =	wrdreg $0x9  }
0xb2: {  	_ =	task.clear_ibuf [dreg:s7], $0x6FFFF;
	_ =	strace $0x9000004C  }
0xb3: {  	s29 =	simm.s32 $0x9;
	_ =	strace $0x8000004E  }
0xb4: {  	_ =	swait.ge [sflag:s29], $0x1  }
0xb5: {  	[sflag:s29] =	ssyncadd.s32 $0xFFFFFFFF  }
0xb6: {  	_ =	strace $0x9000004E  }
0xb7: {  	_ =	sfence  }
0xb8: {  	s30 =	sld [smem:$0x0];
	_ =	sdelay $0x2  }
0xb9: {  	s31 =	sshll.u32 s1, $0xD;
	s1 =	sshrl.u32 s1, $0x2  }
0xba: {  	s3 =	sand.u32 $0x4000, s31;
	s1 =	sadd.s32 s1, s30  }
0xbb: {  	s0 =	sor.u32 s3, s0;
	s1 =	sshll.u32 s1, $0x11  }
0xbc: {  	s0 =	sor.u32 s1, s0  }
0xbd: {  	s0 =	sadd.s32 $0x8F2B, s0  }
0xbe: {  	[sflag:s0] =	ssyncadd.remote.s32 $0x1  }
0xbf: {  	_ =	sfence.sel $0xFFFF  }
0xc0: {  	[dreg:$0x0] =	wrdreg $0xFFFFFFFF;
	(pc) =	sbr.abs _section_cstart, $3  }
0xc1: {  	[dreg:$0x1] =	wrdreg $0xFFFFFFFF  }
0xc2: {  	_ =	task.clear_ibuf [dreg:s7], $0x2FFFF;
	_ =	strace $0x9FFFFFFF  }
0xc3: {  	(tm) =	ssettm $0x7FFFFFFF  }
tec
execute0_lowered:
.L_overlay_start_1:
0x0: {  	(tag) =	ssettag $0x1  }
0x1: {  	s11 =	rddreg [dreg:$0x0]  }
0x2: {  	s22 =	rddreg [dreg:$0x1]  }
0x3: {  	s2 =	rddreg [dreg:$0x2]  }
0x4: {  	s1 =	stileid.u32;
	s0 =	rddreg [dreg:$0x3]  }
0x5: {  	s3 =	simm.s32 $0x0;
	s5 =	srdreg.scid;
	s4 =	smul.u32 $0x278, s1  }
0x6: {  	[smem:$0x7FF] =	sst s3;
	s24 =	sand.u32 $0x1, s5;
	s28 =	sshll.u32 s1, $0x6  }
0x7: {  	_ =	strace $0x8000004D;
	s5 =	sshll.u32 s24, $0x4;
	s4 =	smin.u32 s4, $0x2498  }
0x8: {  	s8 =	sor.u32 s1, s5;
	s6 =	sshll.u32 s4, $0x2;
	s23 =	sshll.u32 s4, $0x5  }
0x9: {  	s5 =	sor.u32 $0x1C02, s28;
	s25 =	sadd.s32 s6, s11;
	s26 =	sadd.s32 s23, s2  }
0xa: {  	s6 =	simm.s32 $0x2;
	s4 =	sadd.s32 $0x14E00, s25;
	s7 =	sshrl.u32 s26, $0x3  }
0xb: {  	[spmem:s7], [sflag:s5] =	dma.local [hbm:s4], $0x9E0  }
0xc: {  	s18 =	smul.u32 $0x1388, s8;
	_ =	swait.ge [sflag:s6], $0x9E0  }
0xd: {  	[sflag:s6] =	ssyncset.done $0x0  }
0xe: {  	s20 =	sadd.s32 $0x1000, s11;
	s25 =	sshrl.u32 s18, $0x3;
	[sflag:s6] =	ssyncadd.s32 $0xFFFFF620  }
0xf: {  	s8 =	sadd.s32 s20, s25;
	[bflag:$0x0] =	sbarrier.arrive $0xFFFF  }
0x10: {  	[tilespmem:s3], [sflag:$0x2] =	stream.linear.gather [hbm4b:s8+s3], $0x3E8, $0x38;
	[tilespmem:$0xD2F0] =	vst v63  }
0x11: {  	_ =	swait.ge [sflag:s6], $0x3E8  }
0x12: {  	s21 =	sadd.s32 $0x6000, s11;
	[sflag:s6] =	ssyncset.done $0x0  }
0x13: {  	s10 =	simm.s32 $0x3E8;
	s9 =	sadd.s32 s21, s25;
	[sflag:s6] =	ssyncadd.s32 $0xFFFFFC18  }
0x14: {  	[tilespmem:s10], [sflag:$0x2] =	stream.linear.gather [hbm4b:s9+s3], $0x3E8, $0x38;
	[tilespmem:$0xD2F0] =	vst v63  }
0x15: {  	_ =	swait.ge [sflag:s6], $0x3E8  }
0x16: {  	s12 =	simm.s32 $0x7D0;
	[sflag:s6] =	ssyncset.done $0x0  }
0x17: {  	s13 =	simm.s32 $0x1;
	s11 =	sadd.s32 $0xB000, s11;
	[sflag:s6] =	ssyncadd.s32 $0xFFFFFC18  }
0x18: {  	[tilespmem:s12], [sflag:$0x1] =	stream.indirect.gather [hbm4b:s11+s10], $0x20, s3, s10, $0xb8;
	[tilespmem:$0xD2F0] =	vst v63  }
0x19: {  	_ =	swait.ge [sflag:s13], $0x7D00  }
0x1a: {  	[sflag:s13] =	ssyncset.done $0x0  }
0x1b: {  	[sflag:s13] =	ssyncadd.s32 $0xFFFF8300  }
0x1c: {  	[spmem:s2] =	stream.indirect.scatter.add.f32 [tilespmem:s12], [sflag:$0x2], $0x20, s10, s10, $0xb8;
	[tilespmem:$0xD2F0] =	vst v63  }
0x1d: {  	s14 =	sadd.s32 $0x3E8, s18;
	_ =	swait.ge [sflag:s6], $0x7D00  }
0x1e: {  	s15 =	sshrl.u32 s14, $0x3;
	[sflag:s6] =	ssyncset.done $0x0  }
0x1f: {  	s14 =	sadd.s32 s20, s15;
	[sflag:s6] =	ssyncadd.s32 $0xFFFF8300  }
0x20: {  	[tilespmem:s3], [sflag:$0x2] =	stream.linear.gather [hbm4b:s14+s3], $0x3E8, $0x38;
	[tilespmem:$0xD2F0] =	vst v63  }
0x21: {  	_ =	swait.ge [sflag:s6], $0x3E8  }
0x22: {  	[sflag:s6] =	ssyncset.done $0x0  }
0x23: {  	s15 =	sadd.s32 s21, s15;
	[sflag:s6] =	ssyncadd.s32 $0xFFFFFC18  }
0x24: {  	[tilespmem:s10], [sflag:$0x2] =	stream.linear.gather [hbm4b:s15+s3], $0x3E8, $0x38;
	[tilespmem:$0xD2F0] =	vst v63  }
0x25: {  	_ =	swait.ge [sflag:s6], $0x3E8  }
0x26: {  	[sflag:s6] =	ssyncset.done $0x0  }
0x27: {  	[sflag:s6] =	ssyncadd.s32 $0xFFFFFC18  }
0x28: {  	[tilespmem:s12], [sflag:$0x1] =	stream.indirect.gather [hbm4b:s11+s10], $0x20, s3, s10, $0xb8;
	[tilespmem:$0xD2F0] =	vst v63  }
0x29: {  	_ =	swait.ge [sflag:s13], $0x7D00  }
0x2a: {  	[sflag:s13] =	ssyncset.done $0x0  }
0x2b: {  	[sflag:s13] =	ssyncadd.s32 $0xFFFF8300  }
0x2c: {  	[spmem:s2] =	stream.indirect.scatter.add.f32 [tilespmem:s12], [sflag:$0x2], $0x20, s10, s10, $0xb8;
	[tilespmem:$0xD2F0] =	vst v63  }
0x2d: {  	_ =	swait.ge [sflag:s6], $0x7D00  }
0x2e: {  	s17 =	sadd.s32 $0xFA, s25;
	[sflag:s6] =	ssyncset.done $0x0  }
0x2f: {  	s16 =	sadd.s32 s20, s17;
	[sflag:s6] =	ssyncadd.s32 $0xFFFF8300  }
0x30: {  	[tilespmem:s3], [sflag:$0x2] =	stream.linear.gather [hbm4b:s16+s3], $0x3E8, $0x38;
	[tilespmem:$0xD2F0] =	vst v63  }
0x31: {  	_ =	swait.ge [sflag:s6], $0x3E8  }
0x32: {  	[sflag:s6] =	ssyncset.done $0x0  }
0x33: {  	s17 =	sadd.s32 s21, s17;
	[sflag:s6] =	ssyncadd.s32 $0xFFFFFC18  }
0x34: {  	[tilespmem:s10], [sflag:$0x2] =	stream.linear.gather [hbm4b:s17+s3], $0x3E8, $0x38;
	[tilespmem:$0xD2F0] =	vst v63  }
0x35: {  	_ =	swait.ge [sflag:s6], $0x3E8  }
0x36: {  	[sflag:s6] =	ssyncset.done $0x0  }
0x37: {  	[sflag:s6] =	ssyncadd.s32 $0xFFFFFC18  }
0x38: {  	[tilespmem:s12], [sflag:$0x1] =	stream.indirect.gather [hbm4b:s11+s10], $0x20, s3, s10, $0xb8;
	[tilespmem:$0xD2F0] =	vst v63  }
0x39: {  	_ =	swait.ge [sflag:s13], $0x7D00  }
0x3a: {  	[sflag:s13] =	ssyncset.done $0x0  }
0x3b: {  	[sflag:s13] =	ssyncadd.s32 $0xFFFF8300  }
0x3c: {  	[spmem:s2] =	stream.indirect.scatter.add.f32 [tilespmem:s12], [sflag:$0x2], $0x20, s10, s10, $0xb8;
	[tilespmem:$0xD2F0] =	vst v63  }
0x3d: {  	s18 =	sadd.s32 $0xBB8, s18;
	_ =	swait.ge [sflag:s6], $0x7D00  }
0x3e: {  	s19 =	sshrl.u32 s18, $0x3;
	[sflag:s6] =	ssyncset.done $0x0  }
0x3f: {  	s18 =	sadd.s32 s20, s19;
	[sflag:s6] =	ssyncadd.s32 $0xFFFF8300  }
0x40: {  	[tilespmem:s3], [sflag:$0x2] =	stream.linear.gather [hbm4b:s18+s3], $0x3E8, $0x38;
	[tilespmem:$0xD2F0] =	vst v63  }
0x41: {  	_ =	swait.ge [sflag:s6], $0x3E8  }
0x42: {  	[sflag:s6] =	ssyncset.done $0x0  }
0x43: {  	s19 =	sadd.s32 s21, s19;
	[sflag:s6] =	ssyncadd.s32 $0xFFFFFC18  }
0x44: {  	[tilespmem:s10], [sflag:$0x2] =	stream.linear.gather [hbm4b:s19+s3], $0x3E8, $0x38;
	[tilespmem:$0xD2F0] =	vst v63  }
0x45: {  	_ =	swait.ge [sflag:s6], $0x3E8  }
0x46: {  	[sflag:s6] =	ssyncset.done $0x0  }
0x47: {  	[sflag:s6] =	ssyncadd.s32 $0xFFFFFC18  }
0x48: {  	[tilespmem:s12], [sflag:$0x1] =	stream.indirect.gather [hbm4b:s11+s10], $0x20, s3, s10, $0xb8;
	[tilespmem:$0xD2F0] =	vst v63  }
0x49: {  	_ =	swait.ge [sflag:s13], $0x7D00  }
0x4a: {  	[sflag:s13] =	ssyncset.done $0x0  }
0x4b: {  	[sflag:s13] =	ssyncadd.s32 $0xFFFF8300  }
0x4c: {  	[spmem:s2] =	stream.indirect.scatter.add.f32 [tilespmem:s12], [sflag:$0x2], $0x20, s10, s10, $0xb8;
	[tilespmem:$0xD2F0] =	vst v63  }
0x4d: {  	_ =	swait.ge [sflag:s6], $0x7D00  }
0x4e: {  	s25 =	sadd.s32 $0x1F4, s25;
	[sflag:s6] =	ssyncset.done $0x0  }
0x4f: {  	s20 =	sadd.s32 s20, s25;
	[sflag:s6] =	ssyncadd.s32 $0xFFFF8300  }
0x50: {  	[tilespmem:s3], [sflag:$0x2] =	stream.linear.gather [hbm4b:s20+s3], $0x3E8, $0x38;
	[tilespmem:$0xD2F0] =	vst v63  }
0x51: {  	_ =	swait.ge [sflag:s6], $0x3E8  }
0x52: {  	[sflag:s6] =	ssyncset.done $0x0  }
0x53: {  	s21 =	sadd.s32 s21, s25;
	[sflag:s6] =	ssyncadd.s32 $0xFFFFFC18  }
0x54: {  	[tilespmem:s10], [sflag:$0x2] =	stream.linear.gather [hbm4b:s21+s3], $0x3E8, $0x38;
	[tilespmem:$0xD2F0] =	vst v63  }
0x55: {  	_ =	swait.ge [sflag:s6], $0x3E8  }
0x56: {  	[sflag:s6] =	ssyncset.done $0x0  }
0x57: {  	[sflag:s6] =	ssyncadd.s32 $0xFFFFFC18  }
0x58: {  	[tilespmem:s12], [sflag:$0x1] =	stream.indirect.gather [hbm4b:s11+s10], $0x20, s3, s10, $0xb8;
	[tilespmem:$0xD2F0] =	vst v63  }
0x59: {  	s29 =	smul.u32 $0x4E200, s24;
	s24 =	ssub.s32 $0x2, s24;
	_ =	swait.ge [sflag:s13], $0x7D00  }
0x5a: {  	s30 =	sshrl.u32 s24, $0x1;
	[sflag:s13] =	ssyncset.done $0x0  }
0x5b: {  	s24 =	ssub.s32 s24, s30;
	[sflag:s13] =	ssyncadd.s32 $0xFFFF8300  }
0x5c: {  	[spmem:s2] =	stream.indirect.scatter.add.f32 [tilespmem:s12], [sflag:$0x2], $0x20, s10, s10, $0xb8;
	[tilespmem:$0xD2F0] =	vst v63  }
0x5d: {  	s31 =	smax.u32 s24, $0x1;
	_ =	swait.ge [sflag:s6], $0x7D00  }
0x5e: {  	s23 =	sadd.s32 s29, s23;
	p0 =	sne.s32 s31, $0x1;
	[sflag:s6] =	ssyncset.done $0x0  }
.Ltmp0:
0x5f: {  	s23 =	sshrl.u32 s23, $0x3;
	[sflag:s6] =	ssyncadd.s32 $0xFFFF8300;
	(pc) =	sbr.rel @!p0 .LBB2_2-.Ltmp0, $4  }
0x60: {  	s22 =	sadd.s32 s22, s23;
	[bflag:$0x0] =	sbarrier.arrive $0xFFFF  }
0x61: {  	[hbm:s22], [sflag:s5] =	dma.local [spmem:s7], $0x9E0  }
0x62: {  	_ =	swait.ge [sflag:s6], $0x9E0  }
0x63: {  	s23 =	sadd.s32 $0xFFFFFFFF, s31;
	[sflag:s6] =	ssyncset.done $0x0  }
.LBB2_1:
0x64: {  	p0 =	sne.s32 s23, $0x1;
	s23 =	sadd.s32 $0xFFFFFFFF, s23;
	[sflag:s6] =	ssyncadd.s32 $0xFFFFF620  }
0x65: {  	[spmem:s7], [sflag:s5] =	dma.local [hbm:s4], $0x9E0  }
0x66: {  	_ =	swait.ge [sflag:s6], $0x9E0  }
0x67: {  	[sflag:s6] =	ssyncset.done $0x0  }
0x68: {  	[sflag:s6] =	ssyncadd.s32 $0xFFFFF620  }
0x69: {  	[bflag:$0x0] =	sbarrier.arrive $0xFFFF  }
0x6a: {  	[tilespmem:s3], [sflag:$0x2] =	stream.linear.gather [hbm4b:s8+s3], $0x3E8, $0x38;
	[tilespmem:$0xD2F0] =	vst v63  }
0x6b: {  	_ =	swait.ge [sflag:s6], $0x3E8  }
0x6c: {  	[sflag:s6] =	ssyncset.done $0x0  }
0x6d: {  	[sflag:s6] =	ssyncadd.s32 $0xFFFFFC18  }
0x6e: {  	[tilespmem:s10], [sflag:$0x2] =	stream.linear.gather [hbm4b:s9+s3], $0x3E8, $0x38;
	[tilespmem:$0xD2F0] =	vst v63  }
0x6f: {  	_ =	swait.ge [sflag:s6], $0x3E8  }
0x70: {  	[sflag:s6] =	ssyncset.done $0x0  }
0x71: {  	[sflag:s6] =	ssyncadd.s32 $0xFFFFFC18  }
0x72: {  	[tilespmem:s12], [sflag:$0x1] =	stream.indirect.gather [hbm4b:s11+s10], $0x20, s3, s10, $0xb8;
	[tilespmem:$0xD2F0] =	vst v63  }
0x73: {  	_ =	swait.ge [sflag:s13], $0x7D00  }
0x74: {  	[sflag:s13] =	ssyncset.done $0x0  }
0x75: {  	[sflag:s13] =	ssyncadd.s32 $0xFFFF8300  }
0x76: {  	[spmem:s2] =	stream.indirect.scatter.add.f32 [tilespmem:s12], [sflag:$0x2], $0x20, s10, s10, $0xb8;
	[tilespmem:$0xD2F0] =	vst v63  }
0x77: {  	_ =	swait.ge [sflag:s6], $0x7D00  }
0x78: {  	[sflag:s6] =	ssyncset.done $0x0  }
0x79: {  	[sflag:s6] =	ssyncadd.s32 $0xFFFF8300  }
0x7a: {  	[tilespmem:s3], [sflag:$0x2] =	stream.linear.gather [hbm4b:s14+s3], $0x3E8, $0x38;
	[tilespmem:$0xD2F0] =	vst v63  }
0x7b: {  	_ =	swait.ge [sflag:s6], $0x3E8  }
0x7c: {  	[sflag:s6] =	ssyncset.done $0x0  }
0x7d: {  	[sflag:s6] =	ssyncadd.s32 $0xFFFFFC18  }
0x7e: {  	[tilespmem:s10], [sflag:$0x2] =	stream.linear.gather [hbm4b:s15+s3], $0x3E8, $0x38;
	[tilespmem:$0xD2F0] =	vst v63  }
0x7f: {  	_ =	swait.ge [sflag:s6], $0x3E8  }
0x80: {  	[sflag:s6] =	ssyncset.done $0x0  }
0x81: {  	[sflag:s6] =	ssyncadd.s32 $0xFFFFFC18  }
0x82: {  	[tilespmem:s12], [sflag:$0x1] =	stream.indirect.gather [hbm4b:s11+s10], $0x20, s3, s10, $0xb8;
	[tilespmem:$0xD2F0] =	vst v63  }
0x83: {  	_ =	swait.ge [sflag:s13], $0x7D00  }
0x84: {  	[sflag:s13] =	ssyncset.done $0x0  }
0x85: {  	[sflag:s13] =	ssyncadd.s32 $0xFFFF8300  }
0x86: {  	[spmem:s2] =	stream.indirect.scatter.add.f32 [tilespmem:s12], [sflag:$0x2], $0x20, s10, s10, $0xb8;
	[tilespmem:$0xD2F0] =	vst v63  }
0x87: {  	_ =	swait.ge [sflag:s6], $0x7D00  }
0x88: {  	[sflag:s6] =	ssyncset.done $0x0  }
0x89: {  	[sflag:s6] =	ssyncadd.s32 $0xFFFF8300  }
0x8a: {  	[tilespmem:s3], [sflag:$0x2] =	stream.linear.gather [hbm4b:s16+s3], $0x3E8, $0x38;
	[tilespmem:$0xD2F0] =	vst v63  }
0x8b: {  	_ =	swait.ge [sflag:s6], $0x3E8  }
0x8c: {  	[sflag:s6] =	ssyncset.done $0x0  }
0x8d: {  	[sflag:s6] =	ssyncadd.s32 $0xFFFFFC18  }
0x8e: {  	[tilespmem:s10], [sflag:$0x2] =	stream.linear.gather [hbm4b:s17+s3], $0x3E8, $0x38;
	[tilespmem:$0xD2F0] =	vst v63  }
0x8f: {  	_ =	swait.ge [sflag:s6], $0x3E8  }
0x90: {  	[sflag:s6] =	ssyncset.done $0x0  }
0x91: {  	[sflag:s6] =	ssyncadd.s32 $0xFFFFFC18  }
0x92: {  	[tilespmem:s12], [sflag:$0x1] =	stream.indirect.gather [hbm4b:s11+s10], $0x20, s3, s10, $0xb8;
	[tilespmem:$0xD2F0] =	vst v63  }
0x93: {  	_ =	swait.ge [sflag:s13], $0x7D00  }
0x94: {  	[sflag:s13] =	ssyncset.done $0x0  }
0x95: {  	[sflag:s13] =	ssyncadd.s32 $0xFFFF8300  }
0x96: {  	[spmem:s2] =	stream.indirect.scatter.add.f32 [tilespmem:s12], [sflag:$0x2], $0x20, s10, s10, $0xb8;
	[tilespmem:$0xD2F0] =	vst v63  }
0x97: {  	_ =	swait.ge [sflag:s6], $0x7D00  }
0x98: {  	[sflag:s6] =	ssyncset.done $0x0  }
0x99: {  	[sflag:s6] =	ssyncadd.s32 $0xFFFF8300  }
0x9a: {  	[tilespmem:s3], [sflag:$0x2] =	stream.linear.gather [hbm4b:s18+s3], $0x3E8, $0x38;
	[tilespmem:$0xD2F0] =	vst v63  }
0x9b: {  	_ =	swait.ge [sflag:s6], $0x3E8  }
0x9c: {  	[sflag:s6] =	ssyncset.done $0x0  }
0x9d: {  	[sflag:s6] =	ssyncadd.s32 $0xFFFFFC18  }
0x9e: {  	[tilespmem:s10], [sflag:$0x2] =	stream.linear.gather [hbm4b:s19+s3], $0x3E8, $0x38;
	[tilespmem:$0xD2F0] =	vst v63  }
0x9f: {  	_ =	swait.ge [sflag:s6], $0x3E8  }
0xa0: {  	[sflag:s6] =	ssyncset.done $0x0  }
0xa1: {  	[sflag:s6] =	ssyncadd.s32 $0xFFFFFC18  }
0xa2: {  	[tilespmem:s12], [sflag:$0x1] =	stream.indirect.gather [hbm4b:s11+s10], $0x20, s3, s10, $0xb8;
	[tilespmem:$0xD2F0] =	vst v63  }
0xa3: {  	_ =	swait.ge [sflag:s13], $0x7D00  }
0xa4: {  	[sflag:s13] =	ssyncset.done $0x0  }
0xa5: {  	[sflag:s13] =	ssyncadd.s32 $0xFFFF8300  }
0xa6: {  	[spmem:s2] =	stream.indirect.scatter.add.f32 [tilespmem:s12], [sflag:$0x2], $0x20, s10, s10, $0xb8;
	[tilespmem:$0xD2F0] =	vst v63  }
0xa7: {  	_ =	swait.ge [sflag:s6], $0x7D00  }
0xa8: {  	[sflag:s6] =	ssyncset.done $0x0  }
0xa9: {  	[sflag:s6] =	ssyncadd.s32 $0xFFFF8300  }
0xaa: {  	[tilespmem:s3], [sflag:$0x2] =	stream.linear.gather [hbm4b:s20+s3], $0x3E8, $0x38;
	[tilespmem:$0xD2F0] =	vst v63  }
0xab: {  	_ =	swait.ge [sflag:s6], $0x3E8  }
0xac: {  	[sflag:s6] =	ssyncset.done $0x0  }
0xad: {  	[sflag:s6] =	ssyncadd.s32 $0xFFFFFC18  }
0xae: {  	[tilespmem:s10], [sflag:$0x2] =	stream.linear.gather [hbm4b:s21+s3], $0x3E8, $0x38;
	[tilespmem:$0xD2F0] =	vst v63  }
0xaf: {  	_ =	swait.ge [sflag:s6], $0x3E8  }
0xb0: {  	[sflag:s6] =	ssyncset.done $0x0  }
0xb1: {  	[sflag:s6] =	ssyncadd.s32 $0xFFFFFC18  }
0xb2: {  	[tilespmem:s12], [sflag:$0x1] =	stream.indirect.gather [hbm4b:s11+s10], $0x20, s3, s10, $0xb8;
	[tilespmem:$0xD2F0] =	vst v63  }
0xb3: {  	_ =	swait.ge [sflag:s13], $0x7D00  }
0xb4: {  	[sflag:s13] =	ssyncset.done $0x0  }
0xb5: {  	[sflag:s13] =	ssyncadd.s32 $0xFFFF8300  }
0xb6: {  	[spmem:s2] =	stream.indirect.scatter.add.f32 [tilespmem:s12], [sflag:$0x2], $0x20, s10, s10, $0xb8;
	[tilespmem:$0xD2F0] =	vst v63  }
0xb7: {  	_ =	swait.ge [sflag:s6], $0x7D00  }
0xb8: {  	[sflag:s6] =	ssyncset.done $0x0  }
.Ltmp1:
0xb9: {  	[sflag:s6] =	ssyncadd.s32 $0xFFFF8300;
	(pc) =	sbr.rel @p0 .LBB2_1-.Ltmp1, $4  }
0xba: {  	[bflag:$0x0] =	sbarrier.arrive $0xFFFF  }
0xbb: {  	[hbm:s22], [sflag:s5] =	dma.local [spmem:s7], $0x9E0  }
0xbc: {  	_ =	swait.ge [sflag:s6], $0x9E0  }
0xbd: {  	[sflag:s6] =	ssyncset.done $0x0  }
.LBB2_2:
0xbe: {  	[sflag:s6] =	ssyncadd.s32 $0xFFFFF620  }
0xbf: {  	_ =	sfence.sel $0x180000  }
0xc0: {  	[bflag:$0x0] =	sbarrier.arrive $0xFFFF  }
0xc1: {  	p0 =	sne.s32 s1, $0x0;
	_ =	strace $0x9000004D  }
0xc2: {  	s0 =	sadd.s32 @!p0 $0x100000, s0;
	[bflag:$0x2] =	sbarrier.arrive $0xFFFF  }
0xc3: {  	[sflag:s0] =	ssyncadd.tile.s32 @!p0 $0x1;
	_ =	shalt  }
.Lfunc_end2:
_tile_overlayer_lowered:
.L_overlay_start_2:
0xc4: {  	(tag) =	ssettag $0x2  }
0xc5: {  	s0 =	rddreg [dreg:$0x0];
	s2 =	stileid.u32  }
0xc6: {  	s1 =	rddreg [dreg:$0x1];
	p0 =	sne.s32 s2, $0x0  }
0xc7: {  	s3 =	rddreg [dreg:$0x2];
	[bflag:$0x3] =	sbarrier.arrive $0xFFFF;
	s2 =	simm.s32 @!p0 $0x1C02  }
0xc8: {  	[timem:s3], [sflag:s2] =	dma.local @!p0 [hbm:s0], s1  }
0xc9: {  	s0 =	simm.s32 @!p0 $0x2  }
0xca: {  	_ =	swait.ge @!p0 [sflag:s0], s1  }
0xcb: {  	s1 =	ssub.s32 @!p0 $0x0, s1;
	[sflag:s0] =	ssyncset.done @!p0 $0x0  }
0xcc: {  	[sflag:s0] =	ssyncadd.s32 @!p0 s1  }
0xcd: {  	[bflag:$0x3] =	sbarrier.arrive $0xFFFF  }
0xce: {  	_ =	shalt  }

</sc_bundles>
